<compile_context>
chip_gen: v7x
topology: tpu7x:2x2x1
jax: 0.10.2.dev20260603
libtpu: 0.0.44.dev20260713+nightly
codegen_flags: <defaults>
</compile_context>

<pallas_src>
import functools

import jax
import jax.numpy as jnp
from jax import lax
from jax.experimental import pallas as pl
from jax.experimental.pallas import tpu as pltpu
from jax.experimental.pallas import tpu_sc as plsc

B = 16384
F = 100
NC = 2
NS = 16
NW = NC * NS
RPW = B // NW
L = 16
NCHUNK = 10
CF = F // NCHUNK
CVALS = CF * RPW

_mesh = plsc.VectorSubcoreMesh(core_axis_name="c", subcore_axis_name="s")

_scratch = (
    [pltpu.VMEM((CVALS,), jnp.int32) for _ in range(NCHUNK)]
    + [pltpu.VMEM((CVALS,), jnp.float32) for _ in range(NCHUNK)]
    + [
        pltpu.VMEM((RPW,), jnp.float32),
        pltpu.SemaphoreType.DMA,
        pltpu.SemaphoreType.DMA,
    ]
)


@functools.partial(
    pl.kernel,
    mesh=_mesh,
    out_type=jax.ShapeDtypeStruct((B,), jnp.float32),
    scratch_types=_scratch,
)
def _lookup_sum_sigmoid(xt_hbm, table_hbm, out_hbm, *refs):
    idx_refs = refs[:NCHUNK]
    val_refs = refs[NCHUNK:2 * NCHUNK]
    out_v, idx_sem, gat_sem = refs[2 * NCHUNK:]
    table_1d = table_hbm.at[0]

    wid = lax.axis_index("s") * NC + lax.axis_index("c")
    base = wid * RPW

    def stage(k):
        def body(j, carry):
            pltpu.async_copy(
                xt_hbm.at[k * CF + j, pl.ds(base, RPW)],
                idx_refs[k].at[pl.ds(j * RPW, RPW)],
                idx_sem,
            )
            return carry

        lax.fori_loop(0, CF, body, 0)

    def drain_stage(k):
        def body(j, carry):
            pltpu.make_async_copy(
                xt_hbm.at[k * CF + j, pl.ds(base, RPW)],
                idx_refs[k].at[pl.ds(j * RPW, RPW)],
                idx_sem,
            ).wait()
            return carry

        lax.fori_loop(0, CF, body, 0)

    def reduce_chunk(k):
        vals = val_refs[k]
        last = k == NCHUNK - 1

        def body(g, carry):
            acc = vals[pl.ds(g * L, L)]
            for j in range(1, CF):
                acc = acc + vals[pl.ds(j * RPW + g * L, L)]
            if k == 0:
                out_v[pl.ds(g * L, L)] = acc
            elif last:
                s = out_v[pl.ds(g * L, L)] + acc
                out_v[pl.ds(g * L, L)] = 1.0 / (1.0 + jnp.exp(-s))
            else:
                out_v[pl.ds(g * L, L)] = out_v[pl.ds(g * L, L)] + acc
            return carry

        lax.fori_loop(0, RPW // L, body, 0)

    DEPTH = 4
    stage(0)
    for k in range(NCHUNK):
        drain_stage(k)
        pltpu.async_copy(table_1d.at[idx_refs[k]], val_refs[k], gat_sem)
        if k + 1 < NCHUNK:
            stage(k + 1)
        if k >= DEPTH - 1:
            j = k - (DEPTH - 1)
            pltpu.make_async_copy(
                table_1d.at[idx_refs[j]], val_refs[j], gat_sem
            ).wait()
            reduce_chunk(j)
    for j in range(NCHUNK - DEPTH + 1, NCHUNK):
        pltpu.make_async_copy(
            table_1d.at[idx_refs[j]], val_refs[j], gat_sem
        ).wait()
        reduce_chunk(j)

    pltpu.sync_copy(out_v, out_hbm.at[pl.ds(base, RPW)])


def kernel(x, table):
    xt = x.astype(jnp.int32).T
    out = _lookup_sum_sigmoid(xt, table.reshape(1, -1))
    return out.reshape(B, 1)

# --- scband reference (transcript-rebuilt; emitter-appended) ---
"""Pipeline reference for scband-lrftrl2-86955907875100 (READ-ONLY COPY).

The authoritative reference and input builder live on the scoring server;
editing this copy changes nothing except your own understanding.
"""

import jax, jax.numpy as jnp
import numpy as np

B = 16384
F = 100
VOCAB = 1000000
D = 1  # wide_embedding_dim

def setup_inputs(seed: int = 0) -> dict:
    key = jax.random.key(seed)
    k1, k2 = jax.random.split(key)
    # sparse feature indices: one hashed id per field
    x = jax.random.randint(k1, (B, F), 0, VOCAB, dtype=jnp.int64)
    # EmbeddingSumConcat table, NormalTensorInitializer(var=0.01) -> std=0.1
    table = jax.random.normal(k2, (VOCAB, D), dtype=jnp.float32) * np.sqrt(0.01)
    return {"x": x, "table": table}

def reference(x, table):
    # EmbeddingSumConcat: per-field lookup (single id per field here), concat across fields
    emb = jnp.take(table, x, axis=0)          # [B, F, D]
    wide_out = emb.reshape(B, F * D)          # [B, F*D] concat of per-field embeddings
    wide_out = jnp.sum(wide_out, axis=1, keepdims=True)  # [B, 1]
    return jax.nn.sigmoid(wide_out)

if __name__ == "__main__":
    import jax
    _d = setup_inputs()
    print(jax.jit(kernel)(*tuple(_d.values())))

</pallas_src>

<mosaic_0001>
#map = affine_map<(d0, d1) -> (0, 0)>
#map1 = affine_map<(d0, d1) -> (0)>
module attributes {stable_mosaic.version = 14 : i64} {
  func.func @_lookup_sum_sigmoid(%arg0: i32, %arg1: i32, %arg2: memref<100x16384xi32, #tpu.memory_space<hbm>>, %arg3: memref<1x1000000xf32, #tpu.memory_space<hbm>>, %arg4: memref<16384xf32, #tpu.memory_space<hbm>>, %arg5: memref<5120xi32, #tpu.memory_space<vmem>>, %arg6: memref<5120xi32, #tpu.memory_space<vmem>>, %arg7: memref<5120xi32, #tpu.memory_space<vmem>>, %arg8: memref<5120xi32, #tpu.memory_space<vmem>>, %arg9: memref<5120xi32, #tpu.memory_space<vmem>>, %arg10: memref<5120xi32, #tpu.memory_space<vmem>>, %arg11: memref<5120xi32, #tpu.memory_space<vmem>>, %arg12: memref<5120xi32, #tpu.memory_space<vmem>>, %arg13: memref<5120xi32, #tpu.memory_space<vmem>>, %arg14: memref<5120xi32, #tpu.memory_space<vmem>>, %arg15: memref<5120xf32, #tpu.memory_space<vmem>>, %arg16: memref<5120xf32, #tpu.memory_space<vmem>>, %arg17: memref<5120xf32, #tpu.memory_space<vmem>>, %arg18: memref<5120xf32, #tpu.memory_space<vmem>>, %arg19: memref<5120xf32, #tpu.memory_space<vmem>>, %arg20: memref<5120xf32, #tpu.memory_space<vmem>>, %arg21: memref<5120xf32, #tpu.memory_space<vmem>>, %arg22: memref<5120xf32, #tpu.memory_space<vmem>>, %arg23: memref<5120xf32, #tpu.memory_space<vmem>>, %arg24: memref<5120xf32, #tpu.memory_space<vmem>>, %arg25: memref<512xf32, #tpu.memory_space<vmem>>, %arg26: memref<!tpu.dma_semaphore, #tpu.memory_space<semaphore_mem>>, %arg27: memref<!tpu.dma_semaphore, #tpu.memory_space<semaphore_mem>>) attributes {dimension_semantics = [#tpu.dimension_semantics<core_parallel>, #tpu.dimension_semantics<subcore_parallel>], iteration_bounds = array<i64: 2, 16>, scalar_prefetch = 0 : i64, scratch_operands = 23 : i64, tpu.core_type = #tpu.core_type<sc_vector_subcore>, window_params = [{transform_indices = #map}, {transform_indices = #map}, {transform_indices = #map1}]} {
    %mul3A = arith.constant 2 : i32
    %mul3A_0 = arith.muli %arg1, %mul3A : i32
    %add3A = arith.addi %mul3A_0, %arg0 : i32
    %mul3A_1 = arith.constant 512 : i32
    %mul3A_2 = arith.muli %add3A, %mul3A_1 : i32
    %scan3A = arith.constant 0 : i32
    %scan3A_3 = arith.constant 0 : i32
    %scan3A_4 = arith.constant 10 : i32
    %scan3A_5 = arith.addi %scan3A_3, %scan3A_4 : i32
    %scan3A_6 = arith.constant 1 : i32
    scf.for %scan3A_300 = %scan3A_3 to %scan3A_5 step %scan3A_6  : i32 {
      %add3A_301 = arith.constant 0 : i32
      %add3A_302 = arith.addi %add3A_301, %scan3A_300 : i32
      %mul3A_303 = arith.constant 512 : i32
      %mul3A_304 = arith.muli %scan3A_300, %mul3A_303 : i32
      %dma_start3A_305 = tpu.memref_slice %arg5[%mul3A_304] : memref<5120xi32, #tpu.memory_space<vmem>> -> memref<512xi32, #tpu.memory_space<vmem>>
      %dma_start3A_306 = tpu.memref_slice %arg2[%add3A_302, %mul3A_2] : memref<100x16384xi32, #tpu.memory_space<hbm>> -> memref<1x512xi32, #tpu.memory_space<hbm>>
      %dma_start3A_307 = tpu.memref_squeeze %dma_start3A_306 : memref<1x512xi32, #tpu.memory_space<hbm>> -> memref<512xi32, #tpu.memory_space<hbm>>
      %dma_start3A_308 = tpu.memref_slice %arg5[%mul3A_304] : memref<5120xi32, #tpu.memory_space<vmem>> -> memref<512xi32, #tpu.memory_space<vmem>>
      %dma_start3A_309 = tpu.memref_slice %arg2[%add3A_302, %mul3A_2] : memref<100x16384xi32, #tpu.memory_space<hbm>> -> memref<1x512xi32, #tpu.memory_space<hbm>>
      %dma_start3A_310 = tpu.memref_squeeze %dma_start3A_309 : memref<1x512xi32, #tpu.memory_space<hbm>> -> memref<512xi32, #tpu.memory_space<hbm>>
      tpu.enqueue_dma source(%dma_start3A_310 : memref<512xi32, #tpu.memory_space<hbm>>) target(%dma_start3A_308 : memref<512xi32, #tpu.memory_space<vmem>>) target_semaphore(%arg26 : memref<!tpu.dma_semaphore, #tpu.memory_space<semaphore_mem>>)
    }
    %scan3A_7 = arith.constant 10 : i32
    %scan3A_8 = arith.constant 0 : i32
    %scan3A_9 = arith.constant 0 : i32
    %scan3A_10 = arith.constant 10 : i32
    %scan3A_11 = arith.addi %scan3A_9, %scan3A_10 : i32
    %scan3A_12 = arith.constant 1 : i32
    scf.for %scan3A_300 = %scan3A_9 to %scan3A_11 step %scan3A_12  : i32 {
      %add3A_301 = arith.constant 0 : i32
      %add3A_302 = arith.addi %add3A_301, %scan3A_300 : i32
      %mul3A_303 = arith.constant 512 : i32
      %mul3A_304 = arith.muli %scan3A_300, %mul3A_303 : i32
      %dma_wait3A_305 = tpu.memref_slice %arg5[%mul3A_304] : memref<5120xi32, #tpu.memory_space<vmem>> -> memref<512xi32, #tpu.memory_space<vmem>>
      %dma_wait3A_306 = tpu.memref_slice %arg2[%add3A_302, %mul3A_2] : memref<100x16384xi32, #tpu.memory_space<hbm>> -> memref<1x512xi32, #tpu.memory_space<hbm>>
      %dma_wait3A_307 = tpu.memref_squeeze %dma_wait3A_306 : memref<1x512xi32, #tpu.memory_space<hbm>> -> memref<512xi32, #tpu.memory_space<hbm>>
      %dma_wait3A_308 = tpu.memref_slice %arg5[%mul3A_304] : memref<5120xi32, #tpu.memory_space<vmem>> -> memref<512xi32, #tpu.memory_space<vmem>>
      %dma_wait3A_309 = tpu.memref_slice %arg2[%add3A_302, %mul3A_2] : memref<100x16384xi32, #tpu.memory_space<hbm>> -> memref<1x512xi32, #tpu.memory_space<hbm>>
      %dma_wait3A_310 = tpu.memref_squeeze %dma_wait3A_309 : memref<1x512xi32, #tpu.memory_space<hbm>> -> memref<512xi32, #tpu.memory_space<hbm>>
      tpu.wait_dma2 semaphore(%arg26 : memref<!tpu.dma_semaphore, #tpu.memory_space<semaphore_mem>>) src(%dma_wait3A_310 : memref<512xi32, #tpu.memory_space<hbm>>) dst(%dma_wait3A_308 : memref<512xi32, #tpu.memory_space<vmem>>)
    }
    %scan3A_13 = arith.constant 10 : i32
    %dma_start3A = arith.constant 0 : i32
    %dma_start3A_14 = arith.constant 0 : i32
    %dma_start3A_15 = tpu.memref_slice %arg3[%dma_start3A, %dma_start3A_14] : memref<1x1000000xf32, #tpu.memory_space<hbm>> -> memref<1x1000000xf32, #tpu.memory_space<hbm>>
    %dma_start3A_16 = tpu.memref_squeeze %dma_start3A_15 : memref<1x1000000xf32, #tpu.memory_space<hbm>> -> memref<1000000xf32, #tpu.memory_space<hbm>>
    %dma_start3A_17 = arith.constant 0 : i32
    %dma_start3A_18 = tpu.memref_slice %dma_start3A_16[%dma_start3A_17] : memref<1000000xf32, #tpu.memory_space<hbm>> -> memref<1000000xf32, #tpu.memory_space<hbm>>
    tpu.enqueue_indirect_dma source(%dma_start3A_18 : memref<1000000xf32, #tpu.memory_space<hbm>>) target(%arg15 : memref<5120xf32, #tpu.memory_space<vmem>>) offsets(%arg5 : memref<5120xi32, #tpu.memory_space<vmem>>) semaphore(%arg27 : memref<!tpu.dma_semaphore, #tpu.memory_space<semaphore_mem>>)
    %scan3A_19 = arith.constant 0 : i32
    %scan3A_20 = arith.constant 0 : i32
    %scan3A_21 = arith.constant 10 : i32
    %scan3A_22 = arith.addi %scan3A_20, %scan3A_21 : i32
    %scan3A_23 = arith.constant 1 : i32
    scf.for %scan3A_300 = %scan3A_20 to %scan3A_22 step %scan3A_23  : i32 {
      %add3A_301 = arith.constant 10 : i32
      %add3A_302 = arith.addi %add3A_301, %scan3A_300 : i32
      %mul3A_303 = arith.constant 512 : i32
      %mul3A_304 = arith.muli %scan3A_300, %mul3A_303 : i32
      %dma_start3A_305 = tpu.memref_slice %arg6[%mul3A_304] : memref<5120xi32, #tpu.memory_space<vmem>> -> memref<512xi32, #tpu.memory_space<vmem>>
      %dma_start3A_306 = tpu.memref_slice %arg2[%add3A_302, %mul3A_2] : memref<100x16384xi32, #tpu.memory_space<hbm>> -> memref<1x512xi32, #tpu.memory_space<hbm>>
      %dma_start3A_307 = tpu.memref_squeeze %dma_start3A_306 : memref<1x512xi32, #tpu.memory_space<hbm>> -> memref<512xi32, #tpu.memory_space<hbm>>
      %dma_start3A_308 = tpu.memref_slice %arg6[%mul3A_304] : memref<5120xi32, #tpu.memory_space<vmem>> -> memref<512xi32, #tpu.memory_space<vmem>>
      %dma_start3A_309 = tpu.memref_slice %arg2[%add3A_302, %mul3A_2] : memref<100x16384xi32, #tpu.memory_space<hbm>> -> memref<1x512xi32, #tpu.memory_space<hbm>>
      %dma_start3A_310 = tpu.memref_squeeze %dma_start3A_309 : memref<1x512xi32, #tpu.memory_space<hbm>> -> memref<512xi32, #tpu.memory_space<hbm>>
      tpu.enqueue_dma source(%dma_start3A_310 : memref<512xi32, #tpu.memory_space<hbm>>) target(%dma_start3A_308 : memref<512xi32, #tpu.memory_space<vmem>>) target_semaphore(%arg26 : memref<!tpu.dma_semaphore, #tpu.memory_space<semaphore_mem>>)
    }
    %scan3A_24 = arith.constant 10 : i32
    %scan3A_25 = arith.constant 0 : i32
    %scan3A_26 = arith.constant 0 : i32
    %scan3A_27 = arith.constant 10 : i32
    %scan3A_28 = arith.addi %scan3A_26, %scan3A_27 : i32
    %scan3A_29 = arith.constant 1 : i32
    scf.for %scan3A_300 = %scan3A_26 to %scan3A_28 step %scan3A_29  : i32 {
      %add3A_301 = arith.constant 10 : i32
      %add3A_302 = arith.addi %add3A_301, %scan3A_300 : i32
      %mul3A_303 = arith.constant 512 : i32
      %mul3A_304 = arith.muli %scan3A_300, %mul3A_303 : i32
      %dma_wait3A_305 = tpu.memref_slice %arg6[%mul3A_304] : memref<5120xi32, #tpu.memory_space<vmem>> -> memref<512xi32, #tpu.memory_space<vmem>>
      %dma_wait3A_306 = tpu.memref_slice %arg2[%add3A_302, %mul3A_2] : memref<100x16384xi32, #tpu.memory_space<hbm>> -> memref<1x512xi32, #tpu.memory_space<hbm>>
      %dma_wait3A_307 = tpu.memref_squeeze %dma_wait3A_306 : memref<1x512xi32, #tpu.memory_space<hbm>> -> memref<512xi32, #tpu.memory_space<hbm>>
      %dma_wait3A_308 = tpu.memref_slice %arg6[%mul3A_304] : memref<5120xi32, #tpu.memory_space<vmem>> -> memref<512xi32, #tpu.memory_space<vmem>>
      %dma_wait3A_309 = tpu.memref_slice %arg2[%add3A_302, %mul3A_2] : memref<100x16384xi32, #tpu.memory_space<hbm>> -> memref<1x512xi32, #tpu.memory_space<hbm>>
      %dma_wait3A_310 = tpu.memref_squeeze %dma_wait3A_309 : memref<1x512xi32, #tpu.memory_space<hbm>> -> memref<512xi32, #tpu.memory_space<hbm>>
      tpu.wait_dma2 semaphore(%arg26 : memref<!tpu.dma_semaphore, #tpu.memory_space<semaphore_mem>>) src(%dma_wait3A_310 : memref<512xi32, #tpu.memory_space<hbm>>) dst(%dma_wait3A_308 : memref<512xi32, #tpu.memory_space<vmem>>)
    }
    %scan3A_30 = arith.constant 10 : i32
    %dma_start3A_31 = arith.constant 0 : i32
    %dma_start3A_32 = arith.constant 0 : i32
    %dma_start3A_33 = tpu.memref_slice %arg3[%dma_start3A_31, %dma_start3A_32] : memref<1x1000000xf32, #tpu.memory_space<hbm>> -> memref<1x1000000xf32, #tpu.memory_space<hbm>>
    %dma_start3A_34 = tpu.memref_squeeze %dma_start3A_33 : memref<1x1000000xf32, #tpu.memory_space<hbm>> -> memref<1000000xf32, #tpu.memory_space<hbm>>
    %dma_start3A_35 = arith.constant 0 : i32
    %dma_start3A_36 = tpu.memref_slice %dma_start3A_34[%dma_start3A_35] : memref<1000000xf32, #tpu.memory_space<hbm>> -> memref<1000000xf32, #tpu.memory_space<hbm>>
    tpu.enqueue_indirect_dma source(%dma_start3A_36 : memref<1000000xf32, #tpu.memory_space<hbm>>) target(%arg16 : memref<5120xf32, #tpu.memory_space<vmem>>) offsets(%arg6 : memref<5120xi32, #tpu.memory_space<vmem>>) semaphore(%arg27 : memref<!tpu.dma_semaphore, #tpu.memory_space<semaphore_mem>>)
    %scan3A_37 = arith.constant 0 : i32
    %scan3A_38 = arith.constant 0 : i32
    %scan3A_39 = arith.constant 10 : i32
    %scan3A_40 = arith.addi %scan3A_38, %scan3A_39 : i32
    %scan3A_41 = arith.constant 1 : i32
    scf.for %scan3A_300 = %scan3A_38 to %scan3A_40 step %scan3A_41  : i32 {
      %add3A_301 = arith.constant 20 : i32
      %add3A_302 = arith.addi %add3A_301, %scan3A_300 : i32
      %mul3A_303 = arith.constant 512 : i32
      %mul3A_304 = arith.muli %scan3A_300, %mul3A_303 : i32
      %dma_start3A_305 = tpu.memref_slice %arg7[%mul3A_304] : memref<5120xi32, #tpu.memory_space<vmem>> -> memref<512xi32, #tpu.memory_space<vmem>>
      %dma_start3A_306 = tpu.memref_slice %arg2[%add3A_302, %mul3A_2] : memref<100x16384xi32, #tpu.memory_space<hbm>> -> memref<1x512xi32, #tpu.memory_space<hbm>>
      %dma_start3A_307 = tpu.memref_squeeze %dma_start3A_306 : memref<1x512xi32, #tpu.memory_space<hbm>> -> memref<512xi32, #tpu.memory_space<hbm>>
      %dma_start3A_308 = tpu.memref_slice %arg7[%mul3A_304] : memref<5120xi32, #tpu.memory_space<vmem>> -> memref<512xi32, #tpu.memory_space<vmem>>
      %dma_start3A_309 = tpu.memref_slice %arg2[%add3A_302, %mul3A_2] : memref<100x16384xi32, #tpu.memory_space<hbm>> -> memref<1x512xi32, #tpu.memory_space<hbm>>
      %dma_start3A_310 = tpu.memref_squeeze %dma_start3A_309 : memref<1x512xi32, #tpu.memory_space<hbm>> -> memref<512xi32, #tpu.memory_space<hbm>>
      tpu.enqueue_dma source(%dma_start3A_310 : memref<512xi32, #tpu.memory_space<hbm>>) target(%dma_start3A_308 : memref<512xi32, #tpu.memory_space<vmem>>) target_semaphore(%arg26 : memref<!tpu.dma_semaphore, #tpu.memory_space<semaphore_mem>>)
    }
    %scan3A_42 = arith.constant 10 : i32
    %scan3A_43 = arith.constant 0 : i32
    %scan3A_44 = arith.constant 0 : i32
    %scan3A_45 = arith.constant 10 : i32
    %scan3A_46 = arith.addi %scan3A_44, %scan3A_45 : i32
    %scan3A_47 = arith.constant 1 : i32
    scf.for %scan3A_300 = %scan3A_44 to %scan3A_46 step %scan3A_47  : i32 {
      %add3A_301 = arith.constant 20 : i32
      %add3A_302 = arith.addi %add3A_301, %scan3A_300 : i32
      %mul3A_303 = arith.constant 512 : i32
      %mul3A_304 = arith.muli %scan3A_300, %mul3A_303 : i32
      %dma_wait3A_305 = tpu.memref_slice %arg7[%mul3A_304] : memref<5120xi32, #tpu.memory_space<vmem>> -> memref<512xi32, #tpu.memory_space<vmem>>
      %dma_wait3A_306 = tpu.memref_slice %arg2[%add3A_302, %mul3A_2] : memref<100x16384xi32, #tpu.memory_space<hbm>> -> memref<1x512xi32, #tpu.memory_space<hbm>>
      %dma_wait3A_307 = tpu.memref_squeeze %dma_wait3A_306 : memref<1x512xi32, #tpu.memory_space<hbm>> -> memref<512xi32, #tpu.memory_space<hbm>>
      %dma_wait3A_308 = tpu.memref_slice %arg7[%mul3A_304] : memref<5120xi32, #tpu.memory_space<vmem>> -> memref<512xi32, #tpu.memory_space<vmem>>
      %dma_wait3A_309 = tpu.memref_slice %arg2[%add3A_302, %mul3A_2] : memref<100x16384xi32, #tpu.memory_space<hbm>> -> memref<1x512xi32, #tpu.memory_space<hbm>>
      %dma_wait3A_310 = tpu.memref_squeeze %dma_wait3A_309 : memref<1x512xi32, #tpu.memory_space<hbm>> -> memref<512xi32, #tpu.memory_space<hbm>>
      tpu.wait_dma2 semaphore(%arg26 : memref<!tpu.dma_semaphore, #tpu.memory_space<semaphore_mem>>) src(%dma_wait3A_310 : memref<512xi32, #tpu.memory_space<hbm>>) dst(%dma_wait3A_308 : memref<512xi32, #tpu.memory_space<vmem>>)
    }
    %scan3A_48 = arith.constant 10 : i32
    %dma_start3A_49 = arith.constant 0 : i32
    %dma_start3A_50 = arith.constant 0 : i32
    %dma_start3A_51 = tpu.memref_slice %arg3[%dma_start3A_49, %dma_start3A_50] : memref<1x1000000xf32, #tpu.memory_space<hbm>> -> memref<1x1000000xf32, #tpu.memory_space<hbm>>
    %dma_start3A_52 = tpu.memref_squeeze %dma_start3A_51 : memref<1x1000000xf32, #tpu.memory_space<hbm>> -> memref<1000000xf32, #tpu.memory_space<hbm>>
    %dma_start3A_53 = arith.constant 0 : i32
    %dma_start3A_54 = tpu.memref_slice %dma_start3A_52[%dma_start3A_53] : memref<1000000xf32, #tpu.memory_space<hbm>> -> memref<1000000xf32, #tpu.memory_space<hbm>>
    tpu.enqueue_indirect_dma source(%dma_start3A_54 : memref<1000000xf32, #tpu.memory_space<hbm>>) target(%arg17 : memref<5120xf32, #tpu.memory_space<vmem>>) offsets(%arg7 : memref<5120xi32, #tpu.memory_space<vmem>>) semaphore(%arg27 : memref<!tpu.dma_semaphore, #tpu.memory_space<semaphore_mem>>)
    %scan3A_55 = arith.constant 0 : i32
    %scan3A_56 = arith.constant 0 : i32
    %scan3A_57 = arith.constant 10 : i32
    %scan3A_58 = arith.addi %scan3A_56, %scan3A_57 : i32
    %scan3A_59 = arith.constant 1 : i32
    scf.for %scan3A_300 = %scan3A_56 to %scan3A_58 step %scan3A_59  : i32 {
      %add3A_301 = arith.constant 30 : i32
      %add3A_302 = arith.addi %add3A_301, %scan3A_300 : i32
      %mul3A_303 = arith.constant 512 : i32
      %mul3A_304 = arith.muli %scan3A_300, %mul3A_303 : i32
      %dma_start3A_305 = tpu.memref_slice %arg8[%mul3A_304] : memref<5120xi32, #tpu.memory_space<vmem>> -> memref<512xi32, #tpu.memory_space<vmem>>
      %dma_start3A_306 = tpu.memref_slice %arg2[%add3A_302, %mul3A_2] : memref<100x16384xi32, #tpu.memory_space<hbm>> -> memref<1x512xi32, #tpu.memory_space<hbm>>
      %dma_start3A_307 = tpu.memref_squeeze %dma_start3A_306 : memref<1x512xi32, #tpu.memory_space<hbm>> -> memref<512xi32, #tpu.memory_space<hbm>>
      %dma_start3A_308 = tpu.memref_slice %arg8[%mul3A_304] : memref<5120xi32, #tpu.memory_space<vmem>> -> memref<512xi32, #tpu.memory_space<vmem>>
      %dma_start3A_309 = tpu.memref_slice %arg2[%add3A_302, %mul3A_2] : memref<100x16384xi32, #tpu.memory_space<hbm>> -> memref<1x512xi32, #tpu.memory_space<hbm>>
      %dma_start3A_310 = tpu.memref_squeeze %dma_start3A_309 : memref<1x512xi32, #tpu.memory_space<hbm>> -> memref<512xi32, #tpu.memory_space<hbm>>
      tpu.enqueue_dma source(%dma_start3A_310 : memref<512xi32, #tpu.memory_space<hbm>>) target(%dma_start3A_308 : memref<512xi32, #tpu.memory_space<vmem>>) target_semaphore(%arg26 : memref<!tpu.dma_semaphore, #tpu.memory_space<semaphore_mem>>)
    }
    %scan3A_60 = arith.constant 10 : i32
    %scan3A_61 = arith.constant 0 : i32
    %scan3A_62 = arith.constant 0 : i32
    %scan3A_63 = arith.constant 10 : i32
    %scan3A_64 = arith.addi %scan3A_62, %scan3A_63 : i32
    %scan3A_65 = arith.constant 1 : i32
    scf.for %scan3A_300 = %scan3A_62 to %scan3A_64 step %scan3A_65  : i32 {
      %add3A_301 = arith.constant 30 : i32
      %add3A_302 = arith.addi %add3A_301, %scan3A_300 : i32
      %mul3A_303 = arith.constant 512 : i32
      %mul3A_304 = arith.muli %scan3A_300, %mul3A_303 : i32
      %dma_wait3A_305 = tpu.memref_slice %arg8[%mul3A_304] : memref<5120xi32, #tpu.memory_space<vmem>> -> memref<512xi32, #tpu.memory_space<vmem>>
      %dma_wait3A_306 = tpu.memref_slice %arg2[%add3A_302, %mul3A_2] : memref<100x16384xi32, #tpu.memory_space<hbm>> -> memref<1x512xi32, #tpu.memory_space<hbm>>
      %dma_wait3A_307 = tpu.memref_squeeze %dma_wait3A_306 : memref<1x512xi32, #tpu.memory_space<hbm>> -> memref<512xi32, #tpu.memory_space<hbm>>
      %dma_wait3A_308 = tpu.memref_slice %arg8[%mul3A_304] : memref<5120xi32, #tpu.memory_space<vmem>> -> memref<512xi32, #tpu.memory_space<vmem>>
      %dma_wait3A_309 = tpu.memref_slice %arg2[%add3A_302, %mul3A_2] : memref<100x16384xi32, #tpu.memory_space<hbm>> -> memref<1x512xi32, #tpu.memory_space<hbm>>
      %dma_wait3A_310 = tpu.memref_squeeze %dma_wait3A_309 : memref<1x512xi32, #tpu.memory_space<hbm>> -> memref<512xi32, #tpu.memory_space<hbm>>
      tpu.wait_dma2 semaphore(%arg26 : memref<!tpu.dma_semaphore, #tpu.memory_space<semaphore_mem>>) src(%dma_wait3A_310 : memref<512xi32, #tpu.memory_space<hbm>>) dst(%dma_wait3A_308 : memref<512xi32, #tpu.memory_space<vmem>>)
    }
    %scan3A_66 = arith.constant 10 : i32
    %dma_start3A_67 = arith.constant 0 : i32
    %dma_start3A_68 = arith.constant 0 : i32
    %dma_start3A_69 = tpu.memref_slice %arg3[%dma_start3A_67, %dma_start3A_68] : memref<1x1000000xf32, #tpu.memory_space<hbm>> -> memref<1x1000000xf32, #tpu.memory_space<hbm>>
    %dma_start3A_70 = tpu.memref_squeeze %dma_start3A_69 : memref<1x1000000xf32, #tpu.memory_space<hbm>> -> memref<1000000xf32, #tpu.memory_space<hbm>>
    %dma_start3A_71 = arith.constant 0 : i32
    %dma_start3A_72 = tpu.memref_slice %dma_start3A_70[%dma_start3A_71] : memref<1000000xf32, #tpu.memory_space<hbm>> -> memref<1000000xf32, #tpu.memory_space<hbm>>
    tpu.enqueue_indirect_dma source(%dma_start3A_72 : memref<1000000xf32, #tpu.memory_space<hbm>>) target(%arg18 : memref<5120xf32, #tpu.memory_space<vmem>>) offsets(%arg8 : memref<5120xi32, #tpu.memory_space<vmem>>) semaphore(%arg27 : memref<!tpu.dma_semaphore, #tpu.memory_space<semaphore_mem>>)
    %scan3A_73 = arith.constant 0 : i32
    %scan3A_74 = arith.constant 0 : i32
    %scan3A_75 = arith.constant 10 : i32
    %scan3A_76 = arith.addi %scan3A_74, %scan3A_75 : i32
    %scan3A_77 = arith.constant 1 : i32
    scf.for %scan3A_300 = %scan3A_74 to %scan3A_76 step %scan3A_77  : i32 {
      %add3A_301 = arith.constant 40 : i32
      %add3A_302 = arith.addi %add3A_301, %scan3A_300 : i32
      %mul3A_303 = arith.constant 512 : i32
      %mul3A_304 = arith.muli %scan3A_300, %mul3A_303 : i32
      %dma_start3A_305 = tpu.memref_slice %arg9[%mul3A_304] : memref<5120xi32, #tpu.memory_space<vmem>> -> memref<512xi32, #tpu.memory_space<vmem>>
      %dma_start3A_306 = tpu.memref_slice %arg2[%add3A_302, %mul3A_2] : memref<100x16384xi32, #tpu.memory_space<hbm>> -> memref<1x512xi32, #tpu.memory_space<hbm>>
      %dma_start3A_307 = tpu.memref_squeeze %dma_start3A_306 : memref<1x512xi32, #tpu.memory_space<hbm>> -> memref<512xi32, #tpu.memory_space<hbm>>
      %dma_start3A_308 = tpu.memref_slice %arg9[%mul3A_304] : memref<5120xi32, #tpu.memory_space<vmem>> -> memref<512xi32, #tpu.memory_space<vmem>>
      %dma_start3A_309 = tpu.memref_slice %arg2[%add3A_302, %mul3A_2] : memref<100x16384xi32, #tpu.memory_space<hbm>> -> memref<1x512xi32, #tpu.memory_space<hbm>>
      %dma_start3A_310 = tpu.memref_squeeze %dma_start3A_309 : memref<1x512xi32, #tpu.memory_space<hbm>> -> memref<512xi32, #tpu.memory_space<hbm>>
      tpu.enqueue_dma source(%dma_start3A_310 : memref<512xi32, #tpu.memory_space<hbm>>) target(%dma_start3A_308 : memref<512xi32, #tpu.memory_space<vmem>>) target_semaphore(%arg26 : memref<!tpu.dma_semaphore, #tpu.memory_space<semaphore_mem>>)
    }
    %scan3A_78 = arith.constant 10 : i32
    %dma_wait3A = arith.constant 0 : i32
    %dma_wait3A_79 = arith.constant 0 : i32
    %dma_wait3A_80 = tpu.memref_slice %arg3[%dma_wait3A, %dma_wait3A_79] : memref<1x1000000xf32, #tpu.memory_space<hbm>> -> memref<1x1000000xf32, #tpu.memory_space<hbm>>
    %dma_wait3A_81 = tpu.memref_squeeze %dma_wait3A_80 : memref<1x1000000xf32, #tpu.memory_space<hbm>> -> memref<1000000xf32, #tpu.memory_space<hbm>>
    %dma_wait3A_82 = arith.constant 0 : i32
    %dma_wait3A_83 = tpu.memref_slice %dma_wait3A_81[%dma_wait3A_82] : memref<1000000xf32, #tpu.memory_space<hbm>> -> memref<1000000xf32, #tpu.memory_space<hbm>>
    tpu.wait_indirect_dma semaphore(%arg27 : memref<!tpu.dma_semaphore, #tpu.memory_space<semaphore_mem>>) src(%dma_wait3A_83 : memref<1000000xf32, #tpu.memory_space<hbm>>) dst(%arg15 : memref<5120xf32, #tpu.memory_space<vmem>>)
    %scan3A_84 = arith.constant 0 : i32
    %scan3A_85 = arith.constant 0 : i32
    %scan3A_86 = arith.constant 32 : i32
    %scan3A_87 = arith.addi %scan3A_85, %scan3A_86 : i32
    %scan3A_88 = arith.constant 1 : i32
    scf.for %scan3A_300 = %scan3A_85 to %scan3A_87 step %scan3A_88  : i32 {
      %mul3A_301 = arith.constant 16 : i32
      %mul3A_302 = arith.muli %scan3A_300, %mul3A_301 : i32
      %get3A = arith.index_cast %mul3A_302 : i32 to index
      %get3A_303 = tpu.vector_load %arg15[%get3A] {strides = array<i32>} : memref<5120xf32, #tpu.memory_space<vmem>>, vector<16xf32>,
      %get3A_304 = vector.shape_cast %get3A_303 : vector<16xf32> to vector<16xf32>
      %mul3A_305 = arith.constant 16 : i32
      %mul3A_306 = arith.muli %scan3A_300, %mul3A_305 : i32
      %add3A_307 = arith.constant 512 : i32
      %add3A_308 = arith.addi %add3A_307, %mul3A_306 : i32
      %get3A_309 = arith.index_cast %add3A_308 : i32 to index
      %get3A_310 = tpu.vector_load %arg15[%get3A_309] {strides = array<i32>} : memref<5120xf32, #tpu.memory_space<vmem>>, vector<16xf32>,
      %get3A_311 = vector.shape_cast %get3A_310 : vector<16xf32> to vector<16xf32>
      %add3A_312 = arith.addf %get3A_304, %get3A_311 : vector<16xf32>
      %mul3A_313 = arith.constant 16 : i32
      %mul3A_314 = arith.muli %scan3A_300, %mul3A_313 : i32
      %add3A_315 = arith.constant 1024 : i32
      %add3A_316 = arith.addi %add3A_315, %mul3A_314 : i32
      %get3A_317 = arith.index_cast %add3A_316 : i32 to index
      %get3A_318 = tpu.vector_load %arg15[%get3A_317] {strides = array<i32>} : memref<5120xf32, #tpu.memory_space<vmem>>, vector<16xf32>,
      %get3A_319 = vector.shape_cast %get3A_318 : vector<16xf32> to vector<16xf32>
      %add3A_320 = arith.addf %add3A_312, %get3A_319 : vector<16xf32>
      %mul3A_321 = arith.constant 16 : i32
      %mul3A_322 = arith.muli %scan3A_300, %mul3A_321 : i32
      %add3A_323 = arith.constant 1536 : i32
      %add3A_324 = arith.addi %add3A_323, %mul3A_322 : i32
      %get3A_325 = arith.index_cast %add3A_324 : i32 to index
      %get3A_326 = tpu.vector_load %arg15[%get3A_325] {strides = array<i32>} : memref<5120xf32, #tpu.memory_space<vmem>>, vector<16xf32>,
      %get3A_327 = vector.shape_cast %get3A_326 : vector<16xf32> to vector<16xf32>
      %add3A_328 = arith.addf %add3A_320, %get3A_327 : vector<16xf32>
      %mul3A_329 = arith.constant 16 : i32
      %mul3A_330 = arith.muli %scan3A_300, %mul3A_329 : i32
      %add3A_331 = arith.constant 2048 : i32
      %add3A_332 = arith.addi %add3A_331, %mul3A_330 : i32
      %get3A_333 = arith.index_cast %add3A_332 : i32 to index
      %get3A_334 = tpu.vector_load %arg15[%get3A_333] {strides = array<i32>} : memref<5120xf32, #tpu.memory_space<vmem>>, vector<16xf32>,
      %get3A_335 = vector.shape_cast %get3A_334 : vector<16xf32> to vector<16xf32>
      %add3A_336 = arith.addf %add3A_328, %get3A_335 : vector<16xf32>
      %mul3A_337 = arith.constant 16 : i32
      %mul3A_338 = arith.muli %scan3A_300, %mul3A_337 : i32
      %add3A_339 = arith.constant 2560 : i32
      %add3A_340 = arith.addi %add3A_339, %mul3A_338 : i32
      %get3A_341 = arith.index_cast %add3A_340 : i32 to index
      %get3A_342 = tpu.vector_load %arg15[%get3A_341] {strides = array<i32>} : memref<5120xf32, #tpu.memory_space<vmem>>, vector<16xf32>,
      %get3A_343 = vector.shape_cast %get3A_342 : vector<16xf32> to vector<16xf32>
      %add3A_344 = arith.addf %add3A_336, %get3A_343 : vector<16xf32>
      %mul3A_345 = arith.constant 16 : i32
      %mul3A_346 = arith.muli %scan3A_300, %mul3A_345 : i32
      %add3A_347 = arith.constant 3072 : i32
      %add3A_348 = arith.addi %add3A_347, %mul3A_346 : i32
      %get3A_349 = arith.index_cast %add3A_348 : i32 to index
      %get3A_350 = tpu.vector_load %arg15[%get3A_349] {strides = array<i32>} : memref<5120xf32, #tpu.memory_space<vmem>>, vector<16xf32>,
      %get3A_351 = vector.shape_cast %get3A_350 : vector<16xf32> to vector<16xf32>
      %add3A_352 = arith.addf %add3A_344, %get3A_351 : vector<16xf32>
      %mul3A_353 = arith.constant 16 : i32
      %mul3A_354 = arith.muli %scan3A_300, %mul3A_353 : i32
      %add3A_355 = arith.constant 3584 : i32
      %add3A_356 = arith.addi %add3A_355, %mul3A_354 : i32
      %get3A_357 = arith.index_cast %add3A_356 : i32 to index
      %get3A_358 = tpu.vector_load %arg15[%get3A_357] {strides = array<i32>} : memref<5120xf32, #tpu.memory_space<vmem>>, vector<16xf32>,
      %get3A_359 = vector.shape_cast %get3A_358 : vector<16xf32> to vector<16xf32>
      %add3A_360 = arith.addf %add3A_352, %get3A_359 : vector<16xf32>
      %mul3A_361 = arith.constant 16 : i32
      %mul3A_362 = arith.muli %scan3A_300, %mul3A_361 : i32
      %add3A_363 = arith.constant 4096 : i32
      %add3A_364 = arith.addi %add3A_363, %mul3A_362 : i32
      %get3A_365 = arith.index_cast %add3A_364 : i32 to index
      %get3A_366 = tpu.vector_load %arg15[%get3A_365] {strides = array<i32>} : memref<5120xf32, #tpu.memory_space<vmem>>, vector<16xf32>,
      %get3A_367 = vector.shape_cast %get3A_366 : vector<16xf32> to vector<16xf32>
      %add3A_368 = arith.addf %add3A_360, %get3A_367 : vector<16xf32>
      %mul3A_369 = arith.constant 16 : i32
      %mul3A_370 = arith.muli %scan3A_300, %mul3A_369 : i32
      %add3A_371 = arith.constant 4608 : i32
      %add3A_372 = arith.addi %add3A_371, %mul3A_370 : i32
      %get3A_373 = arith.index_cast %add3A_372 : i32 to index
      %get3A_374 = tpu.vector_load %arg15[%get3A_373] {strides = array<i32>} : memref<5120xf32, #tpu.memory_space<vmem>>, vector<16xf32>,
      %get3A_375 = vector.shape_cast %get3A_374 : vector<16xf32> to vector<16xf32>
      %add3A_376 = arith.addf %add3A_368, %get3A_375 : vector<16xf32>
      %mul3A_377 = arith.constant 16 : i32
      %mul3A_378 = arith.muli %scan3A_300, %mul3A_377 : i32
      %swap3A = arith.index_cast %mul3A_378 : i32 to index
      %swap3A_379 = tpu.vector_load %arg25[%swap3A] {strides = array<i32>} : memref<512xf32, #tpu.memory_space<vmem>>, vector<16xf32>,
      %swap3A_380 = vector.shape_cast %swap3A_379 : vector<16xf32> to vector<16xf32>
      %swap3A_381 = vector.shape_cast %add3A_376 : vector<16xf32> to vector<16xf32>
      tpu.vector_store %arg25[%swap3A], %swap3A_381 {strides = array<i32>} : memref<512xf32, #tpu.memory_space<vmem>>, vector<16xf32>,
    }
    %scan3A_89 = arith.constant 32 : i32
    %scan3A_90 = arith.constant 0 : i32
    %scan3A_91 = arith.constant 0 : i32
    %scan3A_92 = arith.constant 10 : i32
    %scan3A_93 = arith.addi %scan3A_91, %scan3A_92 : i32
    %scan3A_94 = arith.constant 1 : i32
    scf.for %scan3A_300 = %scan3A_91 to %scan3A_93 step %scan3A_94  : i32 {
      %add3A_301 = arith.constant 40 : i32
      %add3A_302 = arith.addi %add3A_301, %scan3A_300 : i32
      %mul3A_303 = arith.constant 512 : i32
      %mul3A_304 = arith.muli %scan3A_300, %mul3A_303 : i32
      %dma_wait3A_305 = tpu.memref_slice %arg9[%mul3A_304] : memref<5120xi32, #tpu.memory_space<vmem>> -> memref<512xi32, #tpu.memory_space<vmem>>
      %dma_wait3A_306 = tpu.memref_slice %arg2[%add3A_302, %mul3A_2] : memref<100x16384xi32, #tpu.memory_space<hbm>> -> memref<1x512xi32, #tpu.memory_space<hbm>>
      %dma_wait3A_307 = tpu.memref_squeeze %dma_wait3A_306 : memref<1x512xi32, #tpu.memory_space<hbm>> -> memref<512xi32, #tpu.memory_space<hbm>>
      %dma_wait3A_308 = tpu.memref_slice %arg9[%mul3A_304] : memref<5120xi32, #tpu.memory_space<vmem>> -> memref<512xi32, #tpu.memory_space<vmem>>
      %dma_wait3A_309 = tpu.memref_slice %arg2[%add3A_302, %mul3A_2] : memref<100x16384xi32, #tpu.memory_space<hbm>> -> memref<1x512xi32, #tpu.memory_space<hbm>>
      %dma_wait3A_310 = tpu.memref_squeeze %dma_wait3A_309 : memref<1x512xi32, #tpu.memory_space<hbm>> -> memref<512xi32, #tpu.memory_space<hbm>>
      tpu.wait_dma2 semaphore(%arg26 : memref<!tpu.dma_semaphore, #tpu.memory_space<semaphore_mem>>) src(%dma_wait3A_310 : memref<512xi32, #tpu.memory_space<hbm>>) dst(%dma_wait3A_308 : memref<512xi32, #tpu.memory_space<vmem>>)
    }
    %scan3A_95 = arith.constant 10 : i32
    %dma_start3A_96 = arith.constant 0 : i32
    %dma_start3A_97 = arith.constant 0 : i32
    %dma_start3A_98 = tpu.memref_slice %arg3[%dma_start3A_96, %dma_start3A_97] : memref<1x1000000xf32, #tpu.memory_space<hbm>> -> memref<1x1000000xf32, #tpu.memory_space<hbm>>
    %dma_start3A_99 = tpu.memref_squeeze %dma_start3A_98 : memref<1x1000000xf32, #tpu.memory_space<hbm>> -> memref<1000000xf32, #tpu.memory_space<hbm>>
    %dma_start3A_100 = arith.constant 0 : i32
    %dma_start3A_101 = tpu.memref_slice %dma_start3A_99[%dma_start3A_100] : memref<1000000xf32, #tpu.memory_space<hbm>> -> memref<1000000xf32, #tpu.memory_space<hbm>>
    tpu.enqueue_indirect_dma source(%dma_start3A_101 : memref<1000000xf32, #tpu.memory_space<hbm>>) target(%arg19 : memref<5120xf32, #tpu.memory_space<vmem>>) offsets(%arg9 : memref<5120xi32, #tpu.memory_space<vmem>>) semaphore(%arg27 : memref<!tpu.dma_semaphore, #tpu.memory_space<semaphore_mem>>)
    %scan3A_102 = arith.constant 0 : i32
    %scan3A_103 = arith.constant 0 : i32
    %scan3A_104 = arith.constant 10 : i32
    %scan3A_105 = arith.addi %scan3A_103, %scan3A_104 : i32
    %scan3A_106 = arith.constant 1 : i32
    scf.for %scan3A_300 = %scan3A_103 to %scan3A_105 step %scan3A_106  : i32 {
      %add3A_301 = arith.constant 50 : i32
      %add3A_302 = arith.addi %add3A_301, %scan3A_300 : i32
      %mul3A_303 = arith.constant 512 : i32
      %mul3A_304 = arith.muli %scan3A_300, %mul3A_303 : i32
      %dma_start3A_305 = tpu.memref_slice %arg10[%mul3A_304] : memref<5120xi32, #tpu.memory_space<vmem>> -> memref<512xi32, #tpu.memory_space<vmem>>
      %dma_start3A_306 = tpu.memref_slice %arg2[%add3A_302, %mul3A_2] : memref<100x16384xi32, #tpu.memory_space<hbm>> -> memref<1x512xi32, #tpu.memory_space<hbm>>
      %dma_start3A_307 = tpu.memref_squeeze %dma_start3A_306 : memref<1x512xi32, #tpu.memory_space<hbm>> -> memref<512xi32, #tpu.memory_space<hbm>>
      %dma_start3A_308 = tpu.memref_slice %arg10[%mul3A_304] : memref<5120xi32, #tpu.memory_space<vmem>> -> memref<512xi32, #tpu.memory_space<vmem>>
      %dma_start3A_309 = tpu.memref_slice %arg2[%add3A_302, %mul3A_2] : memref<100x16384xi32, #tpu.memory_space<hbm>> -> memref<1x512xi32, #tpu.memory_space<hbm>>
      %dma_start3A_310 = tpu.memref_squeeze %dma_start3A_309 : memref<1x512xi32, #tpu.memory_space<hbm>> -> memref<512xi32, #tpu.memory_space<hbm>>
      tpu.enqueue_dma source(%dma_start3A_310 : memref<512xi32, #tpu.memory_space<hbm>>) target(%dma_start3A_308 : memref<512xi32, #tpu.memory_space<vmem>>) target_semaphore(%arg26 : memref<!tpu.dma_semaphore, #tpu.memory_space<semaphore_mem>>)
    }
    %scan3A_107 = arith.constant 10 : i32
    %dma_wait3A_108 = arith.constant 0 : i32
    %dma_wait3A_109 = arith.constant 0 : i32
    %dma_wait3A_110 = tpu.memref_slice %arg3[%dma_wait3A_108, %dma_wait3A_109] : memref<1x1000000xf32, #tpu.memory_space<hbm>> -> memref<1x1000000xf32, #tpu.memory_space<hbm>>
    %dma_wait3A_111 = tpu.memref_squeeze %dma_wait3A_110 : memref<1x1000000xf32, #tpu.memory_space<hbm>> -> memref<1000000xf32, #tpu.memory_space<hbm>>
    %dma_wait3A_112 = arith.constant 0 : i32
    %dma_wait3A_113 = tpu.memref_slice %dma_wait3A_111[%dma_wait3A_112] : memref<1000000xf32, #tpu.memory_space<hbm>> -> memref<1000000xf32, #tpu.memory_space<hbm>>
    tpu.wait_indirect_dma semaphore(%arg27 : memref<!tpu.dma_semaphore, #tpu.memory_space<semaphore_mem>>) src(%dma_wait3A_113 : memref<1000000xf32, #tpu.memory_space<hbm>>) dst(%arg16 : memref<5120xf32, #tpu.memory_space<vmem>>)
    %scan3A_114 = arith.constant 0 : i32
    %scan3A_115 = arith.constant 0 : i32
    %scan3A_116 = arith.constant 32 : i32
    %scan3A_117 = arith.addi %scan3A_115, %scan3A_116 : i32
    %scan3A_118 = arith.constant 1 : i32
    scf.for %scan3A_300 = %scan3A_115 to %scan3A_117 step %scan3A_118  : i32 {
      %mul3A_301 = arith.constant 16 : i32
      %mul3A_302 = arith.muli %scan3A_300, %mul3A_301 : i32
      %get3A = arith.index_cast %mul3A_302 : i32 to index
      %get3A_303 = tpu.vector_load %arg16[%get3A] {strides = array<i32>} : memref<5120xf32, #tpu.memory_space<vmem>>, vector<16xf32>,
      %get3A_304 = vector.shape_cast %get3A_303 : vector<16xf32> to vector<16xf32>
      %mul3A_305 = arith.constant 16 : i32
      %mul3A_306 = arith.muli %scan3A_300, %mul3A_305 : i32
      %add3A_307 = arith.constant 512 : i32
      %add3A_308 = arith.addi %add3A_307, %mul3A_306 : i32
      %get3A_309 = arith.index_cast %add3A_308 : i32 to index
      %get3A_310 = tpu.vector_load %arg16[%get3A_309] {strides = array<i32>} : memref<5120xf32, #tpu.memory_space<vmem>>, vector<16xf32>,
      %get3A_311 = vector.shape_cast %get3A_310 : vector<16xf32> to vector<16xf32>
      %add3A_312 = arith.addf %get3A_304, %get3A_311 : vector<16xf32>
      %mul3A_313 = arith.constant 16 : i32
      %mul3A_314 = arith.muli %scan3A_300, %mul3A_313 : i32
      %add3A_315 = arith.constant 1024 : i32
      %add3A_316 = arith.addi %add3A_315, %mul3A_314 : i32
      %get3A_317 = arith.index_cast %add3A_316 : i32 to index
      %get3A_318 = tpu.vector_load %arg16[%get3A_317] {strides = array<i32>} : memref<5120xf32, #tpu.memory_space<vmem>>, vector<16xf32>,
      %get3A_319 = vector.shape_cast %get3A_318 : vector<16xf32> to vector<16xf32>
      %add3A_320 = arith.addf %add3A_312, %get3A_319 : vector<16xf32>
      %mul3A_321 = arith.constant 16 : i32
      %mul3A_322 = arith.muli %scan3A_300, %mul3A_321 : i32
      %add3A_323 = arith.constant 1536 : i32
      %add3A_324 = arith.addi %add3A_323, %mul3A_322 : i32
      %get3A_325 = arith.index_cast %add3A_324 : i32 to index
      %get3A_326 = tpu.vector_load %arg16[%get3A_325] {strides = array<i32>} : memref<5120xf32, #tpu.memory_space<vmem>>, vector<16xf32>,
      %get3A_327 = vector.shape_cast %get3A_326 : vector<16xf32> to vector<16xf32>
      %add3A_328 = arith.addf %add3A_320, %get3A_327 : vector<16xf32>
      %mul3A_329 = arith.constant 16 : i32
      %mul3A_330 = arith.muli %scan3A_300, %mul3A_329 : i32
      %add3A_331 = arith.constant 2048 : i32
      %add3A_332 = arith.addi %add3A_331, %mul3A_330 : i32
      %get3A_333 = arith.index_cast %add3A_332 : i32 to index
      %get3A_334 = tpu.vector_load %arg16[%get3A_333] {strides = array<i32>} : memref<5120xf32, #tpu.memory_space<vmem>>, vector<16xf32>,
      %get3A_335 = vector.shape_cast %get3A_334 : vector<16xf32> to vector<16xf32>
      %add3A_336 = arith.addf %add3A_328, %get3A_335 : vector<16xf32>
      %mul3A_337 = arith.constant 16 : i32
      %mul3A_338 = arith.muli %scan3A_300, %mul3A_337 : i32
      %add3A_339 = arith.constant 2560 : i32
      %add3A_340 = arith.addi %add3A_339, %mul3A_338 : i32
      %get3A_341 = arith.index_cast %add3A_340 : i32 to index
      %get3A_342 = tpu.vector_load %arg16[%get3A_341] {strides = array<i32>} : memref<5120xf32, #tpu.memory_space<vmem>>, vector<16xf32>,
      %get3A_343 = vector.shape_cast %get3A_342 : vector<16xf32> to vector<16xf32>
      %add3A_344 = arith.addf %add3A_336, %get3A_343 : vector<16xf32>
      %mul3A_345 = arith.constant 16 : i32
      %mul3A_346 = arith.muli %scan3A_300, %mul3A_345 : i32
      %add3A_347 = arith.constant 3072 : i32
      %add3A_348 = arith.addi %add3A_347, %mul3A_346 : i32
      %get3A_349 = arith.index_cast %add3A_348 : i32 to index
      %get3A_350 = tpu.vector_load %arg16[%get3A_349] {strides = array<i32>} : memref<5120xf32, #tpu.memory_space<vmem>>, vector<16xf32>,
      %get3A_351 = vector.shape_cast %get3A_350 : vector<16xf32> to vector<16xf32>
      %add3A_352 = arith.addf %add3A_344, %get3A_351 : vector<16xf32>
      %mul3A_353 = arith.constant 16 : i32
      %mul3A_354 = arith.muli %scan3A_300, %mul3A_353 : i32
      %add3A_355 = arith.constant 3584 : i32
      %add3A_356 = arith.addi %add3A_355, %mul3A_354 : i32
      %get3A_357 = arith.index_cast %add3A_356 : i32 to index
      %get3A_358 = tpu.vector_load %arg16[%get3A_357] {strides = array<i32>} : memref<5120xf32, #tpu.memory_space<vmem>>, vector<16xf32>,
      %get3A_359 = vector.shape_cast %get3A_358 : vector<16xf32> to vector<16xf32>
      %add3A_360 = arith.addf %add3A_352, %get3A_359 : vector<16xf32>
      %mul3A_361 = arith.constant 16 : i32
      %mul3A_362 = arith.muli %scan3A_300, %mul3A_361 : i32
      %add3A_363 = arith.constant 4096 : i32
      %add3A_364 = arith.addi %add3A_363, %mul3A_362 : i32
      %get3A_365 = arith.index_cast %add3A_364 : i32 to index
      %get3A_366 = tpu.vector_load %arg16[%get3A_365] {strides = array<i32>} : memref<5120xf32, #tpu.memory_space<vmem>>, vector<16xf32>,
      %get3A_367 = vector.shape_cast %get3A_366 : vector<16xf32> to vector<16xf32>
      %add3A_368 = arith.addf %add3A_360, %get3A_367 : vector<16xf32>
      %mul3A_369 = arith.constant 16 : i32
      %mul3A_370 = arith.muli %scan3A_300, %mul3A_369 : i32
      %add3A_371 = arith.constant 4608 : i32
      %add3A_372 = arith.addi %add3A_371, %mul3A_370 : i32
      %get3A_373 = arith.index_cast %add3A_372 : i32 to index
      %get3A_374 = tpu.vector_load %arg16[%get3A_373] {strides = array<i32>} : memref<5120xf32, #tpu.memory_space<vmem>>, vector<16xf32>,
      %get3A_375 = vector.shape_cast %get3A_374 : vector<16xf32> to vector<16xf32>
      %add3A_376 = arith.addf %add3A_368, %get3A_375 : vector<16xf32>
      %mul3A_377 = arith.constant 16 : i32
      %mul3A_378 = arith.muli %scan3A_300, %mul3A_377 : i32
      %get3A_379 = arith.index_cast %mul3A_378 : i32 to index
      %get3A_380 = tpu.vector_load %arg25[%get3A_379] {strides = array<i32>} : memref<512xf32, #tpu.memory_space<vmem>>, vector<16xf32>,
      %get3A_381 = vector.shape_cast %get3A_380 : vector<16xf32> to vector<16xf32>
      %add3A_382 = arith.addf %get3A_381, %add3A_376 : vector<16xf32>
      %mul3A_383 = arith.constant 16 : i32
      %mul3A_384 = arith.muli %scan3A_300, %mul3A_383 : i32
      %swap3A = arith.index_cast %mul3A_384 : i32 to index
      %swap3A_385 = tpu.vector_load %arg25[%swap3A] {strides = array<i32>} : memref<512xf32, #tpu.memory_space<vmem>>, vector<16xf32>,
      %swap3A_386 = vector.shape_cast %swap3A_385 : vector<16xf32> to vector<16xf32>
      %swap3A_387 = vector.shape_cast %add3A_382 : vector<16xf32> to vector<16xf32>
      tpu.vector_store %arg25[%swap3A], %swap3A_387 {strides = array<i32>} : memref<512xf32, #tpu.memory_space<vmem>>, vector<16xf32>,
    }
    %scan3A_119 = arith.constant 32 : i32
    %scan3A_120 = arith.constant 0 : i32
    %scan3A_121 = arith.constant 0 : i32
    %scan3A_122 = arith.constant 10 : i32
    %scan3A_123 = arith.addi %scan3A_121, %scan3A_122 : i32
    %scan3A_124 = arith.constant 1 : i32
    scf.for %scan3A_300 = %scan3A_121 to %scan3A_123 step %scan3A_124  : i32 {
      %add3A_301 = arith.constant 50 : i32
      %add3A_302 = arith.addi %add3A_301, %scan3A_300 : i32
      %mul3A_303 = arith.constant 512 : i32
      %mul3A_304 = arith.muli %scan3A_300, %mul3A_303 : i32
      %dma_wait3A_305 = tpu.memref_slice %arg10[%mul3A_304] : memref<5120xi32, #tpu.memory_space<vmem>> -> memref<512xi32, #tpu.memory_space<vmem>>
      %dma_wait3A_306 = tpu.memref_slice %arg2[%add3A_302, %mul3A_2] : memref<100x16384xi32, #tpu.memory_space<hbm>> -> memref<1x512xi32, #tpu.memory_space<hbm>>
      %dma_wait3A_307 = tpu.memref_squeeze %dma_wait3A_306 : memref<1x512xi32, #tpu.memory_space<hbm>> -> memref<512xi32, #tpu.memory_space<hbm>>
      %dma_wait3A_308 = tpu.memref_slice %arg10[%mul3A_304] : memref<5120xi32, #tpu.memory_space<vmem>> -> memref<512xi32, #tpu.memory_space<vmem>>
      %dma_wait3A_309 = tpu.memref_slice %arg2[%add3A_302, %mul3A_2] : memref<100x16384xi32, #tpu.memory_space<hbm>> -> memref<1x512xi32, #tpu.memory_space<hbm>>
      %dma_wait3A_310 = tpu.memref_squeeze %dma_wait3A_309 : memref<1x512xi32, #tpu.memory_space<hbm>> -> memref<512xi32, #tpu.memory_space<hbm>>
      tpu.wait_dma2 semaphore(%arg26 : memref<!tpu.dma_semaphore, #tpu.memory_space<semaphore_mem>>) src(%dma_wait3A_310 : memref<512xi32, #tpu.memory_space<hbm>>) dst(%dma_wait3A_308 : memref<512xi32, #tpu.memory_space<vmem>>)
    }
    %scan3A_125 = arith.constant 10 : i32
    %dma_start3A_126 = arith.constant 0 : i32
    %dma_start3A_127 = arith.constant 0 : i32
    %dma_start3A_128 = tpu.memref_slice %arg3[%dma_start3A_126, %dma_start3A_127] : memref<1x1000000xf32, #tpu.memory_space<hbm>> -> memref<1x1000000xf32, #tpu.memory_space<hbm>>
    %dma_start3A_129 = tpu.memref_squeeze %dma_start3A_128 : memref<1x1000000xf32, #tpu.memory_space<hbm>> -> memref<1000000xf32, #tpu.memory_space<hbm>>
    %dma_start3A_130 = arith.constant 0 : i32
    %dma_start3A_131 = tpu.memref_slice %dma_start3A_129[%dma_start3A_130] : memref<1000000xf32, #tpu.memory_space<hbm>> -> memref<1000000xf32, #tpu.memory_space<hbm>>
    tpu.enqueue_indirect_dma source(%dma_start3A_131 : memref<1000000xf32, #tpu.memory_space<hbm>>) target(%arg20 : memref<5120xf32, #tpu.memory_space<vmem>>) offsets(%arg10 : memref<5120xi32, #tpu.memory_space<vmem>>) semaphore(%arg27 : memref<!tpu.dma_semaphore, #tpu.memory_space<semaphore_mem>>)
    %scan3A_132 = arith.constant 0 : i32
    %scan3A_133 = arith.constant 0 : i32
    %scan3A_134 = arith.constant 10 : i32
    %scan3A_135 = arith.addi %scan3A_133, %scan3A_134 : i32
    %scan3A_136 = arith.constant 1 : i32
    scf.for %scan3A_300 = %scan3A_133 to %scan3A_135 step %scan3A_136  : i32 {
      %add3A_301 = arith.constant 60 : i32
      %add3A_302 = arith.addi %add3A_301, %scan3A_300 : i32
      %mul3A_303 = arith.constant 512 : i32
      %mul3A_304 = arith.muli %scan3A_300, %mul3A_303 : i32
      %dma_start3A_305 = tpu.memref_slice %arg11[%mul3A_304] : memref<5120xi32, #tpu.memory_space<vmem>> -> memref<512xi32, #tpu.memory_space<vmem>>
      %dma_start3A_306 = tpu.memref_slice %arg2[%add3A_302, %mul3A_2] : memref<100x16384xi32, #tpu.memory_space<hbm>> -> memref<1x512xi32, #tpu.memory_space<hbm>>
      %dma_start3A_307 = tpu.memref_squeeze %dma_start3A_306 : memref<1x512xi32, #tpu.memory_space<hbm>> -> memref<512xi32, #tpu.memory_space<hbm>>
      %dma_start3A_308 = tpu.memref_slice %arg11[%mul3A_304] : memref<5120xi32, #tpu.memory_space<vmem>> -> memref<512xi32, #tpu.memory_space<vmem>>
      %dma_start3A_309 = tpu.memref_slice %arg2[%add3A_302, %mul3A_2] : memref<100x16384xi32, #tpu.memory_space<hbm>> -> memref<1x512xi32, #tpu.memory_space<hbm>>
      %dma_start3A_310 = tpu.memref_squeeze %dma_start3A_309 : memref<1x512xi32, #tpu.memory_space<hbm>> -> memref<512xi32, #tpu.memory_space<hbm>>
      tpu.enqueue_dma source(%dma_start3A_310 : memref<512xi32, #tpu.memory_space<hbm>>) target(%dma_start3A_308 : memref<512xi32, #tpu.memory_space<vmem>>) target_semaphore(%arg26 : memref<!tpu.dma_semaphore, #tpu.memory_space<semaphore_mem>>)
    }
    %scan3A_137 = arith.constant 10 : i32
    %dma_wait3A_138 = arith.constant 0 : i32
    %dma_wait3A_139 = arith.constant 0 : i32
    %dma_wait3A_140 = tpu.memref_slice %arg3[%dma_wait3A_138, %dma_wait3A_139] : memref<1x1000000xf32, #tpu.memory_space<hbm>> -> memref<1x1000000xf32, #tpu.memory_space<hbm>>
    %dma_wait3A_141 = tpu.memref_squeeze %dma_wait3A_140 : memref<1x1000000xf32, #tpu.memory_space<hbm>> -> memref<1000000xf32, #tpu.memory_space<hbm>>
    %dma_wait3A_142 = arith.constant 0 : i32
    %dma_wait3A_143 = tpu.memref_slice %dma_wait3A_141[%dma_wait3A_142] : memref<1000000xf32, #tpu.memory_space<hbm>> -> memref<1000000xf32, #tpu.memory_space<hbm>>
    tpu.wait_indirect_dma semaphore(%arg27 : memref<!tpu.dma_semaphore, #tpu.memory_space<semaphore_mem>>) src(%dma_wait3A_143 : memref<1000000xf32, #tpu.memory_space<hbm>>) dst(%arg17 : memref<5120xf32, #tpu.memory_space<vmem>>)
    %scan3A_144 = arith.constant 0 : i32
    %scan3A_145 = arith.constant 0 : i32
    %scan3A_146 = arith.constant 32 : i32
    %scan3A_147 = arith.addi %scan3A_145, %scan3A_146 : i32
    %scan3A_148 = arith.constant 1 : i32
    scf.for %scan3A_300 = %scan3A_145 to %scan3A_147 step %scan3A_148  : i32 {
      %mul3A_301 = arith.constant 16 : i32
      %mul3A_302 = arith.muli %scan3A_300, %mul3A_301 : i32
      %get3A = arith.index_cast %mul3A_302 : i32 to index
      %get3A_303 = tpu.vector_load %arg17[%get3A] {strides = array<i32>} : memref<5120xf32, #tpu.memory_space<vmem>>, vector<16xf32>,
      %get3A_304 = vector.shape_cast %get3A_303 : vector<16xf32> to vector<16xf32>
      %mul3A_305 = arith.constant 16 : i32
      %mul3A_306 = arith.muli %scan3A_300, %mul3A_305 : i32
      %add3A_307 = arith.constant 512 : i32
      %add3A_308 = arith.addi %add3A_307, %mul3A_306 : i32
      %get3A_309 = arith.index_cast %add3A_308 : i32 to index
      %get3A_310 = tpu.vector_load %arg17[%get3A_309] {strides = array<i32>} : memref<5120xf32, #tpu.memory_space<vmem>>, vector<16xf32>,
      %get3A_311 = vector.shape_cast %get3A_310 : vector<16xf32> to vector<16xf32>
      %add3A_312 = arith.addf %get3A_304, %get3A_311 : vector<16xf32>
      %mul3A_313 = arith.constant 16 : i32
      %mul3A_314 = arith.muli %scan3A_300, %mul3A_313 : i32
      %add3A_315 = arith.constant 1024 : i32
      %add3A_316 = arith.addi %add3A_315, %mul3A_314 : i32
      %get3A_317 = arith.index_cast %add3A_316 : i32 to index
      %get3A_318 = tpu.vector_load %arg17[%get3A_317] {strides = array<i32>} : memref<5120xf32, #tpu.memory_space<vmem>>, vector<16xf32>,
      %get3A_319 = vector.shape_cast %get3A_318 : vector<16xf32> to vector<16xf32>
      %add3A_320 = arith.addf %add3A_312, %get3A_319 : vector<16xf32>
      %mul3A_321 = arith.constant 16 : i32
      %mul3A_322 = arith.muli %scan3A_300, %mul3A_321 : i32
      %add3A_323 = arith.constant 1536 : i32
      %add3A_324 = arith.addi %add3A_323, %mul3A_322 : i32
      %get3A_325 = arith.index_cast %add3A_324 : i32 to index
      %get3A_326 = tpu.vector_load %arg17[%get3A_325] {strides = array<i32>} : memref<5120xf32, #tpu.memory_space<vmem>>, vector<16xf32>,
      %get3A_327 = vector.shape_cast %get3A_326 : vector<16xf32> to vector<16xf32>
      %add3A_328 = arith.addf %add3A_320, %get3A_327 : vector<16xf32>
      %mul3A_329 = arith.constant 16 : i32
      %mul3A_330 = arith.muli %scan3A_300, %mul3A_329 : i32
      %add3A_331 = arith.constant 2048 : i32
      %add3A_332 = arith.addi %add3A_331, %mul3A_330 : i32
      %get3A_333 = arith.index_cast %add3A_332 : i32 to index
      %get3A_334 = tpu.vector_load %arg17[%get3A_333] {strides = array<i32>} : memref<5120xf32, #tpu.memory_space<vmem>>, vector<16xf32>,
      %get3A_335 = vector.shape_cast %get3A_334 : vector<16xf32> to vector<16xf32>
      %add3A_336 = arith.addf %add3A_328, %get3A_335 : vector<16xf32>
      %mul3A_337 = arith.constant 16 : i32
      %mul3A_338 = arith.muli %scan3A_300, %mul3A_337 : i32
      %add3A_339 = arith.constant 2560 : i32
      %add3A_340 = arith.addi %add3A_339, %mul3A_338 : i32
      %get3A_341 = arith.index_cast %add3A_340 : i32 to index
      %get3A_342 = tpu.vector_load %arg17[%get3A_341] {strides = array<i32>} : memref<5120xf32, #tpu.memory_space<vmem>>, vector<16xf32>,
      %get3A_343 = vector.shape_cast %get3A_342 : vector<16xf32> to vector<16xf32>
      %add3A_344 = arith.addf %add3A_336, %get3A_343 : vector<16xf32>
      %mul3A_345 = arith.constant 16 : i32
      %mul3A_346 = arith.muli %scan3A_300, %mul3A_345 : i32
      %add3A_347 = arith.constant 3072 : i32
      %add3A_348 = arith.addi %add3A_347, %mul3A_346 : i32
      %get3A_349 = arith.index_cast %add3A_348 : i32 to index
      %get3A_350 = tpu.vector_load %arg17[%get3A_349] {strides = array<i32>} : memref<5120xf32, #tpu.memory_space<vmem>>, vector<16xf32>,
      %get3A_351 = vector.shape_cast %get3A_350 : vector<16xf32> to vector<16xf32>
      %add3A_352 = arith.addf %add3A_344, %get3A_351 : vector<16xf32>
      %mul3A_353 = arith.constant 16 : i32
      %mul3A_354 = arith.muli %scan3A_300, %mul3A_353 : i32
      %add3A_355 = arith.constant 3584 : i32
      %add3A_356 = arith.addi %add3A_355, %mul3A_354 : i32
      %get3A_357 = arith.index_cast %add3A_356 : i32 to index
      %get3A_358 = tpu.vector_load %arg17[%get3A_357] {strides = array<i32>} : memref<5120xf32, #tpu.memory_space<vmem>>, vector<16xf32>,
      %get3A_359 = vector.shape_cast %get3A_358 : vector<16xf32> to vector<16xf32>
      %add3A_360 = arith.addf %add3A_352, %get3A_359 : vector<16xf32>
      %mul3A_361 = arith.constant 16 : i32
      %mul3A_362 = arith.muli %scan3A_300, %mul3A_361 : i32
      %add3A_363 = arith.constant 4096 : i32
      %add3A_364 = arith.addi %add3A_363, %mul3A_362 : i32
      %get3A_365 = arith.index_cast %add3A_364 : i32 to index
      %get3A_366 = tpu.vector_load %arg17[%get3A_365] {strides = array<i32>} : memref<5120xf32, #tpu.memory_space<vmem>>, vector<16xf32>,
      %get3A_367 = vector.shape_cast %get3A_366 : vector<16xf32> to vector<16xf32>
      %add3A_368 = arith.addf %add3A_360, %get3A_367 : vector<16xf32>
      %mul3A_369 = arith.constant 16 : i32
      %mul3A_370 = arith.muli %scan3A_300, %mul3A_369 : i32
      %add3A_371 = arith.constant 4608 : i32
      %add3A_372 = arith.addi %add3A_371, %mul3A_370 : i32
      %get3A_373 = arith.index_cast %add3A_372 : i32 to index
      %get3A_374 = tpu.vector_load %arg17[%get3A_373] {strides = array<i32>} : memref<5120xf32, #tpu.memory_space<vmem>>, vector<16xf32>,
      %get3A_375 = vector.shape_cast %get3A_374 : vector<16xf32> to vector<16xf32>
      %add3A_376 = arith.addf %add3A_368, %get3A_375 : vector<16xf32>
      %mul3A_377 = arith.constant 16 : i32
      %mul3A_378 = arith.muli %scan3A_300, %mul3A_377 : i32
      %get3A_379 = arith.index_cast %mul3A_378 : i32 to index
      %get3A_380 = tpu.vector_load %arg25[%get3A_379] {strides = array<i32>} : memref<512xf32, #tpu.memory_space<vmem>>, vector<16xf32>,
      %get3A_381 = vector.shape_cast %get3A_380 : vector<16xf32> to vector<16xf32>
      %add3A_382 = arith.addf %get3A_381, %add3A_376 : vector<16xf32>
      %mul3A_383 = arith.constant 16 : i32
      %mul3A_384 = arith.muli %scan3A_300, %mul3A_383 : i32
      %swap3A = arith.index_cast %mul3A_384 : i32 to index
      %swap3A_385 = tpu.vector_load %arg25[%swap3A] {strides = array<i32>} : memref<512xf32, #tpu.memory_space<vmem>>, vector<16xf32>,
      %swap3A_386 = vector.shape_cast %swap3A_385 : vector<16xf32> to vector<16xf32>
      %swap3A_387 = vector.shape_cast %add3A_382 : vector<16xf32> to vector<16xf32>
      tpu.vector_store %arg25[%swap3A], %swap3A_387 {strides = array<i32>} : memref<512xf32, #tpu.memory_space<vmem>>, vector<16xf32>,
    }
    %scan3A_149 = arith.constant 32 : i32
    %scan3A_150 = arith.constant 0 : i32
    %scan3A_151 = arith.constant 0 : i32
    %scan3A_152 = arith.constant 10 : i32
    %scan3A_153 = arith.addi %scan3A_151, %scan3A_152 : i32
    %scan3A_154 = arith.constant 1 : i32
    scf.for %scan3A_300 = %scan3A_151 to %scan3A_153 step %scan3A_154  : i32 {
      %add3A_301 = arith.constant 60 : i32
      %add3A_302 = arith.addi %add3A_301, %scan3A_300 : i32
      %mul3A_303 = arith.constant 512 : i32
      %mul3A_304 = arith.muli %scan3A_300, %mul3A_303 : i32
      %dma_wait3A_305 = tpu.memref_slice %arg11[%mul3A_304] : memref<5120xi32, #tpu.memory_space<vmem>> -> memref<512xi32, #tpu.memory_space<vmem>>
      %dma_wait3A_306 = tpu.memref_slice %arg2[%add3A_302, %mul3A_2] : memref<100x16384xi32, #tpu.memory_space<hbm>> -> memref<1x512xi32, #tpu.memory_space<hbm>>
      %dma_wait3A_307 = tpu.memref_squeeze %dma_wait3A_306 : memref<1x512xi32, #tpu.memory_space<hbm>> -> memref<512xi32, #tpu.memory_space<hbm>>
      %dma_wait3A_308 = tpu.memref_slice %arg11[%mul3A_304] : memref<5120xi32, #tpu.memory_space<vmem>> -> memref<512xi32, #tpu.memory_space<vmem>>
      %dma_wait3A_309 = tpu.memref_slice %arg2[%add3A_302, %mul3A_2] : memref<100x16384xi32, #tpu.memory_space<hbm>> -> memref<1x512xi32, #tpu.memory_space<hbm>>
      %dma_wait3A_310 = tpu.memref_squeeze %dma_wait3A_309 : memref<1x512xi32, #tpu.memory_space<hbm>> -> memref<512xi32, #tpu.memory_space<hbm>>
      tpu.wait_dma2 semaphore(%arg26 : memref<!tpu.dma_semaphore, #tpu.memory_space<semaphore_mem>>) src(%dma_wait3A_310 : memref<512xi32, #tpu.memory_space<hbm>>) dst(%dma_wait3A_308 : memref<512xi32, #tpu.memory_space<vmem>>)
    }
    %scan3A_155 = arith.constant 10 : i32
    %dma_start3A_156 = arith.constant 0 : i32
    %dma_start3A_157 = arith.constant 0 : i32
    %dma_start3A_158 = tpu.memref_slice %arg3[%dma_start3A_156, %dma_start3A_157] : memref<1x1000000xf32, #tpu.memory_space<hbm>> -> memref<1x1000000xf32, #tpu.memory_space<hbm>>
    %dma_start3A_159 = tpu.memref_squeeze %dma_start3A_158 : memref<1x1000000xf32, #tpu.memory_space<hbm>> -> memref<1000000xf32, #tpu.memory_space<hbm>>
    %dma_start3A_160 = arith.constant 0 : i32
    %dma_start3A_161 = tpu.memref_slice %dma_start3A_159[%dma_start3A_160] : memref<1000000xf32, #tpu.memory_space<hbm>> -> memref<1000000xf32, #tpu.memory_space<hbm>>
    tpu.enqueue_indirect_dma source(%dma_start3A_161 : memref<1000000xf32, #tpu.memory_space<hbm>>) target(%arg21 : memref<5120xf32, #tpu.memory_space<vmem>>) offsets(%arg11 : memref<5120xi32, #tpu.memory_space<vmem>>) semaphore(%arg27 : memref<!tpu.dma_semaphore, #tpu.memory_space<semaphore_mem>>)
    %scan3A_162 = arith.constant 0 : i32
    %scan3A_163 = arith.constant 0 : i32
    %scan3A_164 = arith.constant 10 : i32
    %scan3A_165 = arith.addi %scan3A_163, %scan3A_164 : i32
    %scan3A_166 = arith.constant 1 : i32
    scf.for %scan3A_300 = %scan3A_163 to %scan3A_165 step %scan3A_166  : i32 {
      %add3A_301 = arith.constant 70 : i32
      %add3A_302 = arith.addi %add3A_301, %scan3A_300 : i32
      %mul3A_303 = arith.constant 512 : i32
      %mul3A_304 = arith.muli %scan3A_300, %mul3A_303 : i32
      %dma_start3A_305 = tpu.memref_slice %arg12[%mul3A_304] : memref<5120xi32, #tpu.memory_space<vmem>> -> memref<512xi32, #tpu.memory_space<vmem>>
      %dma_start3A_306 = tpu.memref_slice %arg2[%add3A_302, %mul3A_2] : memref<100x16384xi32, #tpu.memory_space<hbm>> -> memref<1x512xi32, #tpu.memory_space<hbm>>
      %dma_start3A_307 = tpu.memref_squeeze %dma_start3A_306 : memref<1x512xi32, #tpu.memory_space<hbm>> -> memref<512xi32, #tpu.memory_space<hbm>>
      %dma_start3A_308 = tpu.memref_slice %arg12[%mul3A_304] : memref<5120xi32, #tpu.memory_space<vmem>> -> memref<512xi32, #tpu.memory_space<vmem>>
      %dma_start3A_309 = tpu.memref_slice %arg2[%add3A_302, %mul3A_2] : memref<100x16384xi32, #tpu.memory_space<hbm>> -> memref<1x512xi32, #tpu.memory_space<hbm>>
      %dma_start3A_310 = tpu.memref_squeeze %dma_start3A_309 : memref<1x512xi32, #tpu.memory_space<hbm>> -> memref<512xi32, #tpu.memory_space<hbm>>
      tpu.enqueue_dma source(%dma_start3A_310 : memref<512xi32, #tpu.memory_space<hbm>>) target(%dma_start3A_308 : memref<512xi32, #tpu.memory_space<vmem>>) target_semaphore(%arg26 : memref<!tpu.dma_semaphore, #tpu.memory_space<semaphore_mem>>)
    }
    %scan3A_167 = arith.constant 10 : i32
    %dma_wait3A_168 = arith.constant 0 : i32
    %dma_wait3A_169 = arith.constant 0 : i32
    %dma_wait3A_170 = tpu.memref_slice %arg3[%dma_wait3A_168, %dma_wait3A_169] : memref<1x1000000xf32, #tpu.memory_space<hbm>> -> memref<1x1000000xf32, #tpu.memory_space<hbm>>
    %dma_wait3A_171 = tpu.memref_squeeze %dma_wait3A_170 : memref<1x1000000xf32, #tpu.memory_space<hbm>> -> memref<1000000xf32, #tpu.memory_space<hbm>>
    %dma_wait3A_172 = arith.constant 0 : i32
    %dma_wait3A_173 = tpu.memref_slice %dma_wait3A_171[%dma_wait3A_172] : memref<1000000xf32, #tpu.memory_space<hbm>> -> memref<1000000xf32, #tpu.memory_space<hbm>>
    tpu.wait_indirect_dma semaphore(%arg27 : memref<!tpu.dma_semaphore, #tpu.memory_space<semaphore_mem>>) src(%dma_wait3A_173 : memref<1000000xf32, #tpu.memory_space<hbm>>) dst(%arg18 : memref<5120xf32, #tpu.memory_space<vmem>>)
    %scan3A_174 = arith.constant 0 : i32
    %scan3A_175 = arith.constant 0 : i32
    %scan3A_176 = arith.constant 32 : i32
    %scan3A_177 = arith.addi %scan3A_175, %scan3A_176 : i32
    %scan3A_178 = arith.constant 1 : i32
    scf.for %scan3A_300 = %scan3A_175 to %scan3A_177 step %scan3A_178  : i32 {
      %mul3A_301 = arith.constant 16 : i32
      %mul3A_302 = arith.muli %scan3A_300, %mul3A_301 : i32
      %get3A = arith.index_cast %mul3A_302 : i32 to index
      %get3A_303 = tpu.vector_load %arg18[%get3A] {strides = array<i32>} : memref<5120xf32, #tpu.memory_space<vmem>>, vector<16xf32>,
      %get3A_304 = vector.shape_cast %get3A_303 : vector<16xf32> to vector<16xf32>
      %mul3A_305 = arith.constant 16 : i32
      %mul3A_306 = arith.muli %scan3A_300, %mul3A_305 : i32
      %add3A_307 = arith.constant 512 : i32
      %add3A_308 = arith.addi %add3A_307, %mul3A_306 : i32
      %get3A_309 = arith.index_cast %add3A_308 : i32 to index
      %get3A_310 = tpu.vector_load %arg18[%get3A_309] {strides = array<i32>} : memref<5120xf32, #tpu.memory_space<vmem>>, vector<16xf32>,
      %get3A_311 = vector.shape_cast %get3A_310 : vector<16xf32> to vector<16xf32>
      %add3A_312 = arith.addf %get3A_304, %get3A_311 : vector<16xf32>
      %mul3A_313 = arith.constant 16 : i32
      %mul3A_314 = arith.muli %scan3A_300, %mul3A_313 : i32
      %add3A_315 = arith.constant 1024 : i32
      %add3A_316 = arith.addi %add3A_315, %mul3A_314 : i32
      %get3A_317 = arith.index_cast %add3A_316 : i32 to index
      %get3A_318 = tpu.vector_load %arg18[%get3A_317] {strides = array<i32>} : memref<5120xf32, #tpu.memory_space<vmem>>, vector<16xf32>,
      %get3A_319 = vector.shape_cast %get3A_318 : vector<16xf32> to vector<16xf32>
      %add3A_320 = arith.addf %add3A_312, %get3A_319 : vector<16xf32>
      %mul3A_321 = arith.constant 16 : i32
      %mul3A_322 = arith.muli %scan3A_300, %mul3A_321 : i32
      %add3A_323 = arith.constant 1536 : i32
      %add3A_324 = arith.addi %add3A_323, %mul3A_322 : i32
      %get3A_325 = arith.index_cast %add3A_324 : i32 to index
      %get3A_326 = tpu.vector_load %arg18[%get3A_325] {strides = array<i32>} : memref<5120xf32, #tpu.memory_space<vmem>>, vector<16xf32>,
      %get3A_327 = vector.shape_cast %get3A_326 : vector<16xf32> to vector<16xf32>
      %add3A_328 = arith.addf %add3A_320, %get3A_327 : vector<16xf32>
      %mul3A_329 = arith.constant 16 : i32
      %mul3A_330 = arith.muli %scan3A_300, %mul3A_329 : i32
      %add3A_331 = arith.constant 2048 : i32
      %add3A_332 = arith.addi %add3A_331, %mul3A_330 : i32
      %get3A_333 = arith.index_cast %add3A_332 : i32 to index
      %get3A_334 = tpu.vector_load %arg18[%get3A_333] {strides = array<i32>} : memref<5120xf32, #tpu.memory_space<vmem>>, vector<16xf32>,
      %get3A_335 = vector.shape_cast %get3A_334 : vector<16xf32> to vector<16xf32>
      %add3A_336 = arith.addf %add3A_328, %get3A_335 : vector<16xf32>
      %mul3A_337 = arith.constant 16 : i32
      %mul3A_338 = arith.muli %scan3A_300, %mul3A_337 : i32
      %add3A_339 = arith.constant 2560 : i32
      %add3A_340 = arith.addi %add3A_339, %mul3A_338 : i32
      %get3A_341 = arith.index_cast %add3A_340 : i32 to index
      %get3A_342 = tpu.vector_load %arg18[%get3A_341] {strides = array<i32>} : memref<5120xf32, #tpu.memory_space<vmem>>, vector<16xf32>,
      %get3A_343 = vector.shape_cast %get3A_342 : vector<16xf32> to vector<16xf32>
      %add3A_344 = arith.addf %add3A_336, %get3A_343 : vector<16xf32>
      %mul3A_345 = arith.constant 16 : i32
      %mul3A_346 = arith.muli %scan3A_300, %mul3A_345 : i32
      %add3A_347 = arith.constant 3072 : i32
      %add3A_348 = arith.addi %add3A_347, %mul3A_346 : i32
      %get3A_349 = arith.index_cast %add3A_348 : i32 to index
      %get3A_350 = tpu.vector_load %arg18[%get3A_349] {strides = array<i32>} : memref<5120xf32, #tpu.memory_space<vmem>>, vector<16xf32>,
      %get3A_351 = vector.shape_cast %get3A_350 : vector<16xf32> to vector<16xf32>
      %add3A_352 = arith.addf %add3A_344, %get3A_351 : vector<16xf32>
      %mul3A_353 = arith.constant 16 : i32
      %mul3A_354 = arith.muli %scan3A_300, %mul3A_353 : i32
      %add3A_355 = arith.constant 3584 : i32
      %add3A_356 = arith.addi %add3A_355, %mul3A_354 : i32
      %get3A_357 = arith.index_cast %add3A_356 : i32 to index
      %get3A_358 = tpu.vector_load %arg18[%get3A_357] {strides = array<i32>} : memref<5120xf32, #tpu.memory_space<vmem>>, vector<16xf32>,
      %get3A_359 = vector.shape_cast %get3A_358 : vector<16xf32> to vector<16xf32>
      %add3A_360 = arith.addf %add3A_352, %get3A_359 : vector<16xf32>
      %mul3A_361 = arith.constant 16 : i32
      %mul3A_362 = arith.muli %scan3A_300, %mul3A_361 : i32
      %add3A_363 = arith.constant 4096 : i32
      %add3A_364 = arith.addi %add3A_363, %mul3A_362 : i32
      %get3A_365 = arith.index_cast %add3A_364 : i32 to index
      %get3A_366 = tpu.vector_load %arg18[%get3A_365] {strides = array<i32>} : memref<5120xf32, #tpu.memory_space<vmem>>, vector<16xf32>,
      %get3A_367 = vector.shape_cast %get3A_366 : vector<16xf32> to vector<16xf32>
      %add3A_368 = arith.addf %add3A_360, %get3A_367 : vector<16xf32>
      %mul3A_369 = arith.constant 16 : i32
      %mul3A_370 = arith.muli %scan3A_300, %mul3A_369 : i32
      %add3A_371 = arith.constant 4608 : i32
      %add3A_372 = arith.addi %add3A_371, %mul3A_370 : i32
      %get3A_373 = arith.index_cast %add3A_372 : i32 to index
      %get3A_374 = tpu.vector_load %arg18[%get3A_373] {strides = array<i32>} : memref<5120xf32, #tpu.memory_space<vmem>>, vector<16xf32>,
      %get3A_375 = vector.shape_cast %get3A_374 : vector<16xf32> to vector<16xf32>
      %add3A_376 = arith.addf %add3A_368, %get3A_375 : vector<16xf32>
      %mul3A_377 = arith.constant 16 : i32
      %mul3A_378 = arith.muli %scan3A_300, %mul3A_377 : i32
      %get3A_379 = arith.index_cast %mul3A_378 : i32 to index
      %get3A_380 = tpu.vector_load %arg25[%get3A_379] {strides = array<i32>} : memref<512xf32, #tpu.memory_space<vmem>>, vector<16xf32>,
      %get3A_381 = vector.shape_cast %get3A_380 : vector<16xf32> to vector<16xf32>
      %add3A_382 = arith.addf %get3A_381, %add3A_376 : vector<16xf32>
      %mul3A_383 = arith.constant 16 : i32
      %mul3A_384 = arith.muli %scan3A_300, %mul3A_383 : i32
      %swap3A = arith.index_cast %mul3A_384 : i32 to index
      %swap3A_385 = tpu.vector_load %arg25[%swap3A] {strides = array<i32>} : memref<512xf32, #tpu.memory_space<vmem>>, vector<16xf32>,
      %swap3A_386 = vector.shape_cast %swap3A_385 : vector<16xf32> to vector<16xf32>
      %swap3A_387 = vector.shape_cast %add3A_382 : vector<16xf32> to vector<16xf32>
      tpu.vector_store %arg25[%swap3A], %swap3A_387 {strides = array<i32>} : memref<512xf32, #tpu.memory_space<vmem>>, vector<16xf32>,
    }
    %scan3A_179 = arith.constant 32 : i32
    %scan3A_180 = arith.constant 0 : i32
    %scan3A_181 = arith.constant 0 : i32
    %scan3A_182 = arith.constant 10 : i32
    %scan3A_183 = arith.addi %scan3A_181, %scan3A_182 : i32
    %scan3A_184 = arith.constant 1 : i32
    scf.for %scan3A_300 = %scan3A_181 to %scan3A_183 step %scan3A_184  : i32 {
      %add3A_301 = arith.constant 70 : i32
      %add3A_302 = arith.addi %add3A_301, %scan3A_300 : i32
      %mul3A_303 = arith.constant 512 : i32
      %mul3A_304 = arith.muli %scan3A_300, %mul3A_303 : i32
      %dma_wait3A_305 = tpu.memref_slice %arg12[%mul3A_304] : memref<5120xi32, #tpu.memory_space<vmem>> -> memref<512xi32, #tpu.memory_space<vmem>>
      %dma_wait3A_306 = tpu.memref_slice %arg2[%add3A_302, %mul3A_2] : memref<100x16384xi32, #tpu.memory_space<hbm>> -> memref<1x512xi32, #tpu.memory_space<hbm>>
      %dma_wait3A_307 = tpu.memref_squeeze %dma_wait3A_306 : memref<1x512xi32, #tpu.memory_space<hbm>> -> memref<512xi32, #tpu.memory_space<hbm>>
      %dma_wait3A_308 = tpu.memref_slice %arg12[%mul3A_304] : memref<5120xi32, #tpu.memory_space<vmem>> -> memref<512xi32, #tpu.memory_space<vmem>>
      %dma_wait3A_309 = tpu.memref_slice %arg2[%add3A_302, %mul3A_2] : memref<100x16384xi32, #tpu.memory_space<hbm>> -> memref<1x512xi32, #tpu.memory_space<hbm>>
      %dma_wait3A_310 = tpu.memref_squeeze %dma_wait3A_309 : memref<1x512xi32, #tpu.memory_space<hbm>> -> memref<512xi32, #tpu.memory_space<hbm>>
      tpu.wait_dma2 semaphore(%arg26 : memref<!tpu.dma_semaphore, #tpu.memory_space<semaphore_mem>>) src(%dma_wait3A_310 : memref<512xi32, #tpu.memory_space<hbm>>) dst(%dma_wait3A_308 : memref<512xi32, #tpu.memory_space<vmem>>)
    }
    %scan3A_185 = arith.constant 10 : i32
    %dma_start3A_186 = arith.constant 0 : i32
    %dma_start3A_187 = arith.constant 0 : i32
    %dma_start3A_188 = tpu.memref_slice %arg3[%dma_start3A_186, %dma_start3A_187] : memref<1x1000000xf32, #tpu.memory_space<hbm>> -> memref<1x1000000xf32, #tpu.memory_space<hbm>>
    %dma_start3A_189 = tpu.memref_squeeze %dma_start3A_188 : memref<1x1000000xf32, #tpu.memory_space<hbm>> -> memref<1000000xf32, #tpu.memory_space<hbm>>
    %dma_start3A_190 = arith.constant 0 : i32
    %dma_start3A_191 = tpu.memref_slice %dma_start3A_189[%dma_start3A_190] : memref<1000000xf32, #tpu.memory_space<hbm>> -> memref<1000000xf32, #tpu.memory_space<hbm>>
    tpu.enqueue_indirect_dma source(%dma_start3A_191 : memref<1000000xf32, #tpu.memory_space<hbm>>) target(%arg22 : memref<5120xf32, #tpu.memory_space<vmem>>) offsets(%arg12 : memref<5120xi32, #tpu.memory_space<vmem>>) semaphore(%arg27 : memref<!tpu.dma_semaphore, #tpu.memory_space<semaphore_mem>>)
    %scan3A_192 = arith.constant 0 : i32
    %scan3A_193 = arith.constant 0 : i32
    %scan3A_194 = arith.constant 10 : i32
    %scan3A_195 = arith.addi %scan3A_193, %scan3A_194 : i32
    %scan3A_196 = arith.constant 1 : i32
    scf.for %scan3A_300 = %scan3A_193 to %scan3A_195 step %scan3A_196  : i32 {
      %add3A_301 = arith.constant 80 : i32
      %add3A_302 = arith.addi %add3A_301, %scan3A_300 : i32
      %mul3A_303 = arith.constant 512 : i32
      %mul3A_304 = arith.muli %scan3A_300, %mul3A_303 : i32
      %dma_start3A_305 = tpu.memref_slice %arg13[%mul3A_304] : memref<5120xi32, #tpu.memory_space<vmem>> -> memref<512xi32, #tpu.memory_space<vmem>>
      %dma_start3A_306 = tpu.memref_slice %arg2[%add3A_302, %mul3A_2] : memref<100x16384xi32, #tpu.memory_space<hbm>> -> memref<1x512xi32, #tpu.memory_space<hbm>>
      %dma_start3A_307 = tpu.memref_squeeze %dma_start3A_306 : memref<1x512xi32, #tpu.memory_space<hbm>> -> memref<512xi32, #tpu.memory_space<hbm>>
      %dma_start3A_308 = tpu.memref_slice %arg13[%mul3A_304] : memref<5120xi32, #tpu.memory_space<vmem>> -> memref<512xi32, #tpu.memory_space<vmem>>
      %dma_start3A_309 = tpu.memref_slice %arg2[%add3A_302, %mul3A_2] : memref<100x16384xi32, #tpu.memory_space<hbm>> -> memref<1x512xi32, #tpu.memory_space<hbm>>
      %dma_start3A_310 = tpu.memref_squeeze %dma_start3A_309 : memref<1x512xi32, #tpu.memory_space<hbm>> -> memref<512xi32, #tpu.memory_space<hbm>>
      tpu.enqueue_dma source(%dma_start3A_310 : memref<512xi32, #tpu.memory_space<hbm>>) target(%dma_start3A_308 : memref<512xi32, #tpu.memory_space<vmem>>) target_semaphore(%arg26 : memref<!tpu.dma_semaphore, #tpu.memory_space<semaphore_mem>>)
    }
    %scan3A_197 = arith.constant 10 : i32
    %dma_wait3A_198 = arith.constant 0 : i32
    %dma_wait3A_199 = arith.constant 0 : i32
    %dma_wait3A_200 = tpu.memref_slice %arg3[%dma_wait3A_198, %dma_wait3A_199] : memref<1x1000000xf32, #tpu.memory_space<hbm>> -> memref<1x1000000xf32, #tpu.memory_space<hbm>>
    %dma_wait3A_201 = tpu.memref_squeeze %dma_wait3A_200 : memref<1x1000000xf32, #tpu.memory_space<hbm>> -> memref<1000000xf32, #tpu.memory_space<hbm>>
    %dma_wait3A_202 = arith.constant 0 : i32
    %dma_wait3A_203 = tpu.memref_slice %dma_wait3A_201[%dma_wait3A_202] : memref<1000000xf32, #tpu.memory_space<hbm>> -> memref<1000000xf32, #tpu.memory_space<hbm>>
    tpu.wait_indirect_dma semaphore(%arg27 : memref<!tpu.dma_semaphore, #tpu.memory_space<semaphore_mem>>) src(%dma_wait3A_203 : memref<1000000xf32, #tpu.memory_space<hbm>>) dst(%arg19 : memref<5120xf32, #tpu.memory_space<vmem>>)
    %scan3A_204 = arith.constant 0 : i32
    %scan3A_205 = arith.constant 0 : i32
    %scan3A_206 = arith.constant 32 : i32
    %scan3A_207 = arith.addi %scan3A_205, %scan3A_206 : i32
    %scan3A_208 = arith.constant 1 : i32
    scf.for %scan3A_300 = %scan3A_205 to %scan3A_207 step %scan3A_208  : i32 {
      %mul3A_301 = arith.constant 16 : i32
      %mul3A_302 = arith.muli %scan3A_300, %mul3A_301 : i32
      %get3A = arith.index_cast %mul3A_302 : i32 to index
      %get3A_303 = tpu.vector_load %arg19[%get3A] {strides = array<i32>} : memref<5120xf32, #tpu.memory_space<vmem>>, vector<16xf32>,
      %get3A_304 = vector.shape_cast %get3A_303 : vector<16xf32> to vector<16xf32>
      %mul3A_305 = arith.constant 16 : i32
      %mul3A_306 = arith.muli %scan3A_300, %mul3A_305 : i32
      %add3A_307 = arith.constant 512 : i32
      %add3A_308 = arith.addi %add3A_307, %mul3A_306 : i32
      %get3A_309 = arith.index_cast %add3A_308 : i32 to index
      %get3A_310 = tpu.vector_load %arg19[%get3A_309] {strides = array<i32>} : memref<5120xf32, #tpu.memory_space<vmem>>, vector<16xf32>,
      %get3A_311 = vector.shape_cast %get3A_310 : vector<16xf32> to vector<16xf32>
      %add3A_312 = arith.addf %get3A_304, %get3A_311 : vector<16xf32>
      %mul3A_313 = arith.constant 16 : i32
      %mul3A_314 = arith.muli %scan3A_300, %mul3A_313 : i32
      %add3A_315 = arith.constant 1024 : i32
      %add3A_316 = arith.addi %add3A_315, %mul3A_314 : i32
      %get3A_317 = arith.index_cast %add3A_316 : i32 to index
      %get3A_318 = tpu.vector_load %arg19[%get3A_317] {strides = array<i32>} : memref<5120xf32, #tpu.memory_space<vmem>>, vector<16xf32>,
      %get3A_319 = vector.shape_cast %get3A_318 : vector<16xf32> to vector<16xf32>
      %add3A_320 = arith.addf %add3A_312, %get3A_319 : vector<16xf32>
      %mul3A_321 = arith.constant 16 : i32
      %mul3A_322 = arith.muli %scan3A_300, %mul3A_321 : i32
      %add3A_323 = arith.constant 1536 : i32
      %add3A_324 = arith.addi %add3A_323, %mul3A_322 : i32
      %get3A_325 = arith.index_cast %add3A_324 : i32 to index
      %get3A_326 = tpu.vector_load %arg19[%get3A_325] {strides = array<i32>} : memref<5120xf32, #tpu.memory_space<vmem>>, vector<16xf32>,
      %get3A_327 = vector.shape_cast %get3A_326 : vector<16xf32> to vector<16xf32>
      %add3A_328 = arith.addf %add3A_320, %get3A_327 : vector<16xf32>
      %mul3A_329 = arith.constant 16 : i32
      %mul3A_330 = arith.muli %scan3A_300, %mul3A_329 : i32
      %add3A_331 = arith.constant 2048 : i32
      %add3A_332 = arith.addi %add3A_331, %mul3A_330 : i32
      %get3A_333 = arith.index_cast %add3A_332 : i32 to index
      %get3A_334 = tpu.vector_load %arg19[%get3A_333] {strides = array<i32>} : memref<5120xf32, #tpu.memory_space<vmem>>, vector<16xf32>,
      %get3A_335 = vector.shape_cast %get3A_334 : vector<16xf32> to vector<16xf32>
      %add3A_336 = arith.addf %add3A_328, %get3A_335 : vector<16xf32>
      %mul3A_337 = arith.constant 16 : i32
      %mul3A_338 = arith.muli %scan3A_300, %mul3A_337 : i32
      %add3A_339 = arith.constant 2560 : i32
      %add3A_340 = arith.addi %add3A_339, %mul3A_338 : i32
      %get3A_341 = arith.index_cast %add3A_340 : i32 to index
      %get3A_342 = tpu.vector_load %arg19[%get3A_341] {strides = array<i32>} : memref<5120xf32, #tpu.memory_space<vmem>>, vector<16xf32>,
      %get3A_343 = vector.shape_cast %get3A_342 : vector<16xf32> to vector<16xf32>
      %add3A_344 = arith.addf %add3A_336, %get3A_343 : vector<16xf32>
      %mul3A_345 = arith.constant 16 : i32
      %mul3A_346 = arith.muli %scan3A_300, %mul3A_345 : i32
      %add3A_347 = arith.constant 3072 : i32
      %add3A_348 = arith.addi %add3A_347, %mul3A_346 : i32
      %get3A_349 = arith.index_cast %add3A_348 : i32 to index
      %get3A_350 = tpu.vector_load %arg19[%get3A_349] {strides = array<i32>} : memref<5120xf32, #tpu.memory_space<vmem>>, vector<16xf32>,
      %get3A_351 = vector.shape_cast %get3A_350 : vector<16xf32> to vector<16xf32>
      %add3A_352 = arith.addf %add3A_344, %get3A_351 : vector<16xf32>
      %mul3A_353 = arith.constant 16 : i32
      %mul3A_354 = arith.muli %scan3A_300, %mul3A_353 : i32
      %add3A_355 = arith.constant 3584 : i32
      %add3A_356 = arith.addi %add3A_355, %mul3A_354 : i32
      %get3A_357 = arith.index_cast %add3A_356 : i32 to index
      %get3A_358 = tpu.vector_load %arg19[%get3A_357] {strides = array<i32>} : memref<5120xf32, #tpu.memory_space<vmem>>, vector<16xf32>,
      %get3A_359 = vector.shape_cast %get3A_358 : vector<16xf32> to vector<16xf32>
      %add3A_360 = arith.addf %add3A_352, %get3A_359 : vector<16xf32>
      %mul3A_361 = arith.constant 16 : i32
      %mul3A_362 = arith.muli %scan3A_300, %mul3A_361 : i32
      %add3A_363 = arith.constant 4096 : i32
      %add3A_364 = arith.addi %add3A_363, %mul3A_362 : i32
      %get3A_365 = arith.index_cast %add3A_364 : i32 to index
      %get3A_366 = tpu.vector_load %arg19[%get3A_365] {strides = array<i32>} : memref<5120xf32, #tpu.memory_space<vmem>>, vector<16xf32>,
      %get3A_367 = vector.shape_cast %get3A_366 : vector<16xf32> to vector<16xf32>
      %add3A_368 = arith.addf %add3A_360, %get3A_367 : vector<16xf32>
      %mul3A_369 = arith.constant 16 : i32
      %mul3A_370 = arith.muli %scan3A_300, %mul3A_369 : i32
      %add3A_371 = arith.constant 4608 : i32
      %add3A_372 = arith.addi %add3A_371, %mul3A_370 : i32
      %get3A_373 = arith.index_cast %add3A_372 : i32 to index
      %get3A_374 = tpu.vector_load %arg19[%get3A_373] {strides = array<i32>} : memref<5120xf32, #tpu.memory_space<vmem>>, vector<16xf32>,
      %get3A_375 = vector.shape_cast %get3A_374 : vector<16xf32> to vector<16xf32>
      %add3A_376 = arith.addf %add3A_368, %get3A_375 : vector<16xf32>
      %mul3A_377 = arith.constant 16 : i32
      %mul3A_378 = arith.muli %scan3A_300, %mul3A_377 : i32
      %get3A_379 = arith.index_cast %mul3A_378 : i32 to index
      %get3A_380 = tpu.vector_load %arg25[%get3A_379] {strides = array<i32>} : memref<512xf32, #tpu.memory_space<vmem>>, vector<16xf32>,
      %get3A_381 = vector.shape_cast %get3A_380 : vector<16xf32> to vector<16xf32>
      %add3A_382 = arith.addf %get3A_381, %add3A_376 : vector<16xf32>
      %mul3A_383 = arith.constant 16 : i32
      %mul3A_384 = arith.muli %scan3A_300, %mul3A_383 : i32
      %swap3A = arith.index_cast %mul3A_384 : i32 to index
      %swap3A_385 = tpu.vector_load %arg25[%swap3A] {strides = array<i32>} : memref<512xf32, #tpu.memory_space<vmem>>, vector<16xf32>,
      %swap3A_386 = vector.shape_cast %swap3A_385 : vector<16xf32> to vector<16xf32>
      %swap3A_387 = vector.shape_cast %add3A_382 : vector<16xf32> to vector<16xf32>
      tpu.vector_store %arg25[%swap3A], %swap3A_387 {strides = array<i32>} : memref<512xf32, #tpu.memory_space<vmem>>, vector<16xf32>,
    }
    %scan3A_209 = arith.constant 32 : i32
    %scan3A_210 = arith.constant 0 : i32
    %scan3A_211 = arith.constant 0 : i32
    %scan3A_212 = arith.constant 10 : i32
    %scan3A_213 = arith.addi %scan3A_211, %scan3A_212 : i32
    %scan3A_214 = arith.constant 1 : i32
    scf.for %scan3A_300 = %scan3A_211 to %scan3A_213 step %scan3A_214  : i32 {
      %add3A_301 = arith.constant 80 : i32
      %add3A_302 = arith.addi %add3A_301, %scan3A_300 : i32
      %mul3A_303 = arith.constant 512 : i32
      %mul3A_304 = arith.muli %scan3A_300, %mul3A_303 : i32
      %dma_wait3A_305 = tpu.memref_slice %arg13[%mul3A_304] : memref<5120xi32, #tpu.memory_space<vmem>> -> memref<512xi32, #tpu.memory_space<vmem>>
      %dma_wait3A_306 = tpu.memref_slice %arg2[%add3A_302, %mul3A_2] : memref<100x16384xi32, #tpu.memory_space<hbm>> -> memref<1x512xi32, #tpu.memory_space<hbm>>
      %dma_wait3A_307 = tpu.memref_squeeze %dma_wait3A_306 : memref<1x512xi32, #tpu.memory_space<hbm>> -> memref<512xi32, #tpu.memory_space<hbm>>
      %dma_wait3A_308 = tpu.memref_slice %arg13[%mul3A_304] : memref<5120xi32, #tpu.memory_space<vmem>> -> memref<512xi32, #tpu.memory_space<vmem>>
      %dma_wait3A_309 = tpu.memref_slice %arg2[%add3A_302, %mul3A_2] : memref<100x16384xi32, #tpu.memory_space<hbm>> -> memref<1x512xi32, #tpu.memory_space<hbm>>
      %dma_wait3A_310 = tpu.memref_squeeze %dma_wait3A_309 : memref<1x512xi32, #tpu.memory_space<hbm>> -> memref<512xi32, #tpu.memory_space<hbm>>
      tpu.wait_dma2 semaphore(%arg26 : memref<!tpu.dma_semaphore, #tpu.memory_space<semaphore_mem>>) src(%dma_wait3A_310 : memref<512xi32, #tpu.memory_space<hbm>>) dst(%dma_wait3A_308 : memref<512xi32, #tpu.memory_space<vmem>>)
    }
    %scan3A_215 = arith.constant 10 : i32
    %dma_start3A_216 = arith.constant 0 : i32
    %dma_start3A_217 = arith.constant 0 : i32
    %dma_start3A_218 = tpu.memref_slice %arg3[%dma_start3A_216, %dma_start3A_217] : memref<1x1000000xf32, #tpu.memory_space<hbm>> -> memref<1x1000000xf32, #tpu.memory_space<hbm>>
    %dma_start3A_219 = tpu.memref_squeeze %dma_start3A_218 : memref<1x1000000xf32, #tpu.memory_space<hbm>> -> memref<1000000xf32, #tpu.memory_space<hbm>>
    %dma_start3A_220 = arith.constant 0 : i32
    %dma_start3A_221 = tpu.memref_slice %dma_start3A_219[%dma_start3A_220] : memref<1000000xf32, #tpu.memory_space<hbm>> -> memref<1000000xf32, #tpu.memory_space<hbm>>
    tpu.enqueue_indirect_dma source(%dma_start3A_221 : memref<1000000xf32, #tpu.memory_space<hbm>>) target(%arg23 : memref<5120xf32, #tpu.memory_space<vmem>>) offsets(%arg13 : memref<5120xi32, #tpu.memory_space<vmem>>) semaphore(%arg27 : memref<!tpu.dma_semaphore, #tpu.memory_space<semaphore_mem>>)
    %scan3A_222 = arith.constant 0 : i32
    %scan3A_223 = arith.constant 0 : i32
    %scan3A_224 = arith.constant 10 : i32
    %scan3A_225 = arith.addi %scan3A_223, %scan3A_224 : i32
    %scan3A_226 = arith.constant 1 : i32
    scf.for %scan3A_300 = %scan3A_223 to %scan3A_225 step %scan3A_226  : i32 {
      %add3A_301 = arith.constant 90 : i32
      %add3A_302 = arith.addi %add3A_301, %scan3A_300 : i32
      %mul3A_303 = arith.constant 512 : i32
      %mul3A_304 = arith.muli %scan3A_300, %mul3A_303 : i32
      %dma_start3A_305 = tpu.memref_slice %arg14[%mul3A_304] : memref<5120xi32, #tpu.memory_space<vmem>> -> memref<512xi32, #tpu.memory_space<vmem>>
      %dma_start3A_306 = tpu.memref_slice %arg2[%add3A_302, %mul3A_2] : memref<100x16384xi32, #tpu.memory_space<hbm>> -> memref<1x512xi32, #tpu.memory_space<hbm>>
      %dma_start3A_307 = tpu.memref_squeeze %dma_start3A_306 : memref<1x512xi32, #tpu.memory_space<hbm>> -> memref<512xi32, #tpu.memory_space<hbm>>
      %dma_start3A_308 = tpu.memref_slice %arg14[%mul3A_304] : memref<5120xi32, #tpu.memory_space<vmem>> -> memref<512xi32, #tpu.memory_space<vmem>>
      %dma_start3A_309 = tpu.memref_slice %arg2[%add3A_302, %mul3A_2] : memref<100x16384xi32, #tpu.memory_space<hbm>> -> memref<1x512xi32, #tpu.memory_space<hbm>>
      %dma_start3A_310 = tpu.memref_squeeze %dma_start3A_309 : memref<1x512xi32, #tpu.memory_space<hbm>> -> memref<512xi32, #tpu.memory_space<hbm>>
      tpu.enqueue_dma source(%dma_start3A_310 : memref<512xi32, #tpu.memory_space<hbm>>) target(%dma_start3A_308 : memref<512xi32, #tpu.memory_space<vmem>>) target_semaphore(%arg26 : memref<!tpu.dma_semaphore, #tpu.memory_space<semaphore_mem>>)
    }
    %scan3A_227 = arith.constant 10 : i32
    %dma_wait3A_228 = arith.constant 0 : i32
    %dma_wait3A_229 = arith.constant 0 : i32
    %dma_wait3A_230 = tpu.memref_slice %arg3[%dma_wait3A_228, %dma_wait3A_229] : memref<1x1000000xf32, #tpu.memory_space<hbm>> -> memref<1x1000000xf32, #tpu.memory_space<hbm>>
    %dma_wait3A_231 = tpu.memref_squeeze %dma_wait3A_230 : memref<1x1000000xf32, #tpu.memory_space<hbm>> -> memref<1000000xf32, #tpu.memory_space<hbm>>
    %dma_wait3A_232 = arith.constant 0 : i32
    %dma_wait3A_233 = tpu.memref_slice %dma_wait3A_231[%dma_wait3A_232] : memref<1000000xf32, #tpu.memory_space<hbm>> -> memref<1000000xf32, #tpu.memory_space<hbm>>
    tpu.wait_indirect_dma semaphore(%arg27 : memref<!tpu.dma_semaphore, #tpu.memory_space<semaphore_mem>>) src(%dma_wait3A_233 : memref<1000000xf32, #tpu.memory_space<hbm>>) dst(%arg20 : memref<5120xf32, #tpu.memory_space<vmem>>)
    %scan3A_234 = arith.constant 0 : i32
    %scan3A_235 = arith.constant 0 : i32
    %scan3A_236 = arith.constant 32 : i32
    %scan3A_237 = arith.addi %scan3A_235, %scan3A_236 : i32
    %scan3A_238 = arith.constant 1 : i32
    scf.for %scan3A_300 = %scan3A_235 to %scan3A_237 step %scan3A_238  : i32 {
      %mul3A_301 = arith.constant 16 : i32
      %mul3A_302 = arith.muli %scan3A_300, %mul3A_301 : i32
      %get3A = arith.index_cast %mul3A_302 : i32 to index
      %get3A_303 = tpu.vector_load %arg20[%get3A] {strides = array<i32>} : memref<5120xf32, #tpu.memory_space<vmem>>, vector<16xf32>,
      %get3A_304 = vector.shape_cast %get3A_303 : vector<16xf32> to vector<16xf32>
      %mul3A_305 = arith.constant 16 : i32
      %mul3A_306 = arith.muli %scan3A_300, %mul3A_305 : i32
      %add3A_307 = arith.constant 512 : i32
      %add3A_308 = arith.addi %add3A_307, %mul3A_306 : i32
      %get3A_309 = arith.index_cast %add3A_308 : i32 to index
      %get3A_310 = tpu.vector_load %arg20[%get3A_309] {strides = array<i32>} : memref<5120xf32, #tpu.memory_space<vmem>>, vector<16xf32>,
      %get3A_311 = vector.shape_cast %get3A_310 : vector<16xf32> to vector<16xf32>
      %add3A_312 = arith.addf %get3A_304, %get3A_311 : vector<16xf32>
      %mul3A_313 = arith.constant 16 : i32
      %mul3A_314 = arith.muli %scan3A_300, %mul3A_313 : i32
      %add3A_315 = arith.constant 1024 : i32
      %add3A_316 = arith.addi %add3A_315, %mul3A_314 : i32
      %get3A_317 = arith.index_cast %add3A_316 : i32 to index
      %get3A_318 = tpu.vector_load %arg20[%get3A_317] {strides = array<i32>} : memref<5120xf32, #tpu.memory_space<vmem>>, vector<16xf32>,
      %get3A_319 = vector.shape_cast %get3A_318 : vector<16xf32> to vector<16xf32>
      %add3A_320 = arith.addf %add3A_312, %get3A_319 : vector<16xf32>
      %mul3A_321 = arith.constant 16 : i32
      %mul3A_322 = arith.muli %scan3A_300, %mul3A_321 : i32
      %add3A_323 = arith.constant 1536 : i32
      %add3A_324 = arith.addi %add3A_323, %mul3A_322 : i32
      %get3A_325 = arith.index_cast %add3A_324 : i32 to index
      %get3A_326 = tpu.vector_load %arg20[%get3A_325] {strides = array<i32>} : memref<5120xf32, #tpu.memory_space<vmem>>, vector<16xf32>,
      %get3A_327 = vector.shape_cast %get3A_326 : vector<16xf32> to vector<16xf32>
      %add3A_328 = arith.addf %add3A_320, %get3A_327 : vector<16xf32>
      %mul3A_329 = arith.constant 16 : i32
      %mul3A_330 = arith.muli %scan3A_300, %mul3A_329 : i32
      %add3A_331 = arith.constant 2048 : i32
      %add3A_332 = arith.addi %add3A_331, %mul3A_330 : i32
      %get3A_333 = arith.index_cast %add3A_332 : i32 to index
      %get3A_334 = tpu.vector_load %arg20[%get3A_333] {strides = array<i32>} : memref<5120xf32, #tpu.memory_space<vmem>>, vector<16xf32>,
      %get3A_335 = vector.shape_cast %get3A_334 : vector<16xf32> to vector<16xf32>
      %add3A_336 = arith.addf %add3A_328, %get3A_335 : vector<16xf32>
      %mul3A_337 = arith.constant 16 : i32
      %mul3A_338 = arith.muli %scan3A_300, %mul3A_337 : i32
      %add3A_339 = arith.constant 2560 : i32
      %add3A_340 = arith.addi %add3A_339, %mul3A_338 : i32
      %get3A_341 = arith.index_cast %add3A_340 : i32 to index
      %get3A_342 = tpu.vector_load %arg20[%get3A_341] {strides = array<i32>} : memref<5120xf32, #tpu.memory_space<vmem>>, vector<16xf32>,
      %get3A_343 = vector.shape_cast %get3A_342 : vector<16xf32> to vector<16xf32>
      %add3A_344 = arith.addf %add3A_336, %get3A_343 : vector<16xf32>
      %mul3A_345 = arith.constant 16 : i32
      %mul3A_346 = arith.muli %scan3A_300, %mul3A_345 : i32
      %add3A_347 = arith.constant 3072 : i32
      %add3A_348 = arith.addi %add3A_347, %mul3A_346 : i32
      %get3A_349 = arith.index_cast %add3A_348 : i32 to index
      %get3A_350 = tpu.vector_load %arg20[%get3A_349] {strides = array<i32>} : memref<5120xf32, #tpu.memory_space<vmem>>, vector<16xf32>,
      %get3A_351 = vector.shape_cast %get3A_350 : vector<16xf32> to vector<16xf32>
      %add3A_352 = arith.addf %add3A_344, %get3A_351 : vector<16xf32>
      %mul3A_353 = arith.constant 16 : i32
      %mul3A_354 = arith.muli %scan3A_300, %mul3A_353 : i32
      %add3A_355 = arith.constant 3584 : i32
      %add3A_356 = arith.addi %add3A_355, %mul3A_354 : i32
      %get3A_357 = arith.index_cast %add3A_356 : i32 to index
      %get3A_358 = tpu.vector_load %arg20[%get3A_357] {strides = array<i32>} : memref<5120xf32, #tpu.memory_space<vmem>>, vector<16xf32>,
      %get3A_359 = vector.shape_cast %get3A_358 : vector<16xf32> to vector<16xf32>
      %add3A_360 = arith.addf %add3A_352, %get3A_359 : vector<16xf32>
      %mul3A_361 = arith.constant 16 : i32
      %mul3A_362 = arith.muli %scan3A_300, %mul3A_361 : i32
      %add3A_363 = arith.constant 4096 : i32
      %add3A_364 = arith.addi %add3A_363, %mul3A_362 : i32
      %get3A_365 = arith.index_cast %add3A_364 : i32 to index
      %get3A_366 = tpu.vector_load %arg20[%get3A_365] {strides = array<i32>} : memref<5120xf32, #tpu.memory_space<vmem>>, vector<16xf32>,
      %get3A_367 = vector.shape_cast %get3A_366 : vector<16xf32> to vector<16xf32>
      %add3A_368 = arith.addf %add3A_360, %get3A_367 : vector<16xf32>
      %mul3A_369 = arith.constant 16 : i32
      %mul3A_370 = arith.muli %scan3A_300, %mul3A_369 : i32
      %add3A_371 = arith.constant 4608 : i32
      %add3A_372 = arith.addi %add3A_371, %mul3A_370 : i32
      %get3A_373 = arith.index_cast %add3A_372 : i32 to index
      %get3A_374 = tpu.vector_load %arg20[%get3A_373] {strides = array<i32>} : memref<5120xf32, #tpu.memory_space<vmem>>, vector<16xf32>,
      %get3A_375 = vector.shape_cast %get3A_374 : vector<16xf32> to vector<16xf32>
      %add3A_376 = arith.addf %add3A_368, %get3A_375 : vector<16xf32>
      %mul3A_377 = arith.constant 16 : i32
      %mul3A_378 = arith.muli %scan3A_300, %mul3A_377 : i32
      %get3A_379 = arith.index_cast %mul3A_378 : i32 to index
      %get3A_380 = tpu.vector_load %arg25[%get3A_379] {strides = array<i32>} : memref<512xf32, #tpu.memory_space<vmem>>, vector<16xf32>,
      %get3A_381 = vector.shape_cast %get3A_380 : vector<16xf32> to vector<16xf32>
      %add3A_382 = arith.addf %get3A_381, %add3A_376 : vector<16xf32>
      %mul3A_383 = arith.constant 16 : i32
      %mul3A_384 = arith.muli %scan3A_300, %mul3A_383 : i32
      %swap3A = arith.index_cast %mul3A_384 : i32 to index
      %swap3A_385 = tpu.vector_load %arg25[%swap3A] {strides = array<i32>} : memref<512xf32, #tpu.memory_space<vmem>>, vector<16xf32>,
      %swap3A_386 = vector.shape_cast %swap3A_385 : vector<16xf32> to vector<16xf32>
      %swap3A_387 = vector.shape_cast %add3A_382 : vector<16xf32> to vector<16xf32>
      tpu.vector_store %arg25[%swap3A], %swap3A_387 {strides = array<i32>} : memref<512xf32, #tpu.memory_space<vmem>>, vector<16xf32>,
    }
    %scan3A_239 = arith.constant 32 : i32
    %scan3A_240 = arith.constant 0 : i32
    %scan3A_241 = arith.constant 0 : i32
    %scan3A_242 = arith.constant 10 : i32
    %scan3A_243 = arith.addi %scan3A_241, %scan3A_242 : i32
    %scan3A_244 = arith.constant 1 : i32
    scf.for %scan3A_300 = %scan3A_241 to %scan3A_243 step %scan3A_244  : i32 {
      %add3A_301 = arith.constant 90 : i32
      %add3A_302 = arith.addi %add3A_301, %scan3A_300 : i32
      %mul3A_303 = arith.constant 512 : i32
      %mul3A_304 = arith.muli %scan3A_300, %mul3A_303 : i32
      %dma_wait3A_305 = tpu.memref_slice %arg14[%mul3A_304] : memref<5120xi32, #tpu.memory_space<vmem>> -> memref<512xi32, #tpu.memory_space<vmem>>
      %dma_wait3A_306 = tpu.memref_slice %arg2[%add3A_302, %mul3A_2] : memref<100x16384xi32, #tpu.memory_space<hbm>> -> memref<1x512xi32, #tpu.memory_space<hbm>>
      %dma_wait3A_307 = tpu.memref_squeeze %dma_wait3A_306 : memref<1x512xi32, #tpu.memory_space<hbm>> -> memref<512xi32, #tpu.memory_space<hbm>>
      %dma_wait3A_308 = tpu.memref_slice %arg14[%mul3A_304] : memref<5120xi32, #tpu.memory_space<vmem>> -> memref<512xi32, #tpu.memory_space<vmem>>
      %dma_wait3A_309 = tpu.memref_slice %arg2[%add3A_302, %mul3A_2] : memref<100x16384xi32, #tpu.memory_space<hbm>> -> memref<1x512xi32, #tpu.memory_space<hbm>>
      %dma_wait3A_310 = tpu.memref_squeeze %dma_wait3A_309 : memref<1x512xi32, #tpu.memory_space<hbm>> -> memref<512xi32, #tpu.memory_space<hbm>>
      tpu.wait_dma2 semaphore(%arg26 : memref<!tpu.dma_semaphore, #tpu.memory_space<semaphore_mem>>) src(%dma_wait3A_310 : memref<512xi32, #tpu.memory_space<hbm>>) dst(%dma_wait3A_308 : memref<512xi32, #tpu.memory_space<vmem>>)
    }
    %scan3A_245 = arith.constant 10 : i32
    %dma_start3A_246 = arith.constant 0 : i32
    %dma_start3A_247 = arith.constant 0 : i32
    %dma_start3A_248 = tpu.memref_slice %arg3[%dma_start3A_246, %dma_start3A_247] : memref<1x1000000xf32, #tpu.memory_space<hbm>> -> memref<1x1000000xf32, #tpu.memory_space<hbm>>
    %dma_start3A_249 = tpu.memref_squeeze %dma_start3A_248 : memref<1x1000000xf32, #tpu.memory_space<hbm>> -> memref<1000000xf32, #tpu.memory_space<hbm>>
    %dma_start3A_250 = arith.constant 0 : i32
    %dma_start3A_251 = tpu.memref_slice %dma_start3A_249[%dma_start3A_250] : memref<1000000xf32, #tpu.memory_space<hbm>> -> memref<1000000xf32, #tpu.memory_space<hbm>>
    tpu.enqueue_indirect_dma source(%dma_start3A_251 : memref<1000000xf32, #tpu.memory_space<hbm>>) target(%arg24 : memref<5120xf32, #tpu.memory_space<vmem>>) offsets(%arg14 : memref<5120xi32, #tpu.memory_space<vmem>>) semaphore(%arg27 : memref<!tpu.dma_semaphore, #tpu.memory_space<semaphore_mem>>)
    %dma_wait3A_252 = arith.constant 0 : i32
    %dma_wait3A_253 = arith.constant 0 : i32
    %dma_wait3A_254 = tpu.memref_slice %arg3[%dma_wait3A_252, %dma_wait3A_253] : memref<1x1000000xf32, #tpu.memory_space<hbm>> -> memref<1x1000000xf32, #tpu.memory_space<hbm>>
    %dma_wait3A_255 = tpu.memref_squeeze %dma_wait3A_254 : memref<1x1000000xf32, #tpu.memory_space<hbm>> -> memref<1000000xf32, #tpu.memory_space<hbm>>
    %dma_wait3A_256 = arith.constant 0 : i32
    %dma_wait3A_257 = tpu.memref_slice %dma_wait3A_255[%dma_wait3A_256] : memref<1000000xf32, #tpu.memory_space<hbm>> -> memref<1000000xf32, #tpu.memory_space<hbm>>
    tpu.wait_indirect_dma semaphore(%arg27 : memref<!tpu.dma_semaphore, #tpu.memory_space<semaphore_mem>>) src(%dma_wait3A_257 : memref<1000000xf32, #tpu.memory_space<hbm>>) dst(%arg21 : memref<5120xf32, #tpu.memory_space<vmem>>)
    %scan3A_258 = arith.constant 0 : i32
    %scan3A_259 = arith.constant 0 : i32
    %scan3A_260 = arith.constant 32 : i32
    %scan3A_261 = arith.addi %scan3A_259, %scan3A_260 : i32
    %scan3A_262 = arith.constant 1 : i32
    scf.for %scan3A_300 = %scan3A_259 to %scan3A_261 step %scan3A_262  : i32 {
      %mul3A_301 = arith.constant 16 : i32
      %mul3A_302 = arith.muli %scan3A_300, %mul3A_301 : i32
      %get3A = arith.index_cast %mul3A_302 : i32 to index
      %get3A_303 = tpu.vector_load %arg21[%get3A] {strides = array<i32>} : memref<5120xf32, #tpu.memory_space<vmem>>, vector<16xf32>,
      %get3A_304 = vector.shape_cast %get3A_303 : vector<16xf32> to vector<16xf32>
      %mul3A_305 = arith.constant 16 : i32
      %mul3A_306 = arith.muli %scan3A_300, %mul3A_305 : i32
      %add3A_307 = arith.constant 512 : i32
      %add3A_308 = arith.addi %add3A_307, %mul3A_306 : i32
      %get3A_309 = arith.index_cast %add3A_308 : i32 to index
      %get3A_310 = tpu.vector_load %arg21[%get3A_309] {strides = array<i32>} : memref<5120xf32, #tpu.memory_space<vmem>>, vector<16xf32>,
      %get3A_311 = vector.shape_cast %get3A_310 : vector<16xf32> to vector<16xf32>
      %add3A_312 = arith.addf %get3A_304, %get3A_311 : vector<16xf32>
      %mul3A_313 = arith.constant 16 : i32
      %mul3A_314 = arith.muli %scan3A_300, %mul3A_313 : i32
      %add3A_315 = arith.constant 1024 : i32
      %add3A_316 = arith.addi %add3A_315, %mul3A_314 : i32
      %get3A_317 = arith.index_cast %add3A_316 : i32 to index
      %get3A_318 = tpu.vector_load %arg21[%get3A_317] {strides = array<i32>} : memref<5120xf32, #tpu.memory_space<vmem>>, vector<16xf32>,
      %get3A_319 = vector.shape_cast %get3A_318 : vector<16xf32> to vector<16xf32>
      %add3A_320 = arith.addf %add3A_312, %get3A_319 : vector<16xf32>
      %mul3A_321 = arith.constant 16 : i32
      %mul3A_322 = arith.muli %scan3A_300, %mul3A_321 : i32
      %add3A_323 = arith.constant 1536 : i32
      %add3A_324 = arith.addi %add3A_323, %mul3A_322 : i32
      %get3A_325 = arith.index_cast %add3A_324 : i32 to index
      %get3A_326 = tpu.vector_load %arg21[%get3A_325] {strides = array<i32>} : memref<5120xf32, #tpu.memory_space<vmem>>, vector<16xf32>,
      %get3A_327 = vector.shape_cast %get3A_326 : vector<16xf32> to vector<16xf32>
      %add3A_328 = arith.addf %add3A_320, %get3A_327 : vector<16xf32>
      %mul3A_329 = arith.constant 16 : i32
      %mul3A_330 = arith.muli %scan3A_300, %mul3A_329 : i32
      %add3A_331 = arith.constant 2048 : i32
      %add3A_332 = arith.addi %add3A_331, %mul3A_330 : i32
      %get3A_333 = arith.index_cast %add3A_332 : i32 to index
      %get3A_334 = tpu.vector_load %arg21[%get3A_333] {strides = array<i32>} : memref<5120xf32, #tpu.memory_space<vmem>>, vector<16xf32>,
      %get3A_335 = vector.shape_cast %get3A_334 : vector<16xf32> to vector<16xf32>
      %add3A_336 = arith.addf %add3A_328, %get3A_335 : vector<16xf32>
      %mul3A_337 = arith.constant 16 : i32
      %mul3A_338 = arith.muli %scan3A_300, %mul3A_337 : i32
      %add3A_339 = arith.constant 2560 : i32
      %add3A_340 = arith.addi %add3A_339, %mul3A_338 : i32
      %get3A_341 = arith.index_cast %add3A_340 : i32 to index
      %get3A_342 = tpu.vector_load %arg21[%get3A_341] {strides = array<i32>} : memref<5120xf32, #tpu.memory_space<vmem>>, vector<16xf32>,
      %get3A_343 = vector.shape_cast %get3A_342 : vector<16xf32> to vector<16xf32>
      %add3A_344 = arith.addf %add3A_336, %get3A_343 : vector<16xf32>
      %mul3A_345 = arith.constant 16 : i32
      %mul3A_346 = arith.muli %scan3A_300, %mul3A_345 : i32
      %add3A_347 = arith.constant 3072 : i32
      %add3A_348 = arith.addi %add3A_347, %mul3A_346 : i32
      %get3A_349 = arith.index_cast %add3A_348 : i32 to index
      %get3A_350 = tpu.vector_load %arg21[%get3A_349] {strides = array<i32>} : memref<5120xf32, #tpu.memory_space<vmem>>, vector<16xf32>,
      %get3A_351 = vector.shape_cast %get3A_350 : vector<16xf32> to vector<16xf32>
      %add3A_352 = arith.addf %add3A_344, %get3A_351 : vector<16xf32>
      %mul3A_353 = arith.constant 16 : i32
      %mul3A_354 = arith.muli %scan3A_300, %mul3A_353 : i32
      %add3A_355 = arith.constant 3584 : i32
      %add3A_356 = arith.addi %add3A_355, %mul3A_354 : i32
      %get3A_357 = arith.index_cast %add3A_356 : i32 to index
      %get3A_358 = tpu.vector_load %arg21[%get3A_357] {strides = array<i32>} : memref<5120xf32, #tpu.memory_space<vmem>>, vector<16xf32>,
      %get3A_359 = vector.shape_cast %get3A_358 : vector<16xf32> to vector<16xf32>
      %add3A_360 = arith.addf %add3A_352, %get3A_359 : vector<16xf32>
      %mul3A_361 = arith.constant 16 : i32
      %mul3A_362 = arith.muli %scan3A_300, %mul3A_361 : i32
      %add3A_363 = arith.constant 4096 : i32
      %add3A_364 = arith.addi %add3A_363, %mul3A_362 : i32
      %get3A_365 = arith.index_cast %add3A_364 : i32 to index
      %get3A_366 = tpu.vector_load %arg21[%get3A_365] {strides = array<i32>} : memref<5120xf32, #tpu.memory_space<vmem>>, vector<16xf32>,
      %get3A_367 = vector.shape_cast %get3A_366 : vector<16xf32> to vector<16xf32>
      %add3A_368 = arith.addf %add3A_360, %get3A_367 : vector<16xf32>
      %mul3A_369 = arith.constant 16 : i32
      %mul3A_370 = arith.muli %scan3A_300, %mul3A_369 : i32
      %add3A_371 = arith.constant 4608 : i32
      %add3A_372 = arith.addi %add3A_371, %mul3A_370 : i32
      %get3A_373 = arith.index_cast %add3A_372 : i32 to index
      %get3A_374 = tpu.vector_load %arg21[%get3A_373] {strides = array<i32>} : memref<5120xf32, #tpu.memory_space<vmem>>, vector<16xf32>,
      %get3A_375 = vector.shape_cast %get3A_374 : vector<16xf32> to vector<16xf32>
      %add3A_376 = arith.addf %add3A_368, %get3A_375 : vector<16xf32>
      %mul3A_377 = arith.constant 16 : i32
      %mul3A_378 = arith.muli %scan3A_300, %mul3A_377 : i32
      %get3A_379 = arith.index_cast %mul3A_378 : i32 to index
      %get3A_380 = tpu.vector_load %arg25[%get3A_379] {strides = array<i32>} : memref<512xf32, #tpu.memory_space<vmem>>, vector<16xf32>,
      %get3A_381 = vector.shape_cast %get3A_380 : vector<16xf32> to vector<16xf32>
      %add3A_382 = arith.addf %get3A_381, %add3A_376 : vector<16xf32>
      %mul3A_383 = arith.constant 16 : i32
      %mul3A_384 = arith.muli %scan3A_300, %mul3A_383 : i32
      %swap3A = arith.index_cast %mul3A_384 : i32 to index
      %swap3A_385 = tpu.vector_load %arg25[%swap3A] {strides = array<i32>} : memref<512xf32, #tpu.memory_space<vmem>>, vector<16xf32>,
      %swap3A_386 = vector.shape_cast %swap3A_385 : vector<16xf32> to vector<16xf32>
      %swap3A_387 = vector.shape_cast %add3A_382 : vector<16xf32> to vector<16xf32>
      tpu.vector_store %arg25[%swap3A], %swap3A_387 {strides = array<i32>} : memref<512xf32, #tpu.memory_space<vmem>>, vector<16xf32>,
    }
    %scan3A_263 = arith.constant 32 : i32
    %dma_wait3A_264 = arith.constant 0 : i32
    %dma_wait3A_265 = arith.constant 0 : i32
    %dma_wait3A_266 = tpu.memref_slice %arg3[%dma_wait3A_264, %dma_wait3A_265] : memref<1x1000000xf32, #tpu.memory_space<hbm>> -> memref<1x1000000xf32, #tpu.memory_space<hbm>>
    %dma_wait3A_267 = tpu.memref_squeeze %dma_wait3A_266 : memref<1x1000000xf32, #tpu.memory_space<hbm>> -> memref<1000000xf32, #tpu.memory_space<hbm>>
    %dma_wait3A_268 = arith.constant 0 : i32
    %dma_wait3A_269 = tpu.memref_slice %dma_wait3A_267[%dma_wait3A_268] : memref<1000000xf32, #tpu.memory_space<hbm>> -> memref<1000000xf32, #tpu.memory_space<hbm>>
    tpu.wait_indirect_dma semaphore(%arg27 : memref<!tpu.dma_semaphore, #tpu.memory_space<semaphore_mem>>) src(%dma_wait3A_269 : memref<1000000xf32, #tpu.memory_space<hbm>>) dst(%arg22 : memref<5120xf32, #tpu.memory_space<vmem>>)
    %scan3A_270 = arith.constant 0 : i32
    %scan3A_271 = arith.constant 0 : i32
    %scan3A_272 = arith.constant 32 : i32
    %scan3A_273 = arith.addi %scan3A_271, %scan3A_272 : i32
    %scan3A_274 = arith.constant 1 : i32
    scf.for %scan3A_300 = %scan3A_271 to %scan3A_273 step %scan3A_274  : i32 {
      %mul3A_301 = arith.constant 16 : i32
      %mul3A_302 = arith.muli %scan3A_300, %mul3A_301 : i32
      %get3A = arith.index_cast %mul3A_302 : i32 to index
      %get3A_303 = tpu.vector_load %arg22[%get3A] {strides = array<i32>} : memref<5120xf32, #tpu.memory_space<vmem>>, vector<16xf32>,
      %get3A_304 = vector.shape_cast %get3A_303 : vector<16xf32> to vector<16xf32>
      %mul3A_305 = arith.constant 16 : i32
      %mul3A_306 = arith.muli %scan3A_300, %mul3A_305 : i32
      %add3A_307 = arith.constant 512 : i32
      %add3A_308 = arith.addi %add3A_307, %mul3A_306 : i32
      %get3A_309 = arith.index_cast %add3A_308 : i32 to index
      %get3A_310 = tpu.vector_load %arg22[%get3A_309] {strides = array<i32>} : memref<5120xf32, #tpu.memory_space<vmem>>, vector<16xf32>,
      %get3A_311 = vector.shape_cast %get3A_310 : vector<16xf32> to vector<16xf32>
      %add3A_312 = arith.addf %get3A_304, %get3A_311 : vector<16xf32>
      %mul3A_313 = arith.constant 16 : i32
      %mul3A_314 = arith.muli %scan3A_300, %mul3A_313 : i32
      %add3A_315 = arith.constant 1024 : i32
      %add3A_316 = arith.addi %add3A_315, %mul3A_314 : i32
      %get3A_317 = arith.index_cast %add3A_316 : i32 to index
      %get3A_318 = tpu.vector_load %arg22[%get3A_317] {strides = array<i32>} : memref<5120xf32, #tpu.memory_space<vmem>>, vector<16xf32>,
      %get3A_319 = vector.shape_cast %get3A_318 : vector<16xf32> to vector<16xf32>
      %add3A_320 = arith.addf %add3A_312, %get3A_319 : vector<16xf32>
      %mul3A_321 = arith.constant 16 : i32
      %mul3A_322 = arith.muli %scan3A_300, %mul3A_321 : i32
      %add3A_323 = arith.constant 1536 : i32
      %add3A_324 = arith.addi %add3A_323, %mul3A_322 : i32
      %get3A_325 = arith.index_cast %add3A_324 : i32 to index
      %get3A_326 = tpu.vector_load %arg22[%get3A_325] {strides = array<i32>} : memref<5120xf32, #tpu.memory_space<vmem>>, vector<16xf32>,
      %get3A_327 = vector.shape_cast %get3A_326 : vector<16xf32> to vector<16xf32>
      %add3A_328 = arith.addf %add3A_320, %get3A_327 : vector<16xf32>
      %mul3A_329 = arith.constant 16 : i32
      %mul3A_330 = arith.muli %scan3A_300, %mul3A_329 : i32
      %add3A_331 = arith.constant 2048 : i32
      %add3A_332 = arith.addi %add3A_331, %mul3A_330 : i32
      %get3A_333 = arith.index_cast %add3A_332 : i32 to index
      %get3A_334 = tpu.vector_load %arg22[%get3A_333] {strides = array<i32>} : memref<5120xf32, #tpu.memory_space<vmem>>, vector<16xf32>,
      %get3A_335 = vector.shape_cast %get3A_334 : vector<16xf32> to vector<16xf32>
      %add3A_336 = arith.addf %add3A_328, %get3A_335 : vector<16xf32>
      %mul3A_337 = arith.constant 16 : i32
      %mul3A_338 = arith.muli %scan3A_300, %mul3A_337 : i32
      %add3A_339 = arith.constant 2560 : i32
      %add3A_340 = arith.addi %add3A_339, %mul3A_338 : i32
      %get3A_341 = arith.index_cast %add3A_340 : i32 to index
      %get3A_342 = tpu.vector_load %arg22[%get3A_341] {strides = array<i32>} : memref<5120xf32, #tpu.memory_space<vmem>>, vector<16xf32>,
      %get3A_343 = vector.shape_cast %get3A_342 : vector<16xf32> to vector<16xf32>
      %add3A_344 = arith.addf %add3A_336, %get3A_343 : vector<16xf32>
      %mul3A_345 = arith.constant 16 : i32
      %mul3A_346 = arith.muli %scan3A_300, %mul3A_345 : i32
      %add3A_347 = arith.constant 3072 : i32
      %add3A_348 = arith.addi %add3A_347, %mul3A_346 : i32
      %get3A_349 = arith.index_cast %add3A_348 : i32 to index
      %get3A_350 = tpu.vector_load %arg22[%get3A_349] {strides = array<i32>} : memref<5120xf32, #tpu.memory_space<vmem>>, vector<16xf32>,
      %get3A_351 = vector.shape_cast %get3A_350 : vector<16xf32> to vector<16xf32>
      %add3A_352 = arith.addf %add3A_344, %get3A_351 : vector<16xf32>
      %mul3A_353 = arith.constant 16 : i32
      %mul3A_354 = arith.muli %scan3A_300, %mul3A_353 : i32
      %add3A_355 = arith.constant 3584 : i32
      %add3A_356 = arith.addi %add3A_355, %mul3A_354 : i32
      %get3A_357 = arith.index_cast %add3A_356 : i32 to index
      %get3A_358 = tpu.vector_load %arg22[%get3A_357] {strides = array<i32>} : memref<5120xf32, #tpu.memory_space<vmem>>, vector<16xf32>,
      %get3A_359 = vector.shape_cast %get3A_358 : vector<16xf32> to vector<16xf32>
      %add3A_360 = arith.addf %add3A_352, %get3A_359 : vector<16xf32>
      %mul3A_361 = arith.constant 16 : i32
      %mul3A_362 = arith.muli %scan3A_300, %mul3A_361 : i32
      %add3A_363 = arith.constant 4096 : i32
      %add3A_364 = arith.addi %add3A_363, %mul3A_362 : i32
      %get3A_365 = arith.index_cast %add3A_364 : i32 to index
      %get3A_366 = tpu.vector_load %arg22[%get3A_365] {strides = array<i32>} : memref<5120xf32, #tpu.memory_space<vmem>>, vector<16xf32>,
      %get3A_367 = vector.shape_cast %get3A_366 : vector<16xf32> to vector<16xf32>
      %add3A_368 = arith.addf %add3A_360, %get3A_367 : vector<16xf32>
      %mul3A_369 = arith.constant 16 : i32
      %mul3A_370 = arith.muli %scan3A_300, %mul3A_369 : i32
      %add3A_371 = arith.constant 4608 : i32
      %add3A_372 = arith.addi %add3A_371, %mul3A_370 : i32
      %get3A_373 = arith.index_cast %add3A_372 : i32 to index
      %get3A_374 = tpu.vector_load %arg22[%get3A_373] {strides = array<i32>} : memref<5120xf32, #tpu.memory_space<vmem>>, vector<16xf32>,
      %get3A_375 = vector.shape_cast %get3A_374 : vector<16xf32> to vector<16xf32>
      %add3A_376 = arith.addf %add3A_368, %get3A_375 : vector<16xf32>
      %mul3A_377 = arith.constant 16 : i32
      %mul3A_378 = arith.muli %scan3A_300, %mul3A_377 : i32
      %get3A_379 = arith.index_cast %mul3A_378 : i32 to index
      %get3A_380 = tpu.vector_load %arg25[%get3A_379] {strides = array<i32>} : memref<512xf32, #tpu.memory_space<vmem>>, vector<16xf32>,
      %get3A_381 = vector.shape_cast %get3A_380 : vector<16xf32> to vector<16xf32>
      %add3A_382 = arith.addf %get3A_381, %add3A_376 : vector<16xf32>
      %mul3A_383 = arith.constant 16 : i32
      %mul3A_384 = arith.muli %scan3A_300, %mul3A_383 : i32
      %swap3A = arith.index_cast %mul3A_384 : i32 to index
      %swap3A_385 = tpu.vector_load %arg25[%swap3A] {strides = array<i32>} : memref<512xf32, #tpu.memory_space<vmem>>, vector<16xf32>,
      %swap3A_386 = vector.shape_cast %swap3A_385 : vector<16xf32> to vector<16xf32>
      %swap3A_387 = vector.shape_cast %add3A_382 : vector<16xf32> to vector<16xf32>
      tpu.vector_store %arg25[%swap3A], %swap3A_387 {strides = array<i32>} : memref<512xf32, #tpu.memory_space<vmem>>, vector<16xf32>,
    }
    %scan3A_275 = arith.constant 32 : i32
    %dma_wait3A_276 = arith.constant 0 : i32
    %dma_wait3A_277 = arith.constant 0 : i32
    %dma_wait3A_278 = tpu.memref_slice %arg3[%dma_wait3A_276, %dma_wait3A_277] : memref<1x1000000xf32, #tpu.memory_space<hbm>> -> memref<1x1000000xf32, #tpu.memory_space<hbm>>
    %dma_wait3A_279 = tpu.memref_squeeze %dma_wait3A_278 : memref<1x1000000xf32, #tpu.memory_space<hbm>> -> memref<1000000xf32, #tpu.memory_space<hbm>>
    %dma_wait3A_280 = arith.constant 0 : i32
    %dma_wait3A_281 = tpu.memref_slice %dma_wait3A_279[%dma_wait3A_280] : memref<1000000xf32, #tpu.memory_space<hbm>> -> memref<1000000xf32, #tpu.memory_space<hbm>>
    tpu.wait_indirect_dma semaphore(%arg27 : memref<!tpu.dma_semaphore, #tpu.memory_space<semaphore_mem>>) src(%dma_wait3A_281 : memref<1000000xf32, #tpu.memory_space<hbm>>) dst(%arg23 : memref<5120xf32, #tpu.memory_space<vmem>>)
    %scan3A_282 = arith.constant 0 : i32
    %scan3A_283 = arith.constant 0 : i32
    %scan3A_284 = arith.constant 32 : i32
    %scan3A_285 = arith.addi %scan3A_283, %scan3A_284 : i32
    %scan3A_286 = arith.constant 1 : i32
    scf.for %scan3A_300 = %scan3A_283 to %scan3A_285 step %scan3A_286  : i32 {
      %mul3A_301 = arith.constant 16 : i32
      %mul3A_302 = arith.muli %scan3A_300, %mul3A_301 : i32
      %get3A = arith.index_cast %mul3A_302 : i32 to index
      %get3A_303 = tpu.vector_load %arg23[%get3A] {strides = array<i32>} : memref<5120xf32, #tpu.memory_space<vmem>>, vector<16xf32>,
      %get3A_304 = vector.shape_cast %get3A_303 : vector<16xf32> to vector<16xf32>
      %mul3A_305 = arith.constant 16 : i32
      %mul3A_306 = arith.muli %scan3A_300, %mul3A_305 : i32
      %add3A_307 = arith.constant 512 : i32
      %add3A_308 = arith.addi %add3A_307, %mul3A_306 : i32
      %get3A_309 = arith.index_cast %add3A_308 : i32 to index
      %get3A_310 = tpu.vector_load %arg23[%get3A_309] {strides = array<i32>} : memref<5120xf32, #tpu.memory_space<vmem>>, vector<16xf32>,
      %get3A_311 = vector.shape_cast %get3A_310 : vector<16xf32> to vector<16xf32>
      %add3A_312 = arith.addf %get3A_304, %get3A_311 : vector<16xf32>
      %mul3A_313 = arith.constant 16 : i32
      %mul3A_314 = arith.muli %scan3A_300, %mul3A_313 : i32
      %add3A_315 = arith.constant 1024 : i32
      %add3A_316 = arith.addi %add3A_315, %mul3A_314 : i32
      %get3A_317 = arith.index_cast %add3A_316 : i32 to index
      %get3A_318 = tpu.vector_load %arg23[%get3A_317] {strides = array<i32>} : memref<5120xf32, #tpu.memory_space<vmem>>, vector<16xf32>,
      %get3A_319 = vector.shape_cast %get3A_318 : vector<16xf32> to vector<16xf32>
      %add3A_320 = arith.addf %add3A_312, %get3A_319 : vector<16xf32>
      %mul3A_321 = arith.constant 16 : i32
      %mul3A_322 = arith.muli %scan3A_300, %mul3A_321 : i32
      %add3A_323 = arith.constant 1536 : i32
      %add3A_324 = arith.addi %add3A_323, %mul3A_322 : i32
      %get3A_325 = arith.index_cast %add3A_324 : i32 to index
      %get3A_326 = tpu.vector_load %arg23[%get3A_325] {strides = array<i32>} : memref<5120xf32, #tpu.memory_space<vmem>>, vector<16xf32>,
      %get3A_327 = vector.shape_cast %get3A_326 : vector<16xf32> to vector<16xf32>
      %add3A_328 = arith.addf %add3A_320, %get3A_327 : vector<16xf32>
      %mul3A_329 = arith.constant 16 : i32
      %mul3A_330 = arith.muli %scan3A_300, %mul3A_329 : i32
      %add3A_331 = arith.constant 2048 : i32
      %add3A_332 = arith.addi %add3A_331, %mul3A_330 : i32
      %get3A_333 = arith.index_cast %add3A_332 : i32 to index
      %get3A_334 = tpu.vector_load %arg23[%get3A_333] {strides = array<i32>} : memref<5120xf32, #tpu.memory_space<vmem>>, vector<16xf32>,
      %get3A_335 = vector.shape_cast %get3A_334 : vector<16xf32> to vector<16xf32>
      %add3A_336 = arith.addf %add3A_328, %get3A_335 : vector<16xf32>
      %mul3A_337 = arith.constant 16 : i32
      %mul3A_338 = arith.muli %scan3A_300, %mul3A_337 : i32
      %add3A_339 = arith.constant 2560 : i32
      %add3A_340 = arith.addi %add3A_339, %mul3A_338 : i32
      %get3A_341 = arith.index_cast %add3A_340 : i32 to index
      %get3A_342 = tpu.vector_load %arg23[%get3A_341] {strides = array<i32>} : memref<5120xf32, #tpu.memory_space<vmem>>, vector<16xf32>,
      %get3A_343 = vector.shape_cast %get3A_342 : vector<16xf32> to vector<16xf32>
      %add3A_344 = arith.addf %add3A_336, %get3A_343 : vector<16xf32>
      %mul3A_345 = arith.constant 16 : i32
      %mul3A_346 = arith.muli %scan3A_300, %mul3A_345 : i32
      %add3A_347 = arith.constant 3072 : i32
      %add3A_348 = arith.addi %add3A_347, %mul3A_346 : i32
      %get3A_349 = arith.index_cast %add3A_348 : i32 to index
      %get3A_350 = tpu.vector_load %arg23[%get3A_349] {strides = array<i32>} : memref<5120xf32, #tpu.memory_space<vmem>>, vector<16xf32>,
      %get3A_351 = vector.shape_cast %get3A_350 : vector<16xf32> to vector<16xf32>
      %add3A_352 = arith.addf %add3A_344, %get3A_351 : vector<16xf32>
      %mul3A_353 = arith.constant 16 : i32
      %mul3A_354 = arith.muli %scan3A_300, %mul3A_353 : i32
      %add3A_355 = arith.constant 3584 : i32
      %add3A_356 = arith.addi %add3A_355, %mul3A_354 : i32
      %get3A_357 = arith.index_cast %add3A_356 : i32 to index
      %get3A_358 = tpu.vector_load %arg23[%get3A_357] {strides = array<i32>} : memref<5120xf32, #tpu.memory_space<vmem>>, vector<16xf32>,
      %get3A_359 = vector.shape_cast %get3A_358 : vector<16xf32> to vector<16xf32>
      %add3A_360 = arith.addf %add3A_352, %get3A_359 : vector<16xf32>
      %mul3A_361 = arith.constant 16 : i32
      %mul3A_362 = arith.muli %scan3A_300, %mul3A_361 : i32
      %add3A_363 = arith.constant 4096 : i32
      %add3A_364 = arith.addi %add3A_363, %mul3A_362 : i32
      %get3A_365 = arith.index_cast %add3A_364 : i32 to index
      %get3A_366 = tpu.vector_load %arg23[%get3A_365] {strides = array<i32>} : memref<5120xf32, #tpu.memory_space<vmem>>, vector<16xf32>,
      %get3A_367 = vector.shape_cast %get3A_366 : vector<16xf32> to vector<16xf32>
      %add3A_368 = arith.addf %add3A_360, %get3A_367 : vector<16xf32>
      %mul3A_369 = arith.constant 16 : i32
      %mul3A_370 = arith.muli %scan3A_300, %mul3A_369 : i32
      %add3A_371 = arith.constant 4608 : i32
      %add3A_372 = arith.addi %add3A_371, %mul3A_370 : i32
      %get3A_373 = arith.index_cast %add3A_372 : i32 to index
      %get3A_374 = tpu.vector_load %arg23[%get3A_373] {strides = array<i32>} : memref<5120xf32, #tpu.memory_space<vmem>>, vector<16xf32>,
      %get3A_375 = vector.shape_cast %get3A_374 : vector<16xf32> to vector<16xf32>
      %add3A_376 = arith.addf %add3A_368, %get3A_375 : vector<16xf32>
      %mul3A_377 = arith.constant 16 : i32
      %mul3A_378 = arith.muli %scan3A_300, %mul3A_377 : i32
      %get3A_379 = arith.index_cast %mul3A_378 : i32 to index
      %get3A_380 = tpu.vector_load %arg25[%get3A_379] {strides = array<i32>} : memref<512xf32, #tpu.memory_space<vmem>>, vector<16xf32>,
      %get3A_381 = vector.shape_cast %get3A_380 : vector<16xf32> to vector<16xf32>
      %add3A_382 = arith.addf %get3A_381, %add3A_376 : vector<16xf32>
      %mul3A_383 = arith.constant 16 : i32
      %mul3A_384 = arith.muli %scan3A_300, %mul3A_383 : i32
      %swap3A = arith.index_cast %mul3A_384 : i32 to index
      %swap3A_385 = tpu.vector_load %arg25[%swap3A] {strides = array<i32>} : memref<512xf32, #tpu.memory_space<vmem>>, vector<16xf32>,
      %swap3A_386 = vector.shape_cast %swap3A_385 : vector<16xf32> to vector<16xf32>
      %swap3A_387 = vector.shape_cast %add3A_382 : vector<16xf32> to vector<16xf32>
      tpu.vector_store %arg25[%swap3A], %swap3A_387 {strides = array<i32>} : memref<512xf32, #tpu.memory_space<vmem>>, vector<16xf32>,
    }
    %scan3A_287 = arith.constant 32 : i32
    %dma_wait3A_288 = arith.constant 0 : i32
    %dma_wait3A_289 = arith.constant 0 : i32
    %dma_wait3A_290 = tpu.memref_slice %arg3[%dma_wait3A_288, %dma_wait3A_289] : memref<1x1000000xf32, #tpu.memory_space<hbm>> -> memref<1x1000000xf32, #tpu.memory_space<hbm>>
    %dma_wait3A_291 = tpu.memref_squeeze %dma_wait3A_290 : memref<1x1000000xf32, #tpu.memory_space<hbm>> -> memref<1000000xf32, #tpu.memory_space<hbm>>
    %dma_wait3A_292 = arith.constant 0 : i32
    %dma_wait3A_293 = tpu.memref_slice %dma_wait3A_291[%dma_wait3A_292] : memref<1000000xf32, #tpu.memory_space<hbm>> -> memref<1000000xf32, #tpu.memory_space<hbm>>
    tpu.wait_indirect_dma semaphore(%arg27 : memref<!tpu.dma_semaphore, #tpu.memory_space<semaphore_mem>>) src(%dma_wait3A_293 : memref<1000000xf32, #tpu.memory_space<hbm>>) dst(%arg24 : memref<5120xf32, #tpu.memory_space<vmem>>)
    %scan3A_294 = arith.constant 0 : i32
    %scan3A_295 = arith.constant 0 : i32
    %scan3A_296 = arith.constant 32 : i32
    %scan3A_297 = arith.addi %scan3A_295, %scan3A_296 : i32
    %scan3A_298 = arith.constant 1 : i32
    scf.for %scan3A_300 = %scan3A_295 to %scan3A_297 step %scan3A_298  : i32 {
      %mul3A_301 = arith.constant 16 : i32
      %mul3A_302 = arith.muli %scan3A_300, %mul3A_301 : i32
      %get3A = arith.index_cast %mul3A_302 : i32 to index
      %get3A_303 = tpu.vector_load %arg24[%get3A] {strides = array<i32>} : memref<5120xf32, #tpu.memory_space<vmem>>, vector<16xf32>,
      %get3A_304 = vector.shape_cast %get3A_303 : vector<16xf32> to vector<16xf32>
      %mul3A_305 = arith.constant 16 : i32
      %mul3A_306 = arith.muli %scan3A_300, %mul3A_305 : i32
      %add3A_307 = arith.constant 512 : i32
      %add3A_308 = arith.addi %add3A_307, %mul3A_306 : i32
      %get3A_309 = arith.index_cast %add3A_308 : i32 to index
      %get3A_310 = tpu.vector_load %arg24[%get3A_309] {strides = array<i32>} : memref<5120xf32, #tpu.memory_space<vmem>>, vector<16xf32>,
      %get3A_311 = vector.shape_cast %get3A_310 : vector<16xf32> to vector<16xf32>
      %add3A_312 = arith.addf %get3A_304, %get3A_311 : vector<16xf32>
      %mul3A_313 = arith.constant 16 : i32
      %mul3A_314 = arith.muli %scan3A_300, %mul3A_313 : i32
      %add3A_315 = arith.constant 1024 : i32
      %add3A_316 = arith.addi %add3A_315, %mul3A_314 : i32
      %get3A_317 = arith.index_cast %add3A_316 : i32 to index
      %get3A_318 = tpu.vector_load %arg24[%get3A_317] {strides = array<i32>} : memref<5120xf32, #tpu.memory_space<vmem>>, vector<16xf32>,
      %get3A_319 = vector.shape_cast %get3A_318 : vector<16xf32> to vector<16xf32>
      %add3A_320 = arith.addf %add3A_312, %get3A_319 : vector<16xf32>
      %mul3A_321 = arith.constant 16 : i32
      %mul3A_322 = arith.muli %scan3A_300, %mul3A_321 : i32
      %add3A_323 = arith.constant 1536 : i32
      %add3A_324 = arith.addi %add3A_323, %mul3A_322 : i32
      %get3A_325 = arith.index_cast %add3A_324 : i32 to index
      %get3A_326 = tpu.vector_load %arg24[%get3A_325] {strides = array<i32>} : memref<5120xf32, #tpu.memory_space<vmem>>, vector<16xf32>,
      %get3A_327 = vector.shape_cast %get3A_326 : vector<16xf32> to vector<16xf32>
      %add3A_328 = arith.addf %add3A_320, %get3A_327 : vector<16xf32>
      %mul3A_329 = arith.constant 16 : i32
      %mul3A_330 = arith.muli %scan3A_300, %mul3A_329 : i32
      %add3A_331 = arith.constant 2048 : i32
      %add3A_332 = arith.addi %add3A_331, %mul3A_330 : i32
      %get3A_333 = arith.index_cast %add3A_332 : i32 to index
      %get3A_334 = tpu.vector_load %arg24[%get3A_333] {strides = array<i32>} : memref<5120xf32, #tpu.memory_space<vmem>>, vector<16xf32>,
      %get3A_335 = vector.shape_cast %get3A_334 : vector<16xf32> to vector<16xf32>
      %add3A_336 = arith.addf %add3A_328, %get3A_335 : vector<16xf32>
      %mul3A_337 = arith.constant 16 : i32
      %mul3A_338 = arith.muli %scan3A_300, %mul3A_337 : i32
      %add3A_339 = arith.constant 2560 : i32
      %add3A_340 = arith.addi %add3A_339, %mul3A_338 : i32
      %get3A_341 = arith.index_cast %add3A_340 : i32 to index
      %get3A_342 = tpu.vector_load %arg24[%get3A_341] {strides = array<i32>} : memref<5120xf32, #tpu.memory_space<vmem>>, vector<16xf32>,
      %get3A_343 = vector.shape_cast %get3A_342 : vector<16xf32> to vector<16xf32>
      %add3A_344 = arith.addf %add3A_336, %get3A_343 : vector<16xf32>
      %mul3A_345 = arith.constant 16 : i32
      %mul3A_346 = arith.muli %scan3A_300, %mul3A_345 : i32
      %add3A_347 = arith.constant 3072 : i32
      %add3A_348 = arith.addi %add3A_347, %mul3A_346 : i32
      %get3A_349 = arith.index_cast %add3A_348 : i32 to index
      %get3A_350 = tpu.vector_load %arg24[%get3A_349] {strides = array<i32>} : memref<5120xf32, #tpu.memory_space<vmem>>, vector<16xf32>,
      %get3A_351 = vector.shape_cast %get3A_350 : vector<16xf32> to vector<16xf32>
      %add3A_352 = arith.addf %add3A_344, %get3A_351 : vector<16xf32>
      %mul3A_353 = arith.constant 16 : i32
      %mul3A_354 = arith.muli %scan3A_300, %mul3A_353 : i32
      %add3A_355 = arith.constant 3584 : i32
      %add3A_356 = arith.addi %add3A_355, %mul3A_354 : i32
      %get3A_357 = arith.index_cast %add3A_356 : i32 to index
      %get3A_358 = tpu.vector_load %arg24[%get3A_357] {strides = array<i32>} : memref<5120xf32, #tpu.memory_space<vmem>>, vector<16xf32>,
      %get3A_359 = vector.shape_cast %get3A_358 : vector<16xf32> to vector<16xf32>
      %add3A_360 = arith.addf %add3A_352, %get3A_359 : vector<16xf32>
      %mul3A_361 = arith.constant 16 : i32
      %mul3A_362 = arith.muli %scan3A_300, %mul3A_361 : i32
      %add3A_363 = arith.constant 4096 : i32
      %add3A_364 = arith.addi %add3A_363, %mul3A_362 : i32
      %get3A_365 = arith.index_cast %add3A_364 : i32 to index
      %get3A_366 = tpu.vector_load %arg24[%get3A_365] {strides = array<i32>} : memref<5120xf32, #tpu.memory_space<vmem>>, vector<16xf32>,
      %get3A_367 = vector.shape_cast %get3A_366 : vector<16xf32> to vector<16xf32>
      %add3A_368 = arith.addf %add3A_360, %get3A_367 : vector<16xf32>
      %mul3A_369 = arith.constant 16 : i32
      %mul3A_370 = arith.muli %scan3A_300, %mul3A_369 : i32
      %add3A_371 = arith.constant 4608 : i32
      %add3A_372 = arith.addi %add3A_371, %mul3A_370 : i32
      %get3A_373 = arith.index_cast %add3A_372 : i32 to index
      %get3A_374 = tpu.vector_load %arg24[%get3A_373] {strides = array<i32>} : memref<5120xf32, #tpu.memory_space<vmem>>, vector<16xf32>,
      %get3A_375 = vector.shape_cast %get3A_374 : vector<16xf32> to vector<16xf32>
      %add3A_376 = arith.addf %add3A_368, %get3A_375 : vector<16xf32>
      %mul3A_377 = arith.constant 16 : i32
      %mul3A_378 = arith.muli %scan3A_300, %mul3A_377 : i32
      %get3A_379 = arith.index_cast %mul3A_378 : i32 to index
      %get3A_380 = tpu.vector_load %arg25[%get3A_379] {strides = array<i32>} : memref<512xf32, #tpu.memory_space<vmem>>, vector<16xf32>,
      %get3A_381 = vector.shape_cast %get3A_380 : vector<16xf32> to vector<16xf32>
      %add3A_382 = arith.addf %get3A_381, %add3A_376 : vector<16xf32>
      %neg3A = arith.constant 0.000000e+00 : f32
      %neg3A_383 = vector.broadcast %neg3A : f32 to vector<16xf32>
      %neg3A_384 = arith.subf %neg3A_383, %add3A_382 : vector<16xf32>
      %exp3A = math.exp %neg3A_384 : vector<16xf32>
      %add3A_385 = arith.constant 1.000000e+00 : f32
      %add3A_386 = vector.broadcast %add3A_385 : f32 to vector<16xf32>
      %add3A_387 = arith.addf %add3A_386, %exp3A : vector<16xf32>
      %div3A = arith.constant 1.000000e+00 : f32
      %div3A_388 = vector.broadcast %div3A : f32 to vector<16xf32>
      %div3A_389 = arith.divf %div3A_388, %add3A_387 : vector<16xf32>
      %mul3A_390 = arith.constant 16 : i32
      %mul3A_391 = arith.muli %scan3A_300, %mul3A_390 : i32
      %swap3A = arith.index_cast %mul3A_391 : i32 to index
      %swap3A_392 = tpu.vector_load %arg25[%swap3A] {strides = array<i32>} : memref<512xf32, #tpu.memory_space<vmem>>, vector<16xf32>,
      %swap3A_393 = vector.shape_cast %swap3A_392 : vector<16xf32> to vector<16xf32>
      %swap3A_394 = vector.shape_cast %div3A_389 : vector<16xf32> to vector<16xf32>
      tpu.vector_store %arg25[%swap3A], %swap3A_394 {strides = array<i32>} : memref<512xf32, #tpu.memory_space<vmem>>, vector<16xf32>,
    }
    %scan3A_299 = arith.constant 32 : i32
    "tpu.region"() ({
      %run_scoped3A = tpu.sem_alloc : memref<!tpu.dma_semaphore, #tpu.memory_space<semaphore_mem>>
      %dma_start3A_300 = tpu.memref_slice %arg4[%mul3A_2] : memref<16384xf32, #tpu.memory_space<hbm>> -> memref<512xf32, #tpu.memory_space<hbm>>
      %dma_start3A_301 = tpu.memref_slice %arg4[%mul3A_2] : memref<16384xf32, #tpu.memory_space<hbm>> -> memref<512xf32, #tpu.memory_space<hbm>>
      tpu.enqueue_dma source(%arg25 : memref<512xf32, #tpu.memory_space<vmem>>) target(%dma_start3A_301 : memref<512xf32, #tpu.memory_space<hbm>>) target_semaphore(%run_scoped3A : memref<!tpu.dma_semaphore, #tpu.memory_space<semaphore_mem>>)
      %dma_wait3A_302 = tpu.memref_slice %arg4[%mul3A_2] : memref<16384xf32, #tpu.memory_space<hbm>> -> memref<512xf32, #tpu.memory_space<hbm>>
      %dma_wait3A_303 = tpu.memref_slice %arg4[%mul3A_2] : memref<16384xf32, #tpu.memory_space<hbm>> -> memref<512xf32, #tpu.memory_space<hbm>>
      tpu.wait_dma2 semaphore(%run_scoped3A : memref<!tpu.dma_semaphore, #tpu.memory_space<semaphore_mem>>) src(%arg25 : memref<512xf32, #tpu.memory_space<vmem>>) dst(%dma_wait3A_303 : memref<512xf32, #tpu.memory_space<hbm>>)
      tpu.yield
    }) : () -> ()
    return
  }
}

</mosaic_0001>

<sc_bundles>
// kernel: kernel.3.cloned.1.call-start
scs
__scs_entry_jumppad:
0x0: {  	(pc) =	sbr.rel $0x88, $3  }
0x1: {  	(tag) =	ssettag $0x0;
	lr =	simm.s32 $0x1  }
0x2: {  	[smem:$0x3F9F] =	sst lr;
	_ =	strace $0xD0000000  }
0x3: {  	_ = 	snop  }
0x4: {  	_ = 	snop  }
0x5: {  	_ = 	snop  }
0x6: {  	_ = 	snop  }
0x7: {  	_ = 	snop  }
__scs_overlays_trampoline_lowered:
0x8: {  	[smem:$0x3FAE] =	sst s0  }
0x9: {  	[smem:$0x3FAF] =	sst s1  }
0xa: {  	[smem:$0x3FB0] =	sst s2  }
0xb: {  	[smem:$0x3FB1] =	sst s3  }
0xc: {  	[smem:$0x3FB2] =	sst s4  }
0xd: {  	[smem:$0x3FB3] =	sst s5  }
0xe: {  	[smem:$0x3FB4] =	sst s6  }
0xf: {  	[smem:$0x3FB5] =	sst s7  }
0x10: {  	[smem:$0x3FB6] =	sst s8  }
0x11: {  	[smem:$0x3FB7] =	sst s9;
	s0 =	simm.s32 @!p0 $0x0  }
0x12: {  	s1 =	sld [smem:$0x3F9D];
	s0 =	simm.s32 @p0 $0x1  }
0x13: {  	[smem:$0x3FB8] =	sst s0;
	s0 =	simm.s32 @!p1 $0x0  }
0x14: {  	s2 =	sld [smem:$0x3F9C];
	s0 =	simm.s32 @p1 $0x1  }
0x15: {  	[smem:$0x3FB9] =	sst s0;
	s0 =	simm.s32 @!p2 $0x0  }
0x16: {  	s3 =	sld [smem:$0x3FDB];
	s0 =	simm.s32 @p2 $0x1  }
0x17: {  	s4 =	simm.s32 $0x1BF5;
	[smem:$0x3FBB] =	sst s0  }
0x18: {  	s0 =	sld [smem:$0x3F9E];
	_ =	swait.ge [sflag:s4], $0x0  }
0x19: {  	s7 =	sld [smem:$0x3F9F]  }
0x1a: {  	s8 =	sadd.s32 $0xFFFFE003, lr  }
0x1b: {  	s9 =	sadd.s32 $0xFFFFFEF7, lr;
	s5 =	simm.s32 $0xFFFFFFFF;
	p2 =	slt.u32 s8, $0xFFFFF086  }
0x1c: {  	p1 =	slt.u32 s9, $0xF7A;
	s5 =	simm.s32 @!p2 $0x0  }
0x1d: {  	s5 =	simm.s32 @p1 $0x1;
	p0 =	seq.s32 s7, s2  }
0x1e: {  	s7 =	smul.u32 @!p0 $0xF7A, s2;
	p2 =	seq.s32 @!p0 s5, $0x0  }
0x1f: {  	s9 =	smul.u32 $0xF7A, s1;
	s8 =	simm.s32 @!p0 $0x1BF5;
	p2 =	por !p2, p0  }
0x20: {  	[sflag:s8] =	ssyncset.s32 @!p0 $0xFFFFF086;
	s6 =	sadd.s32 @!p0 s3, s7;
	s7 =	simm.s32 @!p0 $0x108  }
0x21: {  	s3 =	sadd.s32 s3, s9;
	s6 =	sadd.s32 @!p0 $0x88, s6;
	s7 =	simm.s32 @p2 $0x1082  }
0x22: {  	[simem:s7], [sflag:s8] =	dma.local @!p0 [hbm:s6], $0xF7A  }
0x23: {  	s9 =	sor.u32 $0xD0000000, s2;
	s6 =	simm.s32 $0x108;
	_ =	swait.ge @!p0 [sflag:s8], $0x0  }
0x24: {  	s3 =	sadd.s32 $0x88, s3;
	s6 =	simm.s32 @!p1 $0x1082;
	[sflag:s4] =	ssyncset.s32 $0xFFFFF086  }
0x25: {  	[simem:s6], [sflag:s4] =	dma.local [hbm:s3], $0xF7A  }
0x26: {  	[smem:$0x3F9F] =	sst s1;
	(tag) =	ssettag s2;
	_ =	strace s9  }
0x27: {  	s1 =	sld [smem:$0x3FAF]  }
0x28: {  	s2 =	sld [smem:$0x3FB0]  }
0x29: {  	s4 =	sld [smem:$0x3FB2]  }
0x2a: {  	p0 =	seq.s32 s5, $0x0;
	s5 =	sld [smem:$0x3FB3]  }
0x2b: {  	s6 =	sld [smem:$0x3FB4]  }
0x2c: {  	s7 =	sld [smem:$0x3FB5]  }
0x2d: {  	s3 =	simm.s32 $0x108;
	s8 =	sld [smem:$0x3FB6]  }
0x2e: {  	s3 =	simm.s32 @!p0 $0x1082;
	s9 =	sld [smem:$0x3FB7]  }
0x2f: {  	lr =	sadd.s32 s0, s3;
	s0 =	sld [smem:$0x3FAE]  }
0x30: {  	s3 =	sld [smem:$0x3FB1]  }
0x31: {  	[smem:$0x3FBA] =	sst s10  }
0x32: {  	s10 =	sld [smem:$0x3FB8];
	_ =	sdelay $0x3  }
0x33: {  	p0 =	seq.s32 s10, $0x1;
	s10 =	sld [smem:$0x3FBA];
	_ =	sdelay $0x3  }
0x34: {  	[smem:$0x3FBA] =	sst s10  }
0x35: {  	s10 =	sld [smem:$0x3FB9];
	_ =	sdelay $0x3  }
0x36: {  	p1 =	seq.s32 s10, $0x1;
	s10 =	sld [smem:$0x3FBA];
	_ =	sdelay $0x3  }
0x37: {  	[smem:$0x3FBA] =	sst s10  }
0x38: {  	s10 =	sld [smem:$0x3FBB]  }
0x39: {  	_ = 	snop;
	(pc) =	sbr.ind lr, $3  }
0x3a: {  	_ = 	snop  }
0x3b: {  	_ = 	snop  }
0x3c: {  	p2 =	seq.s32 s10, $0x1;
	s10 =	sld [smem:$0x3FBA]  }
0x3d: {  	_ =	shalt  }
0x3e: {  	_ =	shalt  }
0x3f: {  	_ =	shalt  }
0x40: {  	_ =	shalt  }
0x41: {  	_ =	shalt  }
0x42: {  	_ =	shalt  }
0x43: {  	_ =	shalt  }
0x44: {  	_ =	shalt  }
0x45: {  	_ =	shalt  }
0x46: {  	_ =	shalt  }
0x47: {  	_ =	shalt  }
0x48: {  	_ =	shalt  }
0x49: {  	_ =	shalt  }
0x4a: {  	_ =	shalt  }
0x4b: {  	_ =	shalt  }
0x4c: {  	_ =	shalt  }
0x4d: {  	_ =	shalt  }
0x4e: {  	_ =	shalt  }
0x4f: {  	_ =	shalt  }
0x50: {  	_ =	shalt  }
0x51: {  	_ =	shalt  }
0x52: {  	_ =	shalt  }
0x53: {  	_ =	shalt  }
0x54: {  	_ =	shalt  }
0x55: {  	_ =	shalt  }
0x56: {  	_ =	shalt  }
0x57: {  	_ =	shalt  }
0x58: {  	_ =	shalt  }
0x59: {  	_ =	shalt  }
0x5a: {  	_ =	shalt  }
0x5b: {  	_ =	shalt  }
0x5c: {  	_ =	shalt  }
0x5d: {  	_ =	shalt  }
0x5e: {  	_ =	shalt  }
0x5f: {  	_ =	shalt  }
0x60: {  	_ =	shalt  }
0x61: {  	_ =	shalt  }
0x62: {  	_ =	shalt  }
0x63: {  	_ =	shalt  }
0x64: {  	_ =	shalt  }
0x65: {  	_ =	shalt  }
0x66: {  	_ =	shalt  }
0x67: {  	_ =	shalt  }
0x68: {  	_ =	shalt  }
0x69: {  	_ =	shalt  }
0x6a: {  	_ =	shalt  }
0x6b: {  	_ =	shalt  }
0x6c: {  	_ =	shalt  }
0x6d: {  	_ =	shalt  }
0x6e: {  	_ =	shalt  }
0x6f: {  	_ =	shalt  }
0x70: {  	_ =	shalt  }
0x71: {  	_ =	shalt  }
0x72: {  	_ =	shalt  }
0x73: {  	_ =	shalt  }
0x74: {  	_ =	shalt  }
0x75: {  	_ =	shalt  }
0x76: {  	_ =	shalt  }
0x77: {  	_ =	shalt  }
0x78: {  	_ =	shalt  }
0x79: {  	_ =	shalt  }
0x7a: {  	_ =	shalt  }
0x7b: {  	_ =	shalt  }
0x7c: {  	_ =	shalt  }
0x7d: {  	_ =	shalt  }
0x7e: {  	_ =	shalt  }
0x7f: {  	_ =	shalt  }
0x80: {  	_ =	shalt  }
0x81: {  	_ =	shalt  }
0x82: {  	_ =	shalt  }
0x83: {  	_ =	shalt  }
0x84: {  	_ =	shalt  }
0x85: {  	_ =	shalt  }
0x86: {  	_ =	shalt  }
0x87: {  	_ =	shalt  }
.Lfunc_end0:
.L_simem_size_0:
called_computation_lowered:
.L_overlay_start_0:
0x88: {  	s2 =	sld [smem:$0x3FD9]  }
0x89: {  	s3 =	sld [smem:$0x3FFE];
	_ =	sdelay $0x1  }
0x8a: {  	s1 =	srdreg.scid  }
0x8b: {  	s0 =	sand.u32 $0x1, s1  }
0x8c: {  	s18 =	sshll.u32 s0, $0xA;
	s2 =	sadd.s32 s3, s2  }
0x8d: {  	s2 =	sadd.s32 s2, s18  }
0x8e: {  	[smem:$0x3FC6] =	sst s2  }
0x8f: {  	_ = 	snop  }
0x90: {  	s2 =	sld [smem:$0x3FC9]  }
0x91: {  	s19 =	sld [smem:$0x3FC8]  }
0x92: {  	s4 =	sld [smem:$0x3FD0];
	(tm) =	ssettm $0x1  }
0x93: {  	s5 =	sld [smem:$0x3FFB];
	_ =	sdelay $0x3  }
0x94: {  	_ =	strace s5  }
0x95: {  	s5 =	sld [smem:$0x3FFC];
	_ =	sdelay $0x3  }
0x96: {  	_ =	strace s5  }
0x97: {  	s5 =	sld [smem:$0x3FFD];
	_ =	sdelay $0x3  }
0x98: {  	_ =	strace s5  }
0x99: {  	_ =	strace $0x8FFFFFFF  }
0x9a: {  	s20 =	sld [smem:$0x3FDB];
	_ =	sdelay $0x1  }
0x9b: {  	s6 =	simm.s32 $_scs_section_size  }
0x9c: {  	s7 =	simm.s32 $_size__tile_overlayer_lowered;
	s8 =	simm.s32 $_tile_overlayer_lowered  }
0x9d: {  	s23 =	simm.s32 $0x1BFF;
	s22 =	sshll.u32 s8, $0x1;
	s5 =	sadd.s32 s6, s20  }
0x9e: {  	s9 =	simm.s32 $0x0;
	s21 =	sshll.u32 s7, $0x1;
	s7 =	sadd.s32 s22, s5  }
0x9f: {  	[timem:s9], [sflag:s23] =	dma.local [hbm:s7], s21  }
0xa0: {  	_ =	swait.ge [sflag:s23], s21  }
0xa1: {  	s6 =	ssub.s32 $0x0, s21;
	[sflag:s23] =	ssyncset.done $0x0  }
0xa2: {  	[sflag:s23] =	ssyncadd.s32 s6;
	_ =	sdelay $0x1  }
0xa3: {  	s24 =	simm.s32 $0x1B8B  }
0xa4: {  	_ =	swait.ge [sflag:s24], $0x1  }
0xa5: {  	[sflag:s24] =	ssyncset.done $0x0  }
0xa6: {  	s25 =	simm.s32 $0x1B8E;
	[sflag:s24] =	ssyncadd.s32 $0xFFFFFFFF  }
0xa7: {  	s26 =	simm.s32 $execute0_lowered;
	[smem:$0x3FD2] =	sst s25  }
0xa8: {  	s6 =	sshll.u32 s26, $0x1;
	_ =	strace $0x80000046;
	[dreg:$0x1] =	wrdreg $0xFFFFFFFF  }
0xa9: {  	s28 =	simm.s32 $_size_execute0_lowered;
	s5 =	sadd.s32 s5, s6;
	[dreg:$0x0] =	wrdreg $0x0  }
0xaa: {  	s6 =	sshll.u32 s28, $0x1;
	[dreg:$0x2] =	wrdreg s5  }
0xab: {  	[dreg:$0x3] =	wrdreg s6  }
0xac: {  	[dreg:$0x4] =	wrdreg $0xC0  }
0xad: {  	_ =	task [dreg:s9], $0x5FFFF  }
0xae: {  	[dreg:$0x1] =	wrdreg $0xFFFFFFFF  }
0xaf: {  	[dreg:$0x0] =	wrdreg $0x60  }
0xb0: {  	[dreg:$0x2] =	wrdreg s2  }
0xb1: {  	[dreg:$0x3] =	wrdreg s19  }
0xb2: {  	[dreg:$0x4] =	wrdreg s4  }
0xb3: {  	[dreg:$0x5] =	wrdreg $0x9  }
0xb4: {  	_ =	task.clear_ibuf [dreg:s9], $0x6FFFF;
	_ =	strace $0x90000046  }
0xb5: {  	s29 =	simm.s32 $0x9;
	_ =	strace $0x80000048  }
0xb6: {  	_ =	swait.ge [sflag:s29], $0x1  }
0xb7: {  	[sflag:s29] =	ssyncadd.s32 $0xFFFFFFFF  }
0xb8: {  	_ =	strace $0x90000048  }
0xb9: {  	_ =	sfence  }
0xba: {  	s30 =	sld [smem:$0x0];
	_ =	sdelay $0x2  }
0xbb: {  	s31 =	sshll.u32 s1, $0xD;
	s1 =	sshrl.u32 s1, $0x2  }
0xbc: {  	s3 =	sand.u32 $0x4000, s31;
	s1 =	sadd.s32 s1, s30  }
0xbd: {  	s0 =	sor.u32 s3, s0;
	s1 =	sshll.u32 s1, $0x11  }
0xbe: {  	s0 =	sor.u32 s1, s0  }
0xbf: {  	s0 =	sadd.s32 $0x8F2B, s0  }
0xc0: {  	[sflag:s0] =	ssyncadd.remote.s32 $0x1  }
0xc1: {  	_ =	sfence.sel $0xFFFF  }
0xc2: {  	[dreg:$0x0] =	wrdreg $0xFFFFFFFF;
	(pc) =	sbr.abs _section_cstart, $3  }
0xc3: {  	[dreg:$0x1] =	wrdreg $0xFFFFFFFF  }
0xc4: {  	_ =	task.clear_ibuf [dreg:s9], $0x2FFFF;
	_ =	strace $0x9FFFFFFF  }
0xc5: {  	(tm) =	ssettm $0x7FFFFFFF  }
tec
execute0_lowered:
.L_overlay_start_1:
0x0: {  	(tag) =	ssettag $0x1  }
0x1: {  	s0 =	rddreg [dreg:$0x0];
	s4 =	srdreg.scid  }
0x2: {  	s1 =	rddreg [dreg:$0x1];
	s6 =	stileid.u32;
	s4 =	sand.u32 $0x1, s4  }
0x3: {  	s6 =	sshll.u32 s6, $0xA;
	s5 =	ssub.s32 $0x2, s4;
	s4 =	sshll.u32 s4, $0x9  }
0x4: {  	s2 =	rddreg [dreg:$0x2];
	s3 =	simm.s32 $0x0;
	s6 =	sor.u32 s4, s6  }
0x5: {  	[smem:$0x7FF] =	sst s3;
	s4 =	sadd.s32 s0, s6  }
0x6: {  	_ =	strace $0x80000047;
	s7 =	sshrl.u32 s5, $0x1;
	s0 =	sadd.s32 $0x14000, s4  }
0x7: {  	s5 =	ssub.s32 s5, s7;
	s25 =	sadd.s32 $0x28000, s4;
	[dreg:$0x4] =	wrdreg s0  }
0x8: {  	s26 =	sshrl.u32 s6, $0x3;
	s6 =	smax.u32 s5, $0x1;
	[dreg:$0x5] =	wrdreg s25  }
0x9: {  	s7 =	sadd.s32 $0x10, s4;
	[dreg:$0x7] =	wrdreg s6  }
0xa: {  	s8 =	sadd.s32 $0x20, s4;
	[dreg:$0x8] =	wrdreg s7  }
0xb: {  	s9 =	sadd.s32 $0x30, s4;
	[dreg:$0x9] =	wrdreg s8  }
0xc: {  	s10 =	sadd.s32 $0x40, s4;
	[dreg:$0xa] =	wrdreg s9  }
0xd: {  	s11 =	sadd.s32 $0x50, s4;
	[dreg:$0xb] =	wrdreg s10  }
0xe: {  	s12 =	sadd.s32 $0x60, s4;
	[dreg:$0xc] =	wrdreg s11  }
0xf: {  	s13 =	sadd.s32 $0x70, s4;
	[dreg:$0xd] =	wrdreg s12  }
0x10: {  	s14 =	sadd.s32 $0x4000, s4;
	[dreg:$0xe] =	wrdreg s13  }
0x11: {  	s15 =	sadd.s32 $0x4010, s4;
	[dreg:$0xf] =	wrdreg s14  }
0x12: {  	s16 =	sadd.s32 $0x4020, s4;
	[dreg:$0x10] =	wrdreg s15  }
0x13: {  	s17 =	sadd.s32 $0x4030, s4;
	[dreg:$0x11] =	wrdreg s16  }
0x14: {  	s18 =	sadd.s32 $0x4040, s4;
	[dreg:$0x12] =	wrdreg s17  }
0x15: {  	s19 =	sadd.s32 $0x4050, s4;
	[dreg:$0x13] =	wrdreg s18  }
0x16: {  	s20 =	sadd.s32 $0x4060, s4;
	[dreg:$0x14] =	wrdreg s19  }
0x17: {  	s21 =	sadd.s32 $0x4070, s4;
	[dreg:$0x15] =	wrdreg s20  }
0x18: {  	s22 =	sadd.s32 $0x8000, s4;
	[dreg:$0x16] =	wrdreg s21  }
0x19: {  	s23 =	sadd.s32 $0x8010, s4;
	[dreg:$0x17] =	wrdreg s22  }
0x1a: {  	s24 =	sadd.s32 $0x8020, s4;
	[dreg:$0x18] =	wrdreg s23  }
0x1b: {  	s5 =	sadd.s32 $0x8060, s4;
	[dreg:$0x19] =	wrdreg s24  }
0x1c: {  	s0 =	sadd.s32 s2, s26;
	[dreg:$0x1d] =	wrdreg s5  }
0x1d: {  	s25 =	sadd.s32 $0x8030, s4;
	[dreg:$0x6] =	wrdreg s0  }
0x1e: {  	s26 =	sadd.s32 $0x8040, s4;
	[dreg:$0x1a] =	wrdreg s25  }
0x1f: {  	s2 =	sadd.s32 $0x8050, s4;
	[dreg:$0x1b] =	wrdreg s26  }
0x20: {  	s6 =	sadd.s32 $0x8070, s4;
	[dreg:$0x1c] =	wrdreg s2  }
0x21: {  	s7 =	sadd.s32 $0xC000, s4;
	[dreg:$0x1e] =	wrdreg s6  }
0x22: {  	s8 =	sadd.s32 $0xC010, s4;
	[dreg:$0x1f] =	wrdreg s7  }
0x23: {  	s9 =	sadd.s32 $0xC020, s4;
	[smem:$0x7BD] =	sst s8  }
0x24: {  	s10 =	sadd.s32 $0xC030, s4;
	[smem:$0x7BE] =	sst s9  }
0x25: {  	s11 =	sadd.s32 $0xC040, s4;
	[smem:$0x7BF] =	sst s10  }
0x26: {  	s12 =	sadd.s32 $0xC050, s4;
	[smem:$0x7C0] =	sst s11  }
0x27: {  	s13 =	sadd.s32 $0xC060, s4;
	[smem:$0x7C1] =	sst s12  }
0x28: {  	s14 =	sadd.s32 $0xC070, s4;
	[smem:$0x7C2] =	sst s13  }
0x29: {  	s15 =	sadd.s32 $0x10000, s4;
	[smem:$0x7C3] =	sst s14  }
0x2a: {  	s16 =	sadd.s32 $0x10010, s4;
	[smem:$0x7C4] =	sst s15  }
0x2b: {  	s17 =	sadd.s32 $0x10020, s4;
	[smem:$0x7C5] =	sst s16  }
0x2c: {  	s18 =	sadd.s32 $0x10030, s4;
	[smem:$0x7C6] =	sst s17  }
0x2d: {  	s19 =	sadd.s32 $0x10040, s4;
	[smem:$0x7C7] =	sst s18  }
0x2e: {  	s20 =	sadd.s32 $0x10050, s4;
	[smem:$0x7C8] =	sst s19  }
0x2f: {  	s21 =	sadd.s32 $0x10060, s4;
	[smem:$0x7C9] =	sst s20  }
0x30: {  	s22 =	sadd.s32 $0x10070, s4;
	[smem:$0x7CA] =	sst s21  }
0x31: {  	s23 =	sadd.s32 $0x14010, s4;
	[smem:$0x7CB] =	sst s22  }
0x32: {  	s24 =	sadd.s32 $0x14020, s4;
	[smem:$0x7CC] =	sst s23  }
0x33: {  	s5 =	sadd.s32 $0x14060, s4;
	[smem:$0x7CD] =	sst s24  }
0x34: {  	s25 =	sadd.s32 $0x14030, s4;
	[smem:$0x7D1] =	sst s5  }
0x35: {  	s26 =	sadd.s32 $0x14040, s4;
	[smem:$0x7CE] =	sst s25  }
0x36: {  	s2 =	sadd.s32 $0x14050, s4;
	[smem:$0x7CF] =	sst s26  }
0x37: {  	s6 =	sadd.s32 $0x14070, s4;
	[smem:$0x7D0] =	sst s2  }
0x38: {  	s7 =	sadd.s32 $0x18000, s4;
	[smem:$0x7D2] =	sst s6  }
0x39: {  	s8 =	sadd.s32 $0x18010, s4;
	[smem:$0x7D3] =	sst s7  }
0x3a: {  	s9 =	sadd.s32 $0x18020, s4;
	[smem:$0x7D4] =	sst s8  }
0x3b: {  	s10 =	sadd.s32 $0x18030, s4;
	[smem:$0x7D5] =	sst s9  }
0x3c: {  	s11 =	sadd.s32 $0x18040, s4;
	[smem:$0x7D6] =	sst s10  }
0x3d: {  	s12 =	sadd.s32 $0x18050, s4;
	[smem:$0x7D7] =	sst s11  }
0x3e: {  	s13 =	sadd.s32 $0x18060, s4;
	[smem:$0x7D8] =	sst s12  }
0x3f: {  	s14 =	sadd.s32 $0x18070, s4;
	[smem:$0x7D9] =	sst s13  }
0x40: {  	s15 =	sadd.s32 $0x1C000, s4;
	[smem:$0x7DA] =	sst s14  }
0x41: {  	s16 =	sadd.s32 $0x1C010, s4;
	[smem:$0x7DB] =	sst s15  }
0x42: {  	s17 =	sadd.s32 $0x1C020, s4;
	[smem:$0x7DC] =	sst s16  }
0x43: {  	s18 =	sadd.s32 $0x1C030, s4;
	[smem:$0x7DD] =	sst s17  }
0x44: {  	s19 =	sadd.s32 $0x1C040, s4;
	[smem:$0x7DE] =	sst s18  }
0x45: {  	s20 =	sadd.s32 $0x1C050, s4;
	[smem:$0x7DF] =	sst s19  }
0x46: {  	s21 =	sadd.s32 $0x1C060, s4;
	[smem:$0x7E0] =	sst s20  }
0x47: {  	s22 =	sadd.s32 $0x1C070, s4;
	[smem:$0x7E1] =	sst s21  }
0x48: {  	s23 =	sadd.s32 $0x20000, s4;
	[smem:$0x7E2] =	sst s22  }
0x49: {  	s24 =	sadd.s32 $0x20010, s4;
	[smem:$0x7E3] =	sst s23  }
0x4a: {  	s5 =	sadd.s32 $0x20050, s4;
	[smem:$0x7E4] =	sst s24  }
0x4b: {  	s25 =	sadd.s32 $0x20020, s4;
	[smem:$0x7E8] =	sst s5  }
0x4c: {  	s26 =	sadd.s32 $0x20030, s4;
	[smem:$0x7E5] =	sst s25  }
0x4d: {  	s2 =	sadd.s32 $0x20040, s4;
	[smem:$0x7E6] =	sst s26  }
0x4e: {  	s6 =	sadd.s32 $0x20060, s4;
	[smem:$0x7E7] =	sst s2  }
0x4f: {  	s7 =	sadd.s32 $0x20070, s4;
	[smem:$0x7E9] =	sst s6  }
0x50: {  	s8 =	sadd.s32 $0x24000, s4;
	[smem:$0x7EA] =	sst s7  }
0x51: {  	s9 =	sadd.s32 $0x24010, s4;
	[smem:$0x7EB] =	sst s8  }
0x52: {  	s10 =	sadd.s32 $0x24020, s4;
	[smem:$0x7EC] =	sst s9  }
0x53: {  	s11 =	sadd.s32 $0x24030, s4;
	[smem:$0x7ED] =	sst s10  }
0x54: {  	s12 =	sadd.s32 $0x24040, s4;
	[smem:$0x7EE] =	sst s11  }
0x55: {  	s13 =	sadd.s32 $0x24050, s4;
	[smem:$0x7EF] =	sst s12  }
0x56: {  	s14 =	sadd.s32 $0x24060, s4;
	[smem:$0x7F0] =	sst s13  }
0x57: {  	s15 =	sadd.s32 $0x24070, s4;
	[smem:$0x7F1] =	sst s14  }
0x58: {  	s16 =	sadd.s32 $0x28010, s4;
	[smem:$0x7F2] =	sst s15  }
0x59: {  	s17 =	sadd.s32 $0x28020, s4;
	[smem:$0x7F3] =	sst s16  }
0x5a: {  	s18 =	sadd.s32 $0x28030, s4;
	[smem:$0x7F4] =	sst s17  }
0x5b: {  	s19 =	sadd.s32 $0x28040, s4;
	[smem:$0x7F5] =	sst s18  }
0x5c: {  	s28 =	simm.s32 $0x3C00;
	s20 =	sadd.s32 $0x28050, s4;
	[smem:$0x7F6] =	sst s19  }
0x5d: {  	s29 =	simm.s32 $0x5000;
	s21 =	sadd.s32 $0x28060, s4;
	[smem:$0x7F7] =	sst s20  }
0x5e: {  	s30 =	simm.s32 $0x2;
	s22 =	sadd.s32 $0x28070, s4;
	[smem:$0x7F8] =	sst s21  }
0x5f: {  	s31 =	simm.s32 $0x6400;
	s23 =	sadd.s32 $0x2C000, s4;
	[smem:$0x7F9] =	sst s22  }
0x60: {  	s0 =	simm.s32 $0x7800;
	s24 =	sadd.s32 $0x2C010, s4;
	[smem:$0x7FA] =	sst s23  }
0x61: {  	s5 =	simm.s32 $0xA000;
	[smem:$0x7FB] =	sst s24;
	s25 =	sadd.s32 $0x2C020, s4  }
0x62: {  	s26 =	sadd.s32 $0x2C030, s4;
	s14 =	sadd.s32 $0x2C040, s4;
	s15 =	sadd.s32 $0x2C050, s4  }
0x63: {  	s16 =	sadd.s32 $0x2C060, s4;
	s17 =	sadd.s32 $0x2C070, s4;
	s18 =	sadd.s32 $0x30000, s4  }
0x64: {  	s19 =	sadd.s32 $0x30010, s4;
	s20 =	sadd.s32 $0x30020, s4;
	s21 =	sadd.s32 $0x30030, s4  }
0x65: {  	s22 =	simm.s32 $0x80;
	s23 =	simm.s32 $0x400;
	s24 =	simm.s32 $0x1  }
0x66: {  	s2 =	simm.s32 $0x8C00;
	s6 =	simm.s32 $0xB400;
	s7 =	simm.s32 $0x19000  }
0x67: {  	s8 =	simm.s32 $0x3;
	s9 =	simm.s32 $0x0;
	[smem:$0x7FC] =	sst s25  }
0x68: {  	[smem:$0x7FD] =	sst s26;
	s25 =	simm.s32 $0x1400;
	s26 =	simm.s32 $0x2800  }
.LBB2_1:
0x69: {  	[tilespmem:s3], [sflag:$0x1] =	stream.strided.gather [hbm4b:s4+s22], $0x200, s23, s22, $0x38;
	[tilespmem:$0x19200] =	vst v63  }
0x6a: {  	s10 =	rddreg [dreg:$0x8];
	s11 =	simm.s32 $0x200  }
0x6b: {  	[tilespmem:s11], [sflag:$0x1] =	stream.strided.gather [hbm4b:s10+s22], $0x200, s23, s22, $0x38;
	[tilespmem:$0x19200] =	vst v63  }
0x6c: {  	s11 =	rddreg [dreg:$0x9]  }
0x6d: {  	[tilespmem:s23], [sflag:$0x1] =	stream.strided.gather [hbm4b:s11+s22], $0x200, s23, s22, $0x38;
	[tilespmem:$0x19200] =	vst v63  }
0x6e: {  	s12 =	rddreg [dreg:$0xa];
	s13 =	simm.s32 $0x600  }
0x6f: {  	[tilespmem:s13], [sflag:$0x1] =	stream.strided.gather [hbm4b:s12+s22], $0x200, s23, s22, $0x38;
	[tilespmem:$0x19200] =	vst v63  }
0x70: {  	s12 =	rddreg [dreg:$0xb];
	s13 =	simm.s32 $0x800  }
0x71: {  	[tilespmem:s13], [sflag:$0x1] =	stream.strided.gather [hbm4b:s12+s22], $0x200, s23, s22, $0x38;
	[tilespmem:$0x19200] =	vst v63  }
0x72: {  	s12 =	rddreg [dreg:$0xc];
	s13 =	simm.s32 $0xA00  }
0x73: {  	[tilespmem:s13], [sflag:$0x1] =	stream.strided.gather [hbm4b:s12+s22], $0x200, s23, s22, $0x38;
	[tilespmem:$0x19200] =	vst v63  }
0x74: {  	s12 =	rddreg [dreg:$0xd];
	s13 =	simm.s32 $0xC00  }
0x75: {  	[tilespmem:s13], [sflag:$0x1] =	stream.strided.gather [hbm4b:s12+s22], $0x200, s23, s22, $0x38;
	[tilespmem:$0x19200] =	vst v63  }
0x76: {  	s12 =	rddreg [dreg:$0xe];
	s13 =	simm.s32 $0xE00  }
0x77: {  	[tilespmem:s13], [sflag:$0x1] =	stream.strided.gather [hbm4b:s12+s22], $0x200, s23, s22, $0x38;
	[tilespmem:$0x19200] =	vst v63  }
0x78: {  	s12 =	rddreg [dreg:$0xf];
	s13 =	simm.s32 $0x1000  }
0x79: {  	[tilespmem:s13], [sflag:$0x1] =	stream.strided.gather [hbm4b:s12+s22], $0x200, s23, s22, $0x38;
	[tilespmem:$0x19200] =	vst v63  }
0x7a: {  	s12 =	rddreg [dreg:$0x10];
	s13 =	simm.s32 $0x1200  }
0x7b: {  	[tilespmem:s13], [sflag:$0x1] =	stream.strided.gather [hbm4b:s12+s22], $0x200, s23, s22, $0x38;
	[tilespmem:$0x19200] =	vst v63  }
0x7c: {  	_ =	swait.ge [sflag:s24], $0x200  }
0x7d: {  	[sflag:s24] =	ssyncset.done $0x0  }
0x7e: {  	[sflag:s24] =	ssyncadd.s32 $0xFFFFFE00  }
0x7f: {  	_ =	swait.ge [sflag:s24], $0x200  }
0x80: {  	[sflag:s24] =	ssyncset.done $0x0  }
0x81: {  	[sflag:s24] =	ssyncadd.s32 $0xFFFFFE00  }
0x82: {  	_ =	swait.ge [sflag:s24], $0x200  }
0x83: {  	[sflag:s24] =	ssyncset.done $0x0  }
0x84: {  	[sflag:s24] =	ssyncadd.s32 $0xFFFFFE00  }
0x85: {  	_ =	swait.ge [sflag:s24], $0x200  }
0x86: {  	[sflag:s24] =	ssyncset.done $0x0  }
0x87: {  	[sflag:s24] =	ssyncadd.s32 $0xFFFFFE00  }
0x88: {  	_ =	swait.ge [sflag:s24], $0x200  }
0x89: {  	[sflag:s24] =	ssyncset.done $0x0  }
0x8a: {  	[sflag:s24] =	ssyncadd.s32 $0xFFFFFE00  }
0x8b: {  	_ =	swait.ge [sflag:s24], $0x200  }
0x8c: {  	[sflag:s24] =	ssyncset.done $0x0  }
0x8d: {  	[sflag:s24] =	ssyncadd.s32 $0xFFFFFE00  }
0x8e: {  	_ =	swait.ge [sflag:s24], $0x200  }
0x8f: {  	[sflag:s24] =	ssyncset.done $0x0  }
0x90: {  	[sflag:s24] =	ssyncadd.s32 $0xFFFFFE00  }
0x91: {  	_ =	swait.ge [sflag:s24], $0x200  }
0x92: {  	[sflag:s24] =	ssyncset.done $0x0  }
0x93: {  	[sflag:s24] =	ssyncadd.s32 $0xFFFFFE00  }
0x94: {  	_ =	swait.ge [sflag:s24], $0x200  }
0x95: {  	[sflag:s24] =	ssyncset.done $0x0  }
0x96: {  	[sflag:s24] =	ssyncadd.s32 $0xFFFFFE00  }
0x97: {  	_ =	swait.ge [sflag:s24], $0x200  }
0x98: {  	[sflag:s24] =	ssyncset.done $0x0  }
0x99: {  	s10 =	simm.s32 $0xC800;
	[sflag:s24] =	ssyncadd.s32 $0xFFFFFE00  }
0x9a: {  	[tilespmem:s10], [sflag:$0x2] =	stream.indirect.gather [hbm4b:s1+s25], $0x1, s3, s25, $0xb8;
	[tilespmem:$0x19200] =	vst v63  }
0x9b: {  	s12 =	rddreg [dreg:$0x11]  }
0x9c: {  	[tilespmem:s25], [sflag:$0x1] =	stream.strided.gather [hbm4b:s12+s22], $0x200, s23, s22, $0x38;
	[tilespmem:$0x19200] =	vst v63  }
0x9d: {  	s13 =	rddreg [dreg:$0x12];
	s12 =	simm.s32 $0x1600  }
0x9e: {  	[tilespmem:s12], [sflag:$0x1] =	stream.strided.gather [hbm4b:s13+s22], $0x200, s23, s22, $0x38;
	[tilespmem:$0x19200] =	vst v63  }
0x9f: {  	s12 =	rddreg [dreg:$0x13];
	s13 =	simm.s32 $0x1800  }
0xa0: {  	[tilespmem:s13], [sflag:$0x1] =	stream.strided.gather [hbm4b:s12+s22], $0x200, s23, s22, $0x38;
	[tilespmem:$0x19200] =	vst v63  }
0xa1: {  	s12 =	rddreg [dreg:$0x14];
	s13 =	simm.s32 $0x1A00  }
0xa2: {  	[tilespmem:s13], [sflag:$0x1] =	stream.strided.gather [hbm4b:s12+s22], $0x200, s23, s22, $0x38;
	[tilespmem:$0x19200] =	vst v63  }
0xa3: {  	s12 =	rddreg [dreg:$0x15];
	s13 =	simm.s32 $0x1C00  }
0xa4: {  	[tilespmem:s13], [sflag:$0x1] =	stream.strided.gather [hbm4b:s12+s22], $0x200, s23, s22, $0x38;
	[tilespmem:$0x19200] =	vst v63  }
0xa5: {  	s12 =	rddreg [dreg:$0x16];
	s13 =	simm.s32 $0x1E00  }
0xa6: {  	[tilespmem:s13], [sflag:$0x1] =	stream.strided.gather [hbm4b:s12+s22], $0x200, s23, s22, $0x38;
	[tilespmem:$0x19200] =	vst v63  }
0xa7: {  	s12 =	rddreg [dreg:$0x17];
	s13 =	simm.s32 $0x2000  }
0xa8: {  	[tilespmem:s13], [sflag:$0x1] =	stream.strided.gather [hbm4b:s12+s22], $0x200, s23, s22, $0x38;
	[tilespmem:$0x19200] =	vst v63  }
0xa9: {  	s12 =	rddreg [dreg:$0x18];
	s13 =	simm.s32 $0x2200  }
0xaa: {  	[tilespmem:s13], [sflag:$0x1] =	stream.strided.gather [hbm4b:s12+s22], $0x200, s23, s22, $0x38;
	[tilespmem:$0x19200] =	vst v63  }
0xab: {  	s12 =	rddreg [dreg:$0x19];
	s13 =	simm.s32 $0x2400  }
0xac: {  	[tilespmem:s13], [sflag:$0x1] =	stream.strided.gather [hbm4b:s12+s22], $0x200, s23, s22, $0x38;
	[tilespmem:$0x19200] =	vst v63  }
0xad: {  	s12 =	rddreg [dreg:$0x1a];
	s13 =	simm.s32 $0x2600  }
0xae: {  	[tilespmem:s13], [sflag:$0x1] =	stream.strided.gather [hbm4b:s12+s22], $0x200, s23, s22, $0x38;
	[tilespmem:$0x19200] =	vst v63  }
0xaf: {  	_ =	swait.ge [sflag:s24], $0x200  }
0xb0: {  	[sflag:s24] =	ssyncset.done $0x0  }
0xb1: {  	[sflag:s24] =	ssyncadd.s32 $0xFFFFFE00  }
0xb2: {  	_ =	swait.ge [sflag:s24], $0x200  }
0xb3: {  	[sflag:s24] =	ssyncset.done $0x0  }
0xb4: {  	[sflag:s24] =	ssyncadd.s32 $0xFFFFFE00  }
0xb5: {  	_ =	swait.ge [sflag:s24], $0x200  }
0xb6: {  	[sflag:s24] =	ssyncset.done $0x0  }
0xb7: {  	[sflag:s24] =	ssyncadd.s32 $0xFFFFFE00  }
0xb8: {  	_ =	swait.ge [sflag:s24], $0x200  }
0xb9: {  	[sflag:s24] =	ssyncset.done $0x0  }
0xba: {  	[sflag:s24] =	ssyncadd.s32 $0xFFFFFE00  }
0xbb: {  	_ =	swait.ge [sflag:s24], $0x200  }
0xbc: {  	[sflag:s24] =	ssyncset.done $0x0  }
0xbd: {  	[sflag:s24] =	ssyncadd.s32 $0xFFFFFE00  }
0xbe: {  	_ =	swait.ge [sflag:s24], $0x200  }
0xbf: {  	[sflag:s24] =	ssyncset.done $0x0  }
0xc0: {  	[sflag:s24] =	ssyncadd.s32 $0xFFFFFE00  }
0xc1: {  	_ =	swait.ge [sflag:s24], $0x200  }
0xc2: {  	[sflag:s24] =	ssyncset.done $0x0  }
0xc3: {  	[sflag:s24] =	ssyncadd.s32 $0xFFFFFE00  }
0xc4: {  	_ =	swait.ge [sflag:s24], $0x200  }
0xc5: {  	[sflag:s24] =	ssyncset.done $0x0  }
0xc6: {  	[sflag:s24] =	ssyncadd.s32 $0xFFFFFE00  }
0xc7: {  	_ =	swait.ge [sflag:s24], $0x200  }
0xc8: {  	[sflag:s24] =	ssyncset.done $0x0  }
0xc9: {  	[sflag:s24] =	ssyncadd.s32 $0xFFFFFE00  }
0xca: {  	_ =	swait.ge [sflag:s24], $0x200  }
0xcb: {  	[sflag:s24] =	ssyncset.done $0x0  }
0xcc: {  	s12 =	simm.s32 $0xDC00;
	[sflag:s24] =	ssyncadd.s32 $0xFFFFFE00  }
0xcd: {  	[tilespmem:s12], [sflag:$0x2] =	stream.indirect.gather [hbm4b:s1+s25], $0x1, s25, s25, $0xb8;
	[tilespmem:$0x19200] =	vst v63  }
0xce: {  	s13 =	rddreg [dreg:$0x1b]  }
0xcf: {  	[tilespmem:s26], [sflag:$0x1] =	stream.strided.gather [hbm4b:s13+s22], $0x200, s23, s22, $0x38;
	[tilespmem:$0x19200] =	vst v63  }
0xd0: {  	s12 =	rddreg [dreg:$0x1c];
	s13 =	simm.s32 $0x2A00  }
0xd1: {  	[tilespmem:s13], [sflag:$0x1] =	stream.strided.gather [hbm4b:s12+s22], $0x200, s23, s22, $0x38;
	[tilespmem:$0x19200] =	vst v63  }
0xd2: {  	s12 =	rddreg [dreg:$0x1d];
	s13 =	simm.s32 $0x2C00  }
0xd3: {  	[tilespmem:s13], [sflag:$0x1] =	stream.strided.gather [hbm4b:s12+s22], $0x200, s23, s22, $0x38;
	[tilespmem:$0x19200] =	vst v63  }
0xd4: {  	s12 =	rddreg [dreg:$0x1e];
	s13 =	simm.s32 $0x2E00  }
0xd5: {  	[tilespmem:s13], [sflag:$0x1] =	stream.strided.gather [hbm4b:s12+s22], $0x200, s23, s22, $0x38;
	[tilespmem:$0x19200] =	vst v63  }
0xd6: {  	s12 =	rddreg [dreg:$0x1f];
	s13 =	simm.s32 $0x3000  }
0xd7: {  	[tilespmem:s13], [sflag:$0x1] =	stream.strided.gather [hbm4b:s12+s22], $0x200, s23, s22, $0x38;
	[tilespmem:$0x19200] =	vst v63  }
0xd8: {  	s12 =	sld [smem:$0x7BD];
	_ =	sdelay $0x1  }
0xd9: {  	s13 =	simm.s32 $0x3200  }
0xda: {  	[tilespmem:s13], [sflag:$0x1] =	stream.strided.gather [hbm4b:s12+s22], $0x200, s23, s22, $0x38;
	[tilespmem:$0x19200] =	vst v63  }
0xdb: {  	s12 =	sld [smem:$0x7BE];
	_ =	sdelay $0x1  }
0xdc: {  	s13 =	simm.s32 $0x3400  }
0xdd: {  	[tilespmem:s13], [sflag:$0x1] =	stream.strided.gather [hbm4b:s12+s22], $0x200, s23, s22, $0x38;
	[tilespmem:$0x19200] =	vst v63  }
0xde: {  	s12 =	sld [smem:$0x7BF];
	_ =	sdelay $0x1  }
0xdf: {  	s13 =	simm.s32 $0x3600  }
0xe0: {  	[tilespmem:s13], [sflag:$0x1] =	stream.strided.gather [hbm4b:s12+s22], $0x200, s23, s22, $0x38;
	[tilespmem:$0x19200] =	vst v63  }
0xe1: {  	s12 =	sld [smem:$0x7C0];
	_ =	sdelay $0x1  }
0xe2: {  	s13 =	simm.s32 $0x3800  }
0xe3: {  	[tilespmem:s13], [sflag:$0x1] =	stream.strided.gather [hbm4b:s12+s22], $0x200, s23, s22, $0x38;
	[tilespmem:$0x19200] =	vst v63  }
0xe4: {  	s12 =	sld [smem:$0x7C1];
	_ =	sdelay $0x1  }
0xe5: {  	s13 =	simm.s32 $0x3A00  }
0xe6: {  	[tilespmem:s13], [sflag:$0x1] =	stream.strided.gather [hbm4b:s12+s22], $0x200, s23, s22, $0x38;
	[tilespmem:$0x19200] =	vst v63  }
0xe7: {  	_ =	swait.ge [sflag:s24], $0x200  }
0xe8: {  	[sflag:s24] =	ssyncset.done $0x0  }
0xe9: {  	[sflag:s24] =	ssyncadd.s32 $0xFFFFFE00  }
0xea: {  	_ =	swait.ge [sflag:s24], $0x200  }
0xeb: {  	[sflag:s24] =	ssyncset.done $0x0  }
0xec: {  	[sflag:s24] =	ssyncadd.s32 $0xFFFFFE00  }
0xed: {  	_ =	swait.ge [sflag:s24], $0x200  }
0xee: {  	[sflag:s24] =	ssyncset.done $0x0  }
0xef: {  	[sflag:s24] =	ssyncadd.s32 $0xFFFFFE00  }
0xf0: {  	_ =	swait.ge [sflag:s24], $0x200  }
0xf1: {  	[sflag:s24] =	ssyncset.done $0x0  }
0xf2: {  	[sflag:s24] =	ssyncadd.s32 $0xFFFFFE00  }
0xf3: {  	_ =	swait.ge [sflag:s24], $0x200  }
0xf4: {  	[sflag:s24] =	ssyncset.done $0x0  }
0xf5: {  	[sflag:s24] =	ssyncadd.s32 $0xFFFFFE00  }
0xf6: {  	_ =	swait.ge [sflag:s24], $0x200  }
0xf7: {  	[sflag:s24] =	ssyncset.done $0x0  }
0xf8: {  	[sflag:s24] =	ssyncadd.s32 $0xFFFFFE00  }
0xf9: {  	_ =	swait.ge [sflag:s24], $0x200  }
0xfa: {  	[sflag:s24] =	ssyncset.done $0x0  }
0xfb: {  	[sflag:s24] =	ssyncadd.s32 $0xFFFFFE00  }
0xfc: {  	_ =	swait.ge [sflag:s24], $0x200  }
0xfd: {  	[sflag:s24] =	ssyncset.done $0x0  }
0xfe: {  	[sflag:s24] =	ssyncadd.s32 $0xFFFFFE00  }
0xff: {  	_ =	swait.ge [sflag:s24], $0x200  }
0x100: {  	[sflag:s24] =	ssyncset.done $0x0  }
0x101: {  	[sflag:s24] =	ssyncadd.s32 $0xFFFFFE00  }
0x102: {  	_ =	swait.ge [sflag:s24], $0x200  }
0x103: {  	[sflag:s24] =	ssyncset.done $0x0  }
0x104: {  	s12 =	simm.s32 $0xF000;
	s13 =	sld [smem:$0x7C2];
	[sflag:s24] =	ssyncadd.s32 $0xFFFFFE00  }
0x105: {  	[tilespmem:s12], [sflag:$0x2] =	stream.indirect.gather [hbm4b:s1+s25], $0x1, s26, s25, $0xb8;
	[tilespmem:$0x19200] =	vst v63  }
0x106: {  	s12 =	sld [smem:$0x7C3]  }
0x107: {  	[tilespmem:s28], [sflag:$0x1] =	stream.strided.gather [hbm4b:s13+s22], $0x200, s23, s22, $0x38;
	[tilespmem:$0x19200] =	vst v63  }
0x108: {  	s13 =	simm.s32 $0x3E00  }
0x109: {  	[tilespmem:s13], [sflag:$0x1] =	stream.strided.gather [hbm4b:s12+s22], $0x200, s23, s22, $0x38;
	[tilespmem:$0x19200] =	vst v63  }
0x10a: {  	s12 =	sld [smem:$0x7C4];
	_ =	sdelay $0x1  }
0x10b: {  	s13 =	simm.s32 $0x4000  }
0x10c: {  	[tilespmem:s13], [sflag:$0x1] =	stream.strided.gather [hbm4b:s12+s22], $0x200, s23, s22, $0x38;
	[tilespmem:$0x19200] =	vst v63  }
0x10d: {  	s12 =	sld [smem:$0x7C5];
	_ =	sdelay $0x1  }
0x10e: {  	s13 =	simm.s32 $0x4200  }
0x10f: {  	[tilespmem:s13], [sflag:$0x1] =	stream.strided.gather [hbm4b:s12+s22], $0x200, s23, s22, $0x38;
	[tilespmem:$0x19200] =	vst v63  }
0x110: {  	s12 =	sld [smem:$0x7C6];
	_ =	sdelay $0x1  }
0x111: {  	s13 =	simm.s32 $0x4400  }
0x112: {  	[tilespmem:s13], [sflag:$0x1] =	stream.strided.gather [hbm4b:s12+s22], $0x200, s23, s22, $0x38;
	[tilespmem:$0x19200] =	vst v63  }
0x113: {  	s12 =	sld [smem:$0x7C7];
	_ =	sdelay $0x1  }
0x114: {  	s13 =	simm.s32 $0x4600  }
0x115: {  	[tilespmem:s13], [sflag:$0x1] =	stream.strided.gather [hbm4b:s12+s22], $0x200, s23, s22, $0x38;
	[tilespmem:$0x19200] =	vst v63  }
0x116: {  	s12 =	sld [smem:$0x7C8];
	_ =	sdelay $0x1  }
0x117: {  	s13 =	simm.s32 $0x4800  }
0x118: {  	[tilespmem:s13], [sflag:$0x1] =	stream.strided.gather [hbm4b:s12+s22], $0x200, s23, s22, $0x38;
	[tilespmem:$0x19200] =	vst v63  }
0x119: {  	s12 =	sld [smem:$0x7C9];
	_ =	sdelay $0x1  }
0x11a: {  	s13 =	simm.s32 $0x4A00  }
0x11b: {  	[tilespmem:s13], [sflag:$0x1] =	stream.strided.gather [hbm4b:s12+s22], $0x200, s23, s22, $0x38;
	[tilespmem:$0x19200] =	vst v63  }
0x11c: {  	s12 =	sld [smem:$0x7CA];
	_ =	sdelay $0x1  }
0x11d: {  	s13 =	simm.s32 $0x4C00  }
0x11e: {  	[tilespmem:s13], [sflag:$0x1] =	stream.strided.gather [hbm4b:s12+s22], $0x200, s23, s22, $0x38;
	[tilespmem:$0x19200] =	vst v63  }
0x11f: {  	s12 =	sld [smem:$0x7CB];
	_ =	sdelay $0x1  }
0x120: {  	s13 =	simm.s32 $0x4E00  }
0x121: {  	[tilespmem:s13], [sflag:$0x1] =	stream.strided.gather [hbm4b:s12+s22], $0x200, s23, s22, $0x38;
	[tilespmem:$0x19200] =	vst v63  }
0x122: {  	_ =	swait.ge [sflag:s24], $0x200  }
0x123: {  	[sflag:s24] =	ssyncset.done $0x0  }
0x124: {  	[sflag:s24] =	ssyncadd.s32 $0xFFFFFE00  }
0x125: {  	_ =	swait.ge [sflag:s24], $0x200  }
0x126: {  	[sflag:s24] =	ssyncset.done $0x0  }
0x127: {  	[sflag:s24] =	ssyncadd.s32 $0xFFFFFE00  }
0x128: {  	_ =	swait.ge [sflag:s24], $0x200  }
0x129: {  	[sflag:s24] =	ssyncset.done $0x0  }
0x12a: {  	[sflag:s24] =	ssyncadd.s32 $0xFFFFFE00  }
0x12b: {  	_ =	swait.ge [sflag:s24], $0x200  }
0x12c: {  	[sflag:s24] =	ssyncset.done $0x0  }
0x12d: {  	[sflag:s24] =	ssyncadd.s32 $0xFFFFFE00  }
0x12e: {  	_ =	swait.ge [sflag:s24], $0x200  }
0x12f: {  	[sflag:s24] =	ssyncset.done $0x0  }
0x130: {  	[sflag:s24] =	ssyncadd.s32 $0xFFFFFE00  }
0x131: {  	_ =	swait.ge [sflag:s24], $0x200  }
0x132: {  	[sflag:s24] =	ssyncset.done $0x0  }
0x133: {  	[sflag:s24] =	ssyncadd.s32 $0xFFFFFE00  }
0x134: {  	_ =	swait.ge [sflag:s24], $0x200  }
0x135: {  	[sflag:s24] =	ssyncset.done $0x0  }
0x136: {  	[sflag:s24] =	ssyncadd.s32 $0xFFFFFE00  }
0x137: {  	_ =	swait.ge [sflag:s24], $0x200  }
0x138: {  	[sflag:s24] =	ssyncset.done $0x0  }
0x139: {  	[sflag:s24] =	ssyncadd.s32 $0xFFFFFE00  }
0x13a: {  	_ =	swait.ge [sflag:s24], $0x200  }
0x13b: {  	[sflag:s24] =	ssyncset.done $0x0  }
0x13c: {  	[sflag:s24] =	ssyncadd.s32 $0xFFFFFE00  }
0x13d: {  	_ =	swait.ge [sflag:s24], $0x200  }
0x13e: {  	[sflag:s24] =	ssyncset.done $0x0  }
0x13f: {  	s12 =	simm.s32 $0x10400;
	s13 =	rddreg [dreg:$0x4];
	[sflag:s24] =	ssyncadd.s32 $0xFFFFFE00  }
0x140: {  	[tilespmem:s12], [sflag:$0x2] =	stream.indirect.gather [hbm4b:s1+s25], $0x1, s28, s25, $0xb8;
	[tilespmem:$0x19200] =	vst v63  }
0x141: {  	s12 =	sld [smem:$0x7CC]  }
0x142: {  	[tilespmem:s29], [sflag:$0x1] =	stream.strided.gather [hbm4b:s13+s22], $0x200, s23, s22, $0x38;
	[tilespmem:$0x19200] =	vst v63  }
0x143: {  	s13 =	simm.s32 $0x5200  }
0x144: {  	[tilespmem:s13], [sflag:$0x1] =	stream.strided.gather [hbm4b:s12+s22], $0x200, s23, s22, $0x38;
	[tilespmem:$0x19200] =	vst v63  }
0x145: {  	s12 =	sld [smem:$0x7CD];
	_ =	sdelay $0x1  }
0x146: {  	s13 =	simm.s32 $0x5400  }
0x147: {  	[tilespmem:s13], [sflag:$0x1] =	stream.strided.gather [hbm4b:s12+s22], $0x200, s23, s22, $0x38;
	[tilespmem:$0x19200] =	vst v63  }
0x148: {  	s12 =	sld [smem:$0x7CE];
	_ =	sdelay $0x1  }
0x149: {  	s13 =	simm.s32 $0x5600  }
0x14a: {  	[tilespmem:s13], [sflag:$0x1] =	stream.strided.gather [hbm4b:s12+s22], $0x200, s23, s22, $0x38;
	[tilespmem:$0x19200] =	vst v63  }
0x14b: {  	s12 =	sld [smem:$0x7CF];
	_ =	sdelay $0x1  }
0x14c: {  	s13 =	simm.s32 $0x5800  }
0x14d: {  	[tilespmem:s13], [sflag:$0x1] =	stream.strided.gather [hbm4b:s12+s22], $0x200, s23, s22, $0x38;
	[tilespmem:$0x19200] =	vst v63  }
0x14e: {  	s12 =	sld [smem:$0x7D0];
	_ =	sdelay $0x1  }
0x14f: {  	s13 =	simm.s32 $0x5A00  }
0x150: {  	[tilespmem:s13], [sflag:$0x1] =	stream.strided.gather [hbm4b:s12+s22], $0x200, s23, s22, $0x38;
	[tilespmem:$0x19200] =	vst v63  }
0x151: {  	s12 =	sld [smem:$0x7D1];
	_ =	sdelay $0x1  }
0x152: {  	s13 =	simm.s32 $0x5C00  }
0x153: {  	[tilespmem:s13], [sflag:$0x1] =	stream.strided.gather [hbm4b:s12+s22], $0x200, s23, s22, $0x38;
	[tilespmem:$0x19200] =	vst v63  }
0x154: {  	s12 =	sld [smem:$0x7D2];
	_ =	sdelay $0x1  }
0x155: {  	s13 =	simm.s32 $0x5E00  }
0x156: {  	[tilespmem:s13], [sflag:$0x1] =	stream.strided.gather [hbm4b:s12+s22], $0x200, s23, s22, $0x38;
	[tilespmem:$0x19200] =	vst v63  }
0x157: {  	s12 =	sld [smem:$0x7D3];
	_ =	sdelay $0x1  }
0x158: {  	s13 =	simm.s32 $0x6000  }
0x159: {  	[tilespmem:s13], [sflag:$0x1] =	stream.strided.gather [hbm4b:s12+s22], $0x200, s23, s22, $0x38;
	[tilespmem:$0x19200] =	vst v63  }
0x15a: {  	s12 =	sld [smem:$0x7D4];
	_ =	sdelay $0x1  }
0x15b: {  	s13 =	simm.s32 $0x6200  }
0x15c: {  	[tilespmem:s13], [sflag:$0x1] =	stream.strided.gather [hbm4b:s12+s22], $0x200, s23, s22, $0x38;
	[tilespmem:$0x19200] =	vst v63  }
0x15d: {  	_ =	swait.ge [sflag:s30], $0x1400  }
0x15e: {  	[sflag:s30] =	ssyncset.done $0x0  }
0x15f: {  	s12 =	sand.u32 $0x1F0, s3;
	[sflag:s30] =	ssyncadd.s32 $0xFFFFEC00  }
0x160: {  	v0 =	vld [tilespmem:s12+$0xCA00]  }
0x161: {  	v1 =	vld [tilespmem:s10+$0x0];
	_ =	sdelay $0x1  }
0x162: {  	v2 =	vld [tilespmem:s12+$0xCC00];
	_ =	sdelay $0x1  }
0x163: {  	v3 =	vld [tilespmem:s12+$0xCE00]  }
0x164: {  	v0 =	vadd.f32 v0, v1  }
0x165: {  	v1 =	vld [tilespmem:s12+$0xD000]  }
0x166: {  	v0 =	vadd.f32 v2, v0  }
0x167: {  	v2 =	vld [tilespmem:s12+$0xD200]  }
0x168: {  	v0 =	vadd.f32 v3, v0  }
0x169: {  	v3 =	vld [tilespmem:s12+$0xD400]  }
0x16a: {  	v0 =	vadd.f32 v1, v0  }
0x16b: {  	v1 =	vld [tilespmem:s12+$0xD600]  }
0x16c: {  	v0 =	vadd.f32 v2, v0  }
0x16d: {  	v2 =	vld [tilespmem:s12+$0xD800]  }
0x16e: {  	v0 =	vadd.f32 v3, v0  }
0x16f: {  	v3 =	vld [tilespmem:s12+$0xDA00]  }
0x170: {  	v0 =	vadd.f32 v1, v0;
	_ =	sdelay $0x1  }
0x171: {  	v0 =	vadd.f32 v2, v0;
	_ =	sdelay $0x1  }
0x172: {  	v0 =	vadd.f32 v3, v0  }
0x173: {  	s13 =	simm.s32 $0x10  }
0x174: {  	s11 =	sand.u32 $0x1F0, s13;
	[tilespmem:s7+$0x0] =	vst v0  }
0x175: {  	s13 =	simm.s32 $0x20;
	s10 =	simm.s32 $0x19000;
	s12 =	simm.s32 $0xC810;
	v0 =	vld [tilespmem:s11+$0xCA00]  }
.LBB2_2:
0x176: {  	p0 =	sne.s32 s13, $0x1F0;
	v1 =	vld [tilespmem:s12+$0x0];
	_ =	sdelay $0x1  }
0x177: {  	v2 =	vld [tilespmem:s11+$0xCC00];
	_ =	sdelay $0x1  }
0x178: {  	v3 =	vld [tilespmem:s11+$0xCE00]  }
0x179: {  	v0 =	vadd.f32 v0, v1  }
0x17a: {  	v1 =	vld [tilespmem:s11+$0xD000]  }
0x17b: {  	v0 =	vadd.f32 v2, v0  }
0x17c: {  	v2 =	vld [tilespmem:s11+$0xD200]  }
0x17d: {  	v0 =	vadd.f32 v3, v0  }
0x17e: {  	v3 =	vld [tilespmem:s11+$0xD400]  }
0x17f: {  	v0 =	vadd.f32 v1, v0  }
0x180: {  	v1 =	vld [tilespmem:s11+$0xD600]  }
0x181: {  	v0 =	vadd.f32 v2, v0  }
0x182: {  	v2 =	vld [tilespmem:s11+$0xD800]  }
0x183: {  	v0 =	vadd.f32 v3, v0  }
0x184: {  	v3 =	vld [tilespmem:s11+$0xDA00]  }
0x185: {  	v0 =	vadd.f32 v1, v0;
	_ =	sdelay $0x1  }
0x186: {  	v0 =	vadd.f32 v2, v0  }
.Ltmp0:
0x187: {  	(pc) =	sbr.rel @p0 .LBB2_2-.Ltmp0, $4  }
0x188: {  	v0 =	vadd.f32 v3, v0  }
0x189: {  	s10 =	sadd.s32 $0x10, s10  }
0x18a: {  	s11 =	sand.u32 $0x1F0, s13;
	[tilespmem:s10+$0x0] =	vst v0  }
0x18b: {  	s12 =	sadd.s32 $0x10, s12;
	s13 =	sadd.s32 $0x10, s13;
	v0 =	vld [tilespmem:s11+$0xCA00]  }
0x18c: {  	v1 =	vld [tilespmem:s12+$0x0];
	_ =	sdelay $0x1  }
0x18d: {  	v2 =	vld [tilespmem:s11+$0xCC00];
	_ =	sdelay $0x1  }
0x18e: {  	v3 =	vld [tilespmem:s11+$0xCE00]  }
0x18f: {  	v0 =	vadd.f32 v0, v1  }
0x190: {  	v1 =	vld [tilespmem:s11+$0xD000]  }
0x191: {  	v0 =	vadd.f32 v2, v0  }
0x192: {  	v2 =	vld [tilespmem:s11+$0xD200]  }
0x193: {  	v0 =	vadd.f32 v3, v0  }
0x194: {  	v3 =	vld [tilespmem:s11+$0xD400]  }
0x195: {  	v0 =	vadd.f32 v1, v0  }
0x196: {  	v1 =	vld [tilespmem:s11+$0xD600]  }
0x197: {  	v0 =	vadd.f32 v2, v0  }
0x198: {  	v2 =	vld [tilespmem:s11+$0xD800]  }
0x199: {  	v0 =	vadd.f32 v3, v0  }
0x19a: {  	v3 =	vld [tilespmem:s11+$0xDA00]  }
0x19b: {  	v0 =	vadd.f32 v1, v0;
	_ =	sdelay $0x1  }
0x19c: {  	v0 =	vadd.f32 v2, v0;
	_ =	sdelay $0x1  }
0x19d: {  	v0 =	vadd.f32 v3, v0  }
0x19e: {  	s10 =	sadd.s32 $0x10, s10  }
0x19f: {  	[tilespmem:s10+$0x0] =	vst v0  }
0x1a0: {  	_ =	swait.ge [sflag:s24], $0x200  }
0x1a1: {  	[sflag:s24] =	ssyncset.done $0x0  }
0x1a2: {  	[sflag:s24] =	ssyncadd.s32 $0xFFFFFE00  }
0x1a3: {  	_ =	swait.ge [sflag:s24], $0x200  }
0x1a4: {  	[sflag:s24] =	ssyncset.done $0x0  }
0x1a5: {  	[sflag:s24] =	ssyncadd.s32 $0xFFFFFE00  }
0x1a6: {  	_ =	swait.ge [sflag:s24], $0x200  }
0x1a7: {  	[sflag:s24] =	ssyncset.done $0x0  }
0x1a8: {  	[sflag:s24] =	ssyncadd.s32 $0xFFFFFE00  }
0x1a9: {  	_ =	swait.ge [sflag:s24], $0x200  }
0x1aa: {  	[sflag:s24] =	ssyncset.done $0x0  }
0x1ab: {  	[sflag:s24] =	ssyncadd.s32 $0xFFFFFE00  }
0x1ac: {  	_ =	swait.ge [sflag:s24], $0x200  }
0x1ad: {  	[sflag:s24] =	ssyncset.done $0x0  }
0x1ae: {  	[sflag:s24] =	ssyncadd.s32 $0xFFFFFE00  }
0x1af: {  	_ =	swait.ge [sflag:s24], $0x200  }
0x1b0: {  	[sflag:s24] =	ssyncset.done $0x0  }
0x1b1: {  	[sflag:s24] =	ssyncadd.s32 $0xFFFFFE00  }
0x1b2: {  	_ =	swait.ge [sflag:s24], $0x200  }
0x1b3: {  	[sflag:s24] =	ssyncset.done $0x0  }
0x1b4: {  	[sflag:s24] =	ssyncadd.s32 $0xFFFFFE00  }
0x1b5: {  	_ =	swait.ge [sflag:s24], $0x200  }
0x1b6: {  	[sflag:s24] =	ssyncset.done $0x0  }
0x1b7: {  	[sflag:s24] =	ssyncadd.s32 $0xFFFFFE00  }
0x1b8: {  	_ =	swait.ge [sflag:s24], $0x200  }
0x1b9: {  	[sflag:s24] =	ssyncset.done $0x0  }
0x1ba: {  	[sflag:s24] =	ssyncadd.s32 $0xFFFFFE00  }
0x1bb: {  	_ =	swait.ge [sflag:s24], $0x200  }
0x1bc: {  	[sflag:s24] =	ssyncset.done $0x0  }
0x1bd: {  	s13 =	simm.s32 $0x11800;
	s11 =	sld [smem:$0x7D5];
	[sflag:s24] =	ssyncadd.s32 $0xFFFFFE00  }
0x1be: {  	[tilespmem:s13], [sflag:$0x2] =	stream.indirect.gather [hbm4b:s1+s25], $0x1, s29, s25, $0xb8;
	[tilespmem:$0x19200] =	vst v63  }
0x1bf: {  	s12 =	sld [smem:$0x7D6]  }
0x1c0: {  	[tilespmem:s31], [sflag:$0x1] =	stream.strided.gather [hbm4b:s11+s22], $0x200, s23, s22, $0x38;
	[tilespmem:$0x19200] =	vst v63  }
0x1c1: {  	s13 =	simm.s32 $0x6600  }
0x1c2: {  	[tilespmem:s13], [sflag:$0x1] =	stream.strided.gather [hbm4b:s12+s22], $0x200, s23, s22, $0x38;
	[tilespmem:$0x19200] =	vst v63  }
0x1c3: {  	s12 =	sld [smem:$0x7D7];
	_ =	sdelay $0x1  }
0x1c4: {  	s13 =	simm.s32 $0x6800  }
0x1c5: {  	[tilespmem:s13], [sflag:$0x1] =	stream.strided.gather [hbm4b:s12+s22], $0x200, s23, s22, $0x38;
	[tilespmem:$0x19200] =	vst v63  }
0x1c6: {  	s12 =	sld [smem:$0x7D8];
	_ =	sdelay $0x1  }
0x1c7: {  	s13 =	simm.s32 $0x6A00  }
0x1c8: {  	[tilespmem:s13], [sflag:$0x1] =	stream.strided.gather [hbm4b:s12+s22], $0x200, s23, s22, $0x38;
	[tilespmem:$0x19200] =	vst v63  }
0x1c9: {  	s12 =	sld [smem:$0x7D9];
	_ =	sdelay $0x1  }
0x1ca: {  	s13 =	simm.s32 $0x6C00  }
0x1cb: {  	[tilespmem:s13], [sflag:$0x1] =	stream.strided.gather [hbm4b:s12+s22], $0x200, s23, s22, $0x38;
	[tilespmem:$0x19200] =	vst v63  }
0x1cc: {  	s12 =	sld [smem:$0x7DA];
	_ =	sdelay $0x1  }
0x1cd: {  	s13 =	simm.s32 $0x6E00  }
0x1ce: {  	[tilespmem:s13], [sflag:$0x1] =	stream.strided.gather [hbm4b:s12+s22], $0x200, s23, s22, $0x38;
	[tilespmem:$0x19200] =	vst v63  }
0x1cf: {  	s12 =	sld [smem:$0x7DB];
	_ =	sdelay $0x1  }
0x1d0: {  	s13 =	simm.s32 $0x7000  }
0x1d1: {  	[tilespmem:s13], [sflag:$0x1] =	stream.strided.gather [hbm4b:s12+s22], $0x200, s23, s22, $0x38;
	[tilespmem:$0x19200] =	vst v63  }
0x1d2: {  	s12 =	sld [smem:$0x7DC];
	_ =	sdelay $0x1  }
0x1d3: {  	s13 =	simm.s32 $0x7200  }
0x1d4: {  	[tilespmem:s13], [sflag:$0x1] =	stream.strided.gather [hbm4b:s12+s22], $0x200, s23, s22, $0x38;
	[tilespmem:$0x19200] =	vst v63  }
0x1d5: {  	s12 =	sld [smem:$0x7DD];
	_ =	sdelay $0x1  }
0x1d6: {  	s13 =	simm.s32 $0x7400  }
0x1d7: {  	[tilespmem:s13], [sflag:$0x1] =	stream.strided.gather [hbm4b:s12+s22], $0x200, s23, s22, $0x38;
	[tilespmem:$0x19200] =	vst v63  }
0x1d8: {  	s12 =	sld [smem:$0x7DE];
	_ =	sdelay $0x1  }
0x1d9: {  	s13 =	simm.s32 $0x7600  }
0x1da: {  	[tilespmem:s13], [sflag:$0x1] =	stream.strided.gather [hbm4b:s12+s22], $0x200, s23, s22, $0x38;
	[tilespmem:$0x19200] =	vst v63  }
0x1db: {  	_ =	swait.ge [sflag:s30], $0x1400  }
0x1dc: {  	s11 =	simm.s32 $0x0;
	[sflag:s30] =	ssyncset.done $0x0  }
0x1dd: {  	s10 =	sand.u32 $0x1F0, s11;
	[sflag:s30] =	ssyncadd.s32 $0xFFFFEC00  }
0x1de: {  	s12 =	simm.s32 $0xDC00;
	v0 =	vld [tilespmem:s10+$0xDE00]  }
0x1df: {  	v1 =	vld [tilespmem:s12+$0x0];
	_ =	sdelay $0x1  }
0x1e0: {  	v2 =	vld [tilespmem:s10+$0xE000];
	_ =	sdelay $0x1  }
0x1e1: {  	v3 =	vld [tilespmem:s10+$0xE200]  }
0x1e2: {  	v0 =	vadd.f32 v0, v1  }
0x1e3: {  	v1 =	vld [tilespmem:s10+$0xE400]  }
0x1e4: {  	v0 =	vadd.f32 v2, v0  }
0x1e5: {  	v2 =	vld [tilespmem:s10+$0xE600]  }
0x1e6: {  	v0 =	vadd.f32 v3, v0  }
0x1e7: {  	v3 =	vld [tilespmem:s10+$0xE800]  }
0x1e8: {  	v0 =	vadd.f32 v1, v0  }
0x1e9: {  	v1 =	vld [tilespmem:s10+$0xEA00]  }
0x1ea: {  	v0 =	vadd.f32 v2, v0  }
0x1eb: {  	v2 =	vld [tilespmem:s10+$0xEC00]  }
0x1ec: {  	v0 =	vadd.f32 v3, v0  }
0x1ed: {  	v3 =	vld [tilespmem:s10+$0xEE00]  }
0x1ee: {  	s10 =	simm.s32 $0x19000;
	v0 =	vadd.f32 v1, v0  }
0x1ef: {  	v1 =	vld [tilespmem:s10+$0x0]  }
0x1f0: {  	v0 =	vadd.f32 v2, v0;
	_ =	sdelay $0x1  }
0x1f1: {  	v0 =	vadd.f32 v3, v0;
	_ =	sdelay $0x1  }
0x1f2: {  	v0 =	vadd.f32 v0, v1  }
0x1f3: {  	s13 =	simm.s32 $0x10  }
0x1f4: {  	s11 =	sand.u32 $0x1F0, s13;
	[tilespmem:s10+$0x0] =	vst v0  }
0x1f5: {  	s13 =	simm.s32 $0x20;
	s12 =	simm.s32 $0xDC10;
	v0 =	vld [tilespmem:s11+$0xDE00]  }
.LBB2_4:
0x1f6: {  	p0 =	sne.s32 s13, $0x1F0;
	v1 =	vld [tilespmem:s12+$0x0];
	_ =	sdelay $0x1  }
0x1f7: {  	v2 =	vld [tilespmem:s11+$0xE000];
	_ =	sdelay $0x1  }
0x1f8: {  	v3 =	vld [tilespmem:s11+$0xE200]  }
0x1f9: {  	v0 =	vadd.f32 v0, v1  }
0x1fa: {  	v1 =	vld [tilespmem:s11+$0xE400]  }
0x1fb: {  	v0 =	vadd.f32 v2, v0  }
0x1fc: {  	v2 =	vld [tilespmem:s11+$0xE600]  }
0x1fd: {  	v0 =	vadd.f32 v3, v0  }
0x1fe: {  	v3 =	vld [tilespmem:s11+$0xE800]  }
0x1ff: {  	v0 =	vadd.f32 v1, v0  }
0x200: {  	v1 =	vld [tilespmem:s11+$0xEA00]  }
0x201: {  	v0 =	vadd.f32 v2, v0  }
0x202: {  	v2 =	vld [tilespmem:s11+$0xEC00]  }
0x203: {  	v0 =	vadd.f32 v3, v0  }
0x204: {  	v3 =	vld [tilespmem:s11+$0xEE00]  }
0x205: {  	s10 =	sadd.s32 $0x10, s10;
	v0 =	vadd.f32 v1, v0  }
0x206: {  	v1 =	vld [tilespmem:s10+$0x0]  }
0x207: {  	v0 =	vadd.f32 v2, v0;
	_ =	sdelay $0x1  }
0x208: {  	v0 =	vadd.f32 v3, v0  }
.Ltmp1:
0x209: {  	(pc) =	sbr.rel @p0 .LBB2_4-.Ltmp1, $3  }
0x20a: {  	v0 =	vadd.f32 v0, v1;
	_ =	sdelay $0x1  }
0x20b: {  	s11 =	sand.u32 $0x1F0, s13;
	[tilespmem:s10+$0x0] =	vst v0  }
0x20c: {  	s12 =	sadd.s32 $0x10, s12;
	s13 =	sadd.s32 $0x10, s13;
	v0 =	vld [tilespmem:s11+$0xDE00]  }
0x20d: {  	v1 =	vld [tilespmem:s12+$0x0];
	_ =	sdelay $0x1  }
0x20e: {  	v2 =	vld [tilespmem:s11+$0xE000];
	_ =	sdelay $0x1  }
0x20f: {  	v3 =	vld [tilespmem:s11+$0xE200]  }
0x210: {  	v0 =	vadd.f32 v0, v1  }
0x211: {  	v1 =	vld [tilespmem:s11+$0xE400]  }
0x212: {  	v0 =	vadd.f32 v2, v0  }
0x213: {  	v2 =	vld [tilespmem:s11+$0xE600]  }
0x214: {  	v0 =	vadd.f32 v3, v0  }
0x215: {  	v3 =	vld [tilespmem:s11+$0xE800]  }
0x216: {  	v0 =	vadd.f32 v1, v0  }
0x217: {  	v1 =	vld [tilespmem:s11+$0xEA00]  }
0x218: {  	v0 =	vadd.f32 v2, v0  }
0x219: {  	v2 =	vld [tilespmem:s11+$0xEC00]  }
0x21a: {  	v0 =	vadd.f32 v3, v0  }
0x21b: {  	v3 =	vld [tilespmem:s11+$0xEE00]  }
0x21c: {  	s10 =	sadd.s32 $0x10, s10;
	v0 =	vadd.f32 v1, v0  }
0x21d: {  	v1 =	vld [tilespmem:s10+$0x0]  }
0x21e: {  	v0 =	vadd.f32 v2, v0;
	_ =	sdelay $0x1  }
0x21f: {  	v0 =	vadd.f32 v3, v0;
	_ =	sdelay $0x1  }
0x220: {  	v0 =	vadd.f32 v0, v1;
	_ =	sdelay $0x1  }
0x221: {  	[tilespmem:s10+$0x0] =	vst v0  }
0x222: {  	_ =	swait.ge [sflag:s24], $0x200  }
0x223: {  	[sflag:s24] =	ssyncset.done $0x0  }
0x224: {  	[sflag:s24] =	ssyncadd.s32 $0xFFFFFE00  }
0x225: {  	_ =	swait.ge [sflag:s24], $0x200  }
0x226: {  	[sflag:s24] =	ssyncset.done $0x0  }
0x227: {  	[sflag:s24] =	ssyncadd.s32 $0xFFFFFE00  }
0x228: {  	_ =	swait.ge [sflag:s24], $0x200  }
0x229: {  	[sflag:s24] =	ssyncset.done $0x0  }
0x22a: {  	[sflag:s24] =	ssyncadd.s32 $0xFFFFFE00  }
0x22b: {  	_ =	swait.ge [sflag:s24], $0x200  }
0x22c: {  	[sflag:s24] =	ssyncset.done $0x0  }
0x22d: {  	[sflag:s24] =	ssyncadd.s32 $0xFFFFFE00  }
0x22e: {  	_ =	swait.ge [sflag:s24], $0x200  }
0x22f: {  	[sflag:s24] =	ssyncset.done $0x0  }
0x230: {  	[sflag:s24] =	ssyncadd.s32 $0xFFFFFE00  }
0x231: {  	_ =	swait.ge [sflag:s24], $0x200  }
0x232: {  	[sflag:s24] =	ssyncset.done $0x0  }
0x233: {  	[sflag:s24] =	ssyncadd.s32 $0xFFFFFE00  }
0x234: {  	_ =	swait.ge [sflag:s24], $0x200  }
0x235: {  	[sflag:s24] =	ssyncset.done $0x0  }
0x236: {  	[sflag:s24] =	ssyncadd.s32 $0xFFFFFE00  }
0x237: {  	_ =	swait.ge [sflag:s24], $0x200  }
0x238: {  	[sflag:s24] =	ssyncset.done $0x0  }
0x239: {  	[sflag:s24] =	ssyncadd.s32 $0xFFFFFE00  }
0x23a: {  	_ =	swait.ge [sflag:s24], $0x200  }
0x23b: {  	[sflag:s24] =	ssyncset.done $0x0  }
0x23c: {  	[sflag:s24] =	ssyncadd.s32 $0xFFFFFE00  }
0x23d: {  	_ =	swait.ge [sflag:s24], $0x200  }
0x23e: {  	[sflag:s24] =	ssyncset.done $0x0  }
0x23f: {  	s13 =	simm.s32 $0x12C00;
	s11 =	sld [smem:$0x7DF];
	[sflag:s24] =	ssyncadd.s32 $0xFFFFFE00  }
0x240: {  	[tilespmem:s13], [sflag:$0x2] =	stream.indirect.gather [hbm4b:s1+s25], $0x1, s31, s25, $0xb8;
	[tilespmem:$0x19200] =	vst v63  }
0x241: {  	s12 =	sld [smem:$0x7E0]  }
0x242: {  	[tilespmem:s0], [sflag:$0x1] =	stream.strided.gather [hbm4b:s11+s22], $0x200, s23, s22, $0x38;
	[tilespmem:$0x19200] =	vst v63  }
0x243: {  	s13 =	simm.s32 $0x7A00  }
0x244: {  	[tilespmem:s13], [sflag:$0x1] =	stream.strided.gather [hbm4b:s12+s22], $0x200, s23, s22, $0x38;
	[tilespmem:$0x19200] =	vst v63  }
0x245: {  	s12 =	sld [smem:$0x7E1];
	_ =	sdelay $0x1  }
0x246: {  	s13 =	simm.s32 $0x7C00  }
0x247: {  	[tilespmem:s13], [sflag:$0x1] =	stream.strided.gather [hbm4b:s12+s22], $0x200, s23, s22, $0x38;
	[tilespmem:$0x19200] =	vst v63  }
0x248: {  	s12 =	sld [smem:$0x7E2];
	_ =	sdelay $0x1  }
0x249: {  	s13 =	simm.s32 $0x7E00  }
0x24a: {  	[tilespmem:s13], [sflag:$0x1] =	stream.strided.gather [hbm4b:s12+s22], $0x200, s23, s22, $0x38;
	[tilespmem:$0x19200] =	vst v63  }
0x24b: {  	s12 =	sld [smem:$0x7E3];
	_ =	sdelay $0x1  }
0x24c: {  	s13 =	simm.s32 $0x8000  }
0x24d: {  	[tilespmem:s13], [sflag:$0x1] =	stream.strided.gather [hbm4b:s12+s22], $0x200, s23, s22, $0x38;
	[tilespmem:$0x19200] =	vst v63  }
0x24e: {  	s12 =	sld [smem:$0x7E4];
	_ =	sdelay $0x1  }
0x24f: {  	s13 =	simm.s32 $0x8200  }
0x250: {  	[tilespmem:s13], [sflag:$0x1] =	stream.strided.gather [hbm4b:s12+s22], $0x200, s23, s22, $0x38;
	[tilespmem:$0x19200] =	vst v63  }
0x251: {  	s12 =	sld [smem:$0x7E5];
	_ =	sdelay $0x1  }
0x252: {  	s13 =	simm.s32 $0x8400  }
0x253: {  	[tilespmem:s13], [sflag:$0x1] =	stream.strided.gather [hbm4b:s12+s22], $0x200, s23, s22, $0x38;
	[tilespmem:$0x19200] =	vst v63  }
0x254: {  	s12 =	sld [smem:$0x7E6];
	_ =	sdelay $0x1  }
0x255: {  	s13 =	simm.s32 $0x8600  }
0x256: {  	[tilespmem:s13], [sflag:$0x1] =	stream.strided.gather [hbm4b:s12+s22], $0x200, s23, s22, $0x38;
	[tilespmem:$0x19200] =	vst v63  }
0x257: {  	s12 =	sld [smem:$0x7E7];
	_ =	sdelay $0x1  }
0x258: {  	s13 =	simm.s32 $0x8800  }
0x259: {  	[tilespmem:s13], [sflag:$0x1] =	stream.strided.gather [hbm4b:s12+s22], $0x200, s23, s22, $0x38;
	[tilespmem:$0x19200] =	vst v63  }
0x25a: {  	s12 =	sld [smem:$0x7E8];
	_ =	sdelay $0x1  }
0x25b: {  	s13 =	simm.s32 $0x8A00  }
0x25c: {  	[tilespmem:s13], [sflag:$0x1] =	stream.strided.gather [hbm4b:s12+s22], $0x200, s23, s22, $0x38;
	[tilespmem:$0x19200] =	vst v63  }
0x25d: {  	_ =	swait.ge [sflag:s30], $0x1400  }
0x25e: {  	s11 =	simm.s32 $0x0;
	[sflag:s30] =	ssyncset.done $0x0  }
0x25f: {  	s10 =	sand.u32 $0x1F0, s11;
	[sflag:s30] =	ssyncadd.s32 $0xFFFFEC00  }
0x260: {  	s12 =	simm.s32 $0xF000;
	v0 =	vld [tilespmem:s10+$0xF200]  }
0x261: {  	v1 =	vld [tilespmem:s12+$0x0];
	_ =	sdelay $0x1  }
0x262: {  	v2 =	vld [tilespmem:s10+$0xF400];
	_ =	sdelay $0x1  }
0x263: {  	v3 =	vld [tilespmem:s10+$0xF600]  }
0x264: {  	v0 =	vadd.f32 v0, v1  }
0x265: {  	v1 =	vld [tilespmem:s10+$0xF800]  }
0x266: {  	v0 =	vadd.f32 v2, v0  }
0x267: {  	v2 =	vld [tilespmem:s10+$0xFA00]  }
0x268: {  	v0 =	vadd.f32 v3, v0  }
0x269: {  	v3 =	vld [tilespmem:s10+$0xFC00]  }
0x26a: {  	v0 =	vadd.f32 v1, v0  }
0x26b: {  	v1 =	vld [tilespmem:s10+$0xFE00]  }
0x26c: {  	v0 =	vadd.f32 v2, v0  }
0x26d: {  	v2 =	vld [tilespmem:s10+$0x10000]  }
0x26e: {  	v0 =	vadd.f32 v3, v0  }
0x26f: {  	v3 =	vld [tilespmem:s10+$0x10200]  }
0x270: {  	s10 =	simm.s32 $0x19000;
	v0 =	vadd.f32 v1, v0  }
0x271: {  	v1 =	vld [tilespmem:s10+$0x0]  }
0x272: {  	v0 =	vadd.f32 v2, v0;
	_ =	sdelay $0x1  }
0x273: {  	v0 =	vadd.f32 v3, v0;
	_ =	sdelay $0x1  }
0x274: {  	v0 =	vadd.f32 v0, v1  }
0x275: {  	s13 =	simm.s32 $0x10  }
0x276: {  	s11 =	sand.u32 $0x1F0, s13;
	[tilespmem:s10+$0x0] =	vst v0  }
0x277: {  	s13 =	simm.s32 $0x20;
	s12 =	simm.s32 $0xF010;
	v0 =	vld [tilespmem:s11+$0xF200]  }
.LBB2_6:
0x278: {  	p0 =	sne.s32 s13, $0x1F0;
	v1 =	vld [tilespmem:s12+$0x0];
	_ =	sdelay $0x1  }
0x279: {  	v2 =	vld [tilespmem:s11+$0xF400];
	_ =	sdelay $0x1  }
0x27a: {  	v3 =	vld [tilespmem:s11+$0xF600]  }
0x27b: {  	v0 =	vadd.f32 v0, v1  }
0x27c: {  	v1 =	vld [tilespmem:s11+$0xF800]  }
0x27d: {  	v0 =	vadd.f32 v2, v0  }
0x27e: {  	v2 =	vld [tilespmem:s11+$0xFA00]  }
0x27f: {  	v0 =	vadd.f32 v3, v0  }
0x280: {  	v3 =	vld [tilespmem:s11+$0xFC00]  }
0x281: {  	v0 =	vadd.f32 v1, v0  }
0x282: {  	v1 =	vld [tilespmem:s11+$0xFE00]  }
0x283: {  	v0 =	vadd.f32 v2, v0  }
0x284: {  	v2 =	vld [tilespmem:s11+$0x10000]  }
0x285: {  	v0 =	vadd.f32 v3, v0  }
0x286: {  	v3 =	vld [tilespmem:s11+$0x10200]  }
0x287: {  	s10 =	sadd.s32 $0x10, s10;
	v0 =	vadd.f32 v1, v0  }
0x288: {  	v1 =	vld [tilespmem:s10+$0x0]  }
0x289: {  	v0 =	vadd.f32 v2, v0;
	_ =	sdelay $0x1  }
0x28a: {  	v0 =	vadd.f32 v3, v0  }
.Ltmp2:
0x28b: {  	(pc) =	sbr.rel @p0 .LBB2_6-.Ltmp2, $3  }
0x28c: {  	v0 =	vadd.f32 v0, v1;
	_ =	sdelay $0x1  }
0x28d: {  	s11 =	sand.u32 $0x1F0, s13;
	[tilespmem:s10+$0x0] =	vst v0  }
0x28e: {  	s12 =	sadd.s32 $0x10, s12;
	s13 =	sadd.s32 $0x10, s13;
	v0 =	vld [tilespmem:s11+$0xF200]  }
0x28f: {  	v1 =	vld [tilespmem:s12+$0x0];
	_ =	sdelay $0x1  }
0x290: {  	v2 =	vld [tilespmem:s11+$0xF400];
	_ =	sdelay $0x1  }
0x291: {  	v3 =	vld [tilespmem:s11+$0xF600]  }
0x292: {  	v0 =	vadd.f32 v0, v1  }
0x293: {  	v1 =	vld [tilespmem:s11+$0xF800]  }
0x294: {  	v0 =	vadd.f32 v2, v0  }
0x295: {  	v2 =	vld [tilespmem:s11+$0xFA00]  }
0x296: {  	v0 =	vadd.f32 v3, v0  }
0x297: {  	v3 =	vld [tilespmem:s11+$0xFC00]  }
0x298: {  	v0 =	vadd.f32 v1, v0  }
0x299: {  	v1 =	vld [tilespmem:s11+$0xFE00]  }
0x29a: {  	v0 =	vadd.f32 v2, v0  }
0x29b: {  	v2 =	vld [tilespmem:s11+$0x10000]  }
0x29c: {  	v0 =	vadd.f32 v3, v0  }
0x29d: {  	v3 =	vld [tilespmem:s11+$0x10200]  }
0x29e: {  	s10 =	sadd.s32 $0x10, s10;
	v0 =	vadd.f32 v1, v0  }
0x29f: {  	v1 =	vld [tilespmem:s10+$0x0]  }
0x2a0: {  	v0 =	vadd.f32 v2, v0;
	_ =	sdelay $0x1  }
0x2a1: {  	v0 =	vadd.f32 v3, v0;
	_ =	sdelay $0x1  }
0x2a2: {  	v0 =	vadd.f32 v0, v1;
	_ =	sdelay $0x1  }
0x2a3: {  	[tilespmem:s10+$0x0] =	vst v0  }
0x2a4: {  	_ =	swait.ge [sflag:s24], $0x200  }
0x2a5: {  	[sflag:s24] =	ssyncset.done $0x0  }
0x2a6: {  	[sflag:s24] =	ssyncadd.s32 $0xFFFFFE00  }
0x2a7: {  	_ =	swait.ge [sflag:s24], $0x200  }
0x2a8: {  	[sflag:s24] =	ssyncset.done $0x0  }
0x2a9: {  	[sflag:s24] =	ssyncadd.s32 $0xFFFFFE00  }
0x2aa: {  	_ =	swait.ge [sflag:s24], $0x200  }
0x2ab: {  	[sflag:s24] =	ssyncset.done $0x0  }
0x2ac: {  	[sflag:s24] =	ssyncadd.s32 $0xFFFFFE00  }
0x2ad: {  	_ =	swait.ge [sflag:s24], $0x200  }
0x2ae: {  	[sflag:s24] =	ssyncset.done $0x0  }
0x2af: {  	[sflag:s24] =	ssyncadd.s32 $0xFFFFFE00  }
0x2b0: {  	_ =	swait.ge [sflag:s24], $0x200  }
0x2b1: {  	[sflag:s24] =	ssyncset.done $0x0  }
0x2b2: {  	[sflag:s24] =	ssyncadd.s32 $0xFFFFFE00  }
0x2b3: {  	_ =	swait.ge [sflag:s24], $0x200  }
0x2b4: {  	[sflag:s24] =	ssyncset.done $0x0  }
0x2b5: {  	[sflag:s24] =	ssyncadd.s32 $0xFFFFFE00  }
0x2b6: {  	_ =	swait.ge [sflag:s24], $0x200  }
0x2b7: {  	[sflag:s24] =	ssyncset.done $0x0  }
0x2b8: {  	[sflag:s24] =	ssyncadd.s32 $0xFFFFFE00  }
0x2b9: {  	_ =	swait.ge [sflag:s24], $0x200  }
0x2ba: {  	[sflag:s24] =	ssyncset.done $0x0  }
0x2bb: {  	[sflag:s24] =	ssyncadd.s32 $0xFFFFFE00  }
0x2bc: {  	_ =	swait.ge [sflag:s24], $0x200  }
0x2bd: {  	[sflag:s24] =	ssyncset.done $0x0  }
0x2be: {  	[sflag:s24] =	ssyncadd.s32 $0xFFFFFE00  }
0x2bf: {  	_ =	swait.ge [sflag:s24], $0x200  }
0x2c0: {  	[sflag:s24] =	ssyncset.done $0x0  }
0x2c1: {  	s13 =	simm.s32 $0x14000;
	s11 =	sld [smem:$0x7E9];
	[sflag:s24] =	ssyncadd.s32 $0xFFFFFE00  }
0x2c2: {  	[tilespmem:s13], [sflag:$0x2] =	stream.indirect.gather [hbm4b:s1+s25], $0x1, s0, s25, $0xb8;
	[tilespmem:$0x19200] =	vst v63  }
0x2c3: {  	s12 =	sld [smem:$0x7EA]  }
0x2c4: {  	[tilespmem:s2], [sflag:$0x1] =	stream.strided.gather [hbm4b:s11+s22], $0x200, s23, s22, $0x38;
	[tilespmem:$0x19200] =	vst v63  }
0x2c5: {  	s13 =	simm.s32 $0x8E00  }
0x2c6: {  	[tilespmem:s13], [sflag:$0x1] =	stream.strided.gather [hbm4b:s12+s22], $0x200, s23, s22, $0x38;
	[tilespmem:$0x19200] =	vst v63  }
0x2c7: {  	s12 =	sld [smem:$0x7EB];
	_ =	sdelay $0x1  }
0x2c8: {  	s13 =	simm.s32 $0x9000  }
0x2c9: {  	[tilespmem:s13], [sflag:$0x1] =	stream.strided.gather [hbm4b:s12+s22], $0x200, s23, s22, $0x38;
	[tilespmem:$0x19200] =	vst v63  }
0x2ca: {  	s12 =	sld [smem:$0x7EC];
	_ =	sdelay $0x1  }
0x2cb: {  	s13 =	simm.s32 $0x9200  }
0x2cc: {  	[tilespmem:s13], [sflag:$0x1] =	stream.strided.gather [hbm4b:s12+s22], $0x200, s23, s22, $0x38;
	[tilespmem:$0x19200] =	vst v63  }
0x2cd: {  	s12 =	sld [smem:$0x7ED];
	_ =	sdelay $0x1  }
0x2ce: {  	s13 =	simm.s32 $0x9400  }
0x2cf: {  	[tilespmem:s13], [sflag:$0x1] =	stream.strided.gather [hbm4b:s12+s22], $0x200, s23, s22, $0x38;
	[tilespmem:$0x19200] =	vst v63  }
0x2d0: {  	s12 =	sld [smem:$0x7EE];
	_ =	sdelay $0x1  }
0x2d1: {  	s13 =	simm.s32 $0x9600  }
0x2d2: {  	[tilespmem:s13], [sflag:$0x1] =	stream.strided.gather [hbm4b:s12+s22], $0x200, s23, s22, $0x38;
	[tilespmem:$0x19200] =	vst v63  }
0x2d3: {  	s12 =	sld [smem:$0x7EF];
	_ =	sdelay $0x1  }
0x2d4: {  	s13 =	simm.s32 $0x9800  }
0x2d5: {  	[tilespmem:s13], [sflag:$0x1] =	stream.strided.gather [hbm4b:s12+s22], $0x200, s23, s22, $0x38;
	[tilespmem:$0x19200] =	vst v63  }
0x2d6: {  	s12 =	sld [smem:$0x7F0];
	_ =	sdelay $0x1  }
0x2d7: {  	s13 =	simm.s32 $0x9A00  }
0x2d8: {  	[tilespmem:s13], [sflag:$0x1] =	stream.strided.gather [hbm4b:s12+s22], $0x200, s23, s22, $0x38;
	[tilespmem:$0x19200] =	vst v63  }
0x2d9: {  	s12 =	sld [smem:$0x7F1];
	_ =	sdelay $0x1  }
0x2da: {  	s13 =	simm.s32 $0x9C00  }
0x2db: {  	[tilespmem:s13], [sflag:$0x1] =	stream.strided.gather [hbm4b:s12+s22], $0x200, s23, s22, $0x38;
	[tilespmem:$0x19200] =	vst v63  }
0x2dc: {  	s12 =	sld [smem:$0x7F2];
	_ =	sdelay $0x1  }
0x2dd: {  	s13 =	simm.s32 $0x9E00  }
0x2de: {  	[tilespmem:s13], [sflag:$0x1] =	stream.strided.gather [hbm4b:s12+s22], $0x200, s23, s22, $0x38;
	[tilespmem:$0x19200] =	vst v63  }
0x2df: {  	_ =	swait.ge [sflag:s30], $0x1400  }
0x2e0: {  	s11 =	simm.s32 $0x0;
	[sflag:s30] =	ssyncset.done $0x0  }
0x2e1: {  	s10 =	sand.u32 $0x1F0, s11;
	[sflag:s30] =	ssyncadd.s32 $0xFFFFEC00  }
0x2e2: {  	s12 =	simm.s32 $0x10400;
	v0 =	vld [tilespmem:s10+$0x10600]  }
0x2e3: {  	v1 =	vld [tilespmem:s12+$0x0];
	_ =	sdelay $0x1  }
0x2e4: {  	v2 =	vld [tilespmem:s10+$0x10800];
	_ =	sdelay $0x1  }
0x2e5: {  	v3 =	vld [tilespmem:s10+$0x10A00]  }
0x2e6: {  	v0 =	vadd.f32 v0, v1  }
0x2e7: {  	v1 =	vld [tilespmem:s10+$0x10C00]  }
0x2e8: {  	v0 =	vadd.f32 v2, v0  }
0x2e9: {  	v2 =	vld [tilespmem:s10+$0x10E00]  }
0x2ea: {  	v0 =	vadd.f32 v3, v0  }
0x2eb: {  	v3 =	vld [tilespmem:s10+$0x11000]  }
0x2ec: {  	v0 =	vadd.f32 v1, v0  }
0x2ed: {  	v1 =	vld [tilespmem:s10+$0x11200]  }
0x2ee: {  	v0 =	vadd.f32 v2, v0  }
0x2ef: {  	v2 =	vld [tilespmem:s10+$0x11400]  }
0x2f0: {  	v0 =	vadd.f32 v3, v0  }
0x2f1: {  	v3 =	vld [tilespmem:s10+$0x11600]  }
0x2f2: {  	s10 =	simm.s32 $0x19000;
	v0 =	vadd.f32 v1, v0  }
0x2f3: {  	v1 =	vld [tilespmem:s10+$0x0]  }
0x2f4: {  	v0 =	vadd.f32 v2, v0;
	_ =	sdelay $0x1  }
0x2f5: {  	v0 =	vadd.f32 v3, v0;
	_ =	sdelay $0x1  }
0x2f6: {  	v0 =	vadd.f32 v0, v1  }
0x2f7: {  	s13 =	simm.s32 $0x10  }
0x2f8: {  	s11 =	sand.u32 $0x1F0, s13;
	[tilespmem:s10+$0x0] =	vst v0  }
0x2f9: {  	s13 =	simm.s32 $0x20;
	s12 =	simm.s32 $0x10410;
	v0 =	vld [tilespmem:s11+$0x10600]  }
.LBB2_8:
0x2fa: {  	p0 =	sne.s32 s13, $0x1F0;
	v1 =	vld [tilespmem:s12+$0x0];
	_ =	sdelay $0x1  }
0x2fb: {  	v2 =	vld [tilespmem:s11+$0x10800];
	_ =	sdelay $0x1  }
0x2fc: {  	v3 =	vld [tilespmem:s11+$0x10A00]  }
0x2fd: {  	v0 =	vadd.f32 v0, v1  }
0x2fe: {  	v1 =	vld [tilespmem:s11+$0x10C00]  }
0x2ff: {  	v0 =	vadd.f32 v2, v0  }
0x300: {  	v2 =	vld [tilespmem:s11+$0x10E00]  }
0x301: {  	v0 =	vadd.f32 v3, v0  }
0x302: {  	v3 =	vld [tilespmem:s11+$0x11000]  }
0x303: {  	v0 =	vadd.f32 v1, v0  }
0x304: {  	v1 =	vld [tilespmem:s11+$0x11200]  }
0x305: {  	v0 =	vadd.f32 v2, v0  }
0x306: {  	v2 =	vld [tilespmem:s11+$0x11400]  }
0x307: {  	v0 =	vadd.f32 v3, v0  }
0x308: {  	v3 =	vld [tilespmem:s11+$0x11600]  }
0x309: {  	s10 =	sadd.s32 $0x10, s10;
	v0 =	vadd.f32 v1, v0  }
0x30a: {  	v1 =	vld [tilespmem:s10+$0x0]  }
0x30b: {  	v0 =	vadd.f32 v2, v0;
	_ =	sdelay $0x1  }
0x30c: {  	v0 =	vadd.f32 v3, v0  }
.Ltmp3:
0x30d: {  	(pc) =	sbr.rel @p0 .LBB2_8-.Ltmp3, $3  }
0x30e: {  	v0 =	vadd.f32 v0, v1;
	_ =	sdelay $0x1  }
0x30f: {  	s11 =	sand.u32 $0x1F0, s13;
	[tilespmem:s10+$0x0] =	vst v0  }
0x310: {  	s12 =	sadd.s32 $0x10, s12;
	s13 =	sadd.s32 $0x10, s13;
	v0 =	vld [tilespmem:s11+$0x10600]  }
0x311: {  	v1 =	vld [tilespmem:s12+$0x0];
	_ =	sdelay $0x1  }
0x312: {  	v2 =	vld [tilespmem:s11+$0x10800];
	_ =	sdelay $0x1  }
0x313: {  	v3 =	vld [tilespmem:s11+$0x10A00]  }
0x314: {  	v0 =	vadd.f32 v0, v1  }
0x315: {  	v1 =	vld [tilespmem:s11+$0x10C00]  }
0x316: {  	v0 =	vadd.f32 v2, v0  }
0x317: {  	v2 =	vld [tilespmem:s11+$0x10E00]  }
0x318: {  	v0 =	vadd.f32 v3, v0  }
0x319: {  	v3 =	vld [tilespmem:s11+$0x11000]  }
0x31a: {  	v0 =	vadd.f32 v1, v0  }
0x31b: {  	v1 =	vld [tilespmem:s11+$0x11200]  }
0x31c: {  	v0 =	vadd.f32 v2, v0  }
0x31d: {  	v2 =	vld [tilespmem:s11+$0x11400]  }
0x31e: {  	v0 =	vadd.f32 v3, v0  }
0x31f: {  	v3 =	vld [tilespmem:s11+$0x11600]  }
0x320: {  	s10 =	sadd.s32 $0x10, s10;
	v0 =	vadd.f32 v1, v0  }
0x321: {  	v1 =	vld [tilespmem:s10+$0x0]  }
0x322: {  	v0 =	vadd.f32 v2, v0;
	_ =	sdelay $0x1  }
0x323: {  	v0 =	vadd.f32 v3, v0;
	_ =	sdelay $0x1  }
0x324: {  	v0 =	vadd.f32 v0, v1;
	_ =	sdelay $0x1  }
0x325: {  	[tilespmem:s10+$0x0] =	vst v0  }
0x326: {  	_ =	swait.ge [sflag:s24], $0x200  }
0x327: {  	[sflag:s24] =	ssyncset.done $0x0  }
0x328: {  	[sflag:s24] =	ssyncadd.s32 $0xFFFFFE00  }
0x329: {  	_ =	swait.ge [sflag:s24], $0x200  }
0x32a: {  	[sflag:s24] =	ssyncset.done $0x0  }
0x32b: {  	[sflag:s24] =	ssyncadd.s32 $0xFFFFFE00  }
0x32c: {  	_ =	swait.ge [sflag:s24], $0x200  }
0x32d: {  	[sflag:s24] =	ssyncset.done $0x0  }
0x32e: {  	[sflag:s24] =	ssyncadd.s32 $0xFFFFFE00  }
0x32f: {  	_ =	swait.ge [sflag:s24], $0x200  }
0x330: {  	[sflag:s24] =	ssyncset.done $0x0  }
0x331: {  	[sflag:s24] =	ssyncadd.s32 $0xFFFFFE00  }
0x332: {  	_ =	swait.ge [sflag:s24], $0x200  }
0x333: {  	[sflag:s24] =	ssyncset.done $0x0  }
0x334: {  	[sflag:s24] =	ssyncadd.s32 $0xFFFFFE00  }
0x335: {  	_ =	swait.ge [sflag:s24], $0x200  }
0x336: {  	[sflag:s24] =	ssyncset.done $0x0  }
0x337: {  	[sflag:s24] =	ssyncadd.s32 $0xFFFFFE00  }
0x338: {  	_ =	swait.ge [sflag:s24], $0x200  }
0x339: {  	[sflag:s24] =	ssyncset.done $0x0  }
0x33a: {  	[sflag:s24] =	ssyncadd.s32 $0xFFFFFE00  }
0x33b: {  	_ =	swait.ge [sflag:s24], $0x200  }
0x33c: {  	[sflag:s24] =	ssyncset.done $0x0  }
0x33d: {  	[sflag:s24] =	ssyncadd.s32 $0xFFFFFE00  }
0x33e: {  	_ =	swait.ge [sflag:s24], $0x200  }
0x33f: {  	[sflag:s24] =	ssyncset.done $0x0  }
0x340: {  	[sflag:s24] =	ssyncadd.s32 $0xFFFFFE00  }
0x341: {  	_ =	swait.ge [sflag:s24], $0x200  }
0x342: {  	[sflag:s24] =	ssyncset.done $0x0  }
0x343: {  	s13 =	simm.s32 $0x15400;
	s11 =	rddreg [dreg:$0x5];
	[sflag:s24] =	ssyncadd.s32 $0xFFFFFE00  }
0x344: {  	[tilespmem:s13], [sflag:$0x2] =	stream.indirect.gather [hbm4b:s1+s25], $0x1, s2, s25, $0xb8;
	[tilespmem:$0x19200] =	vst v63  }
0x345: {  	s12 =	sld [smem:$0x7F3]  }
0x346: {  	[tilespmem:s5], [sflag:$0x1] =	stream.strided.gather [hbm4b:s11+s22], $0x200, s23, s22, $0x38;
	[tilespmem:$0x19200] =	vst v63  }
0x347: {  	s13 =	simm.s32 $0xA200  }
0x348: {  	[tilespmem:s13], [sflag:$0x1] =	stream.strided.gather [hbm4b:s12+s22], $0x200, s23, s22, $0x38;
	[tilespmem:$0x19200] =	vst v63  }
0x349: {  	s12 =	sld [smem:$0x7F4];
	_ =	sdelay $0x1  }
0x34a: {  	s13 =	simm.s32 $0xA400  }
0x34b: {  	[tilespmem:s13], [sflag:$0x1] =	stream.strided.gather [hbm4b:s12+s22], $0x200, s23, s22, $0x38;
	[tilespmem:$0x19200] =	vst v63  }
0x34c: {  	s12 =	sld [smem:$0x7F5];
	_ =	sdelay $0x1  }
0x34d: {  	s13 =	simm.s32 $0xA600  }
0x34e: {  	[tilespmem:s13], [sflag:$0x1] =	stream.strided.gather [hbm4b:s12+s22], $0x200, s23, s22, $0x38;
	[tilespmem:$0x19200] =	vst v63  }
0x34f: {  	s12 =	sld [smem:$0x7F6];
	_ =	sdelay $0x1  }
0x350: {  	s13 =	simm.s32 $0xA800  }
0x351: {  	[tilespmem:s13], [sflag:$0x1] =	stream.strided.gather [hbm4b:s12+s22], $0x200, s23, s22, $0x38;
	[tilespmem:$0x19200] =	vst v63  }
0x352: {  	s12 =	sld [smem:$0x7F7];
	_ =	sdelay $0x1  }
0x353: {  	s13 =	simm.s32 $0xAA00  }
0x354: {  	[tilespmem:s13], [sflag:$0x1] =	stream.strided.gather [hbm4b:s12+s22], $0x200, s23, s22, $0x38;
	[tilespmem:$0x19200] =	vst v63  }
0x355: {  	s12 =	sld [smem:$0x7F8];
	_ =	sdelay $0x1  }
0x356: {  	s13 =	simm.s32 $0xAC00  }
0x357: {  	[tilespmem:s13], [sflag:$0x1] =	stream.strided.gather [hbm4b:s12+s22], $0x200, s23, s22, $0x38;
	[tilespmem:$0x19200] =	vst v63  }
0x358: {  	s12 =	sld [smem:$0x7F9];
	_ =	sdelay $0x1  }
0x359: {  	s13 =	simm.s32 $0xAE00  }
0x35a: {  	[tilespmem:s13], [sflag:$0x1] =	stream.strided.gather [hbm4b:s12+s22], $0x200, s23, s22, $0x38;
	[tilespmem:$0x19200] =	vst v63  }
0x35b: {  	s12 =	sld [smem:$0x7FA];
	_ =	sdelay $0x1  }
0x35c: {  	s13 =	simm.s32 $0xB000  }
0x35d: {  	[tilespmem:s13], [sflag:$0x1] =	stream.strided.gather [hbm4b:s12+s22], $0x200, s23, s22, $0x38;
	[tilespmem:$0x19200] =	vst v63  }
0x35e: {  	s12 =	sld [smem:$0x7FB];
	_ =	sdelay $0x1  }
0x35f: {  	s13 =	simm.s32 $0xB200  }
0x360: {  	[tilespmem:s13], [sflag:$0x1] =	stream.strided.gather [hbm4b:s12+s22], $0x200, s23, s22, $0x38;
	[tilespmem:$0x19200] =	vst v63  }
0x361: {  	_ =	swait.ge [sflag:s30], $0x1400  }
0x362: {  	s11 =	simm.s32 $0x0;
	[sflag:s30] =	ssyncset.done $0x0  }
0x363: {  	s10 =	sand.u32 $0x1F0, s11;
	[sflag:s30] =	ssyncadd.s32 $0xFFFFEC00  }
0x364: {  	s12 =	simm.s32 $0x11800;
	v0 =	vld [tilespmem:s10+$0x11A00]  }
0x365: {  	v1 =	vld [tilespmem:s12+$0x0];
	_ =	sdelay $0x1  }
0x366: {  	v2 =	vld [tilespmem:s10+$0x11C00];
	_ =	sdelay $0x1  }
0x367: {  	v3 =	vld [tilespmem:s10+$0x11E00]  }
0x368: {  	v0 =	vadd.f32 v0, v1  }
0x369: {  	v1 =	vld [tilespmem:s10+$0x12000]  }
0x36a: {  	v0 =	vadd.f32 v2, v0  }
0x36b: {  	v2 =	vld [tilespmem:s10+$0x12200]  }
0x36c: {  	v0 =	vadd.f32 v3, v0  }
0x36d: {  	v3 =	vld [tilespmem:s10+$0x12400]  }
0x36e: {  	v0 =	vadd.f32 v1, v0  }
0x36f: {  	v1 =	vld [tilespmem:s10+$0x12600]  }
0x370: {  	v0 =	vadd.f32 v2, v0  }
0x371: {  	v2 =	vld [tilespmem:s10+$0x12800]  }
0x372: {  	v0 =	vadd.f32 v3, v0  }
0x373: {  	v3 =	vld [tilespmem:s10+$0x12A00]  }
0x374: {  	s10 =	simm.s32 $0x19000;
	v0 =	vadd.f32 v1, v0  }
0x375: {  	v1 =	vld [tilespmem:s10+$0x0]  }
0x376: {  	v0 =	vadd.f32 v2, v0;
	_ =	sdelay $0x1  }
0x377: {  	v0 =	vadd.f32 v3, v0;
	_ =	sdelay $0x1  }
0x378: {  	v0 =	vadd.f32 v0, v1  }
0x379: {  	s13 =	simm.s32 $0x10  }
0x37a: {  	s11 =	sand.u32 $0x1F0, s13;
	[tilespmem:s10+$0x0] =	vst v0  }
0x37b: {  	s13 =	simm.s32 $0x20;
	s12 =	simm.s32 $0x11810;
	v0 =	vld [tilespmem:s11+$0x11A00]  }
.LBB2_10:
0x37c: {  	p0 =	sne.s32 s13, $0x1F0;
	v1 =	vld [tilespmem:s12+$0x0];
	_ =	sdelay $0x1  }
0x37d: {  	v2 =	vld [tilespmem:s11+$0x11C00];
	_ =	sdelay $0x1  }
0x37e: {  	v3 =	vld [tilespmem:s11+$0x11E00]  }
0x37f: {  	v0 =	vadd.f32 v0, v1  }
0x380: {  	v1 =	vld [tilespmem:s11+$0x12000]  }
0x381: {  	v0 =	vadd.f32 v2, v0  }
0x382: {  	v2 =	vld [tilespmem:s11+$0x12200]  }
0x383: {  	v0 =	vadd.f32 v3, v0  }
0x384: {  	v3 =	vld [tilespmem:s11+$0x12400]  }
0x385: {  	v0 =	vadd.f32 v1, v0  }
0x386: {  	v1 =	vld [tilespmem:s11+$0x12600]  }
0x387: {  	v0 =	vadd.f32 v2, v0  }
0x388: {  	v2 =	vld [tilespmem:s11+$0x12800]  }
0x389: {  	v0 =	vadd.f32 v3, v0  }
0x38a: {  	v3 =	vld [tilespmem:s11+$0x12A00]  }
0x38b: {  	s10 =	sadd.s32 $0x10, s10;
	v0 =	vadd.f32 v1, v0  }
0x38c: {  	v1 =	vld [tilespmem:s10+$0x0]  }
0x38d: {  	v0 =	vadd.f32 v2, v0;
	_ =	sdelay $0x1  }
0x38e: {  	v0 =	vadd.f32 v3, v0  }
.Ltmp4:
0x38f: {  	(pc) =	sbr.rel @p0 .LBB2_10-.Ltmp4, $3  }
0x390: {  	v0 =	vadd.f32 v0, v1;
	_ =	sdelay $0x1  }
0x391: {  	s11 =	sand.u32 $0x1F0, s13;
	[tilespmem:s10+$0x0] =	vst v0  }
0x392: {  	s12 =	sadd.s32 $0x10, s12;
	s13 =	sadd.s32 $0x10, s13;
	v0 =	vld [tilespmem:s11+$0x11A00]  }
0x393: {  	v1 =	vld [tilespmem:s12+$0x0];
	_ =	sdelay $0x1  }
0x394: {  	v2 =	vld [tilespmem:s11+$0x11C00];
	_ =	sdelay $0x1  }
0x395: {  	v3 =	vld [tilespmem:s11+$0x11E00]  }
0x396: {  	v0 =	vadd.f32 v0, v1  }
0x397: {  	v1 =	vld [tilespmem:s11+$0x12000]  }
0x398: {  	v0 =	vadd.f32 v2, v0  }
0x399: {  	v2 =	vld [tilespmem:s11+$0x12200]  }
0x39a: {  	v0 =	vadd.f32 v3, v0  }
0x39b: {  	v3 =	vld [tilespmem:s11+$0x12400]  }
0x39c: {  	v0 =	vadd.f32 v1, v0  }
0x39d: {  	v1 =	vld [tilespmem:s11+$0x12600]  }
0x39e: {  	v0 =	vadd.f32 v2, v0  }
0x39f: {  	v2 =	vld [tilespmem:s11+$0x12800]  }
0x3a0: {  	v0 =	vadd.f32 v3, v0  }
0x3a1: {  	v3 =	vld [tilespmem:s11+$0x12A00]  }
0x3a2: {  	s10 =	sadd.s32 $0x10, s10;
	v0 =	vadd.f32 v1, v0  }
0x3a3: {  	v1 =	vld [tilespmem:s10+$0x0]  }
0x3a4: {  	v0 =	vadd.f32 v2, v0;
	_ =	sdelay $0x1  }
0x3a5: {  	v0 =	vadd.f32 v3, v0;
	_ =	sdelay $0x1  }
0x3a6: {  	v0 =	vadd.f32 v0, v1;
	_ =	sdelay $0x1  }
0x3a7: {  	[tilespmem:s10+$0x0] =	vst v0  }
0x3a8: {  	_ =	swait.ge [sflag:s24], $0x200  }
0x3a9: {  	[sflag:s24] =	ssyncset.done $0x0  }
0x3aa: {  	[sflag:s24] =	ssyncadd.s32 $0xFFFFFE00  }
0x3ab: {  	_ =	swait.ge [sflag:s24], $0x200  }
0x3ac: {  	[sflag:s24] =	ssyncset.done $0x0  }
0x3ad: {  	[sflag:s24] =	ssyncadd.s32 $0xFFFFFE00  }
0x3ae: {  	_ =	swait.ge [sflag:s24], $0x200  }
0x3af: {  	[sflag:s24] =	ssyncset.done $0x0  }
0x3b0: {  	[sflag:s24] =	ssyncadd.s32 $0xFFFFFE00  }
0x3b1: {  	_ =	swait.ge [sflag:s24], $0x200  }
0x3b2: {  	[sflag:s24] =	ssyncset.done $0x0  }
0x3b3: {  	[sflag:s24] =	ssyncadd.s32 $0xFFFFFE00  }
0x3b4: {  	_ =	swait.ge [sflag:s24], $0x200  }
0x3b5: {  	[sflag:s24] =	ssyncset.done $0x0  }
0x3b6: {  	[sflag:s24] =	ssyncadd.s32 $0xFFFFFE00  }
0x3b7: {  	_ =	swait.ge [sflag:s24], $0x200  }
0x3b8: {  	[sflag:s24] =	ssyncset.done $0x0  }
0x3b9: {  	[sflag:s24] =	ssyncadd.s32 $0xFFFFFE00  }
0x3ba: {  	_ =	swait.ge [sflag:s24], $0x200  }
0x3bb: {  	[sflag:s24] =	ssyncset.done $0x0  }
0x3bc: {  	[sflag:s24] =	ssyncadd.s32 $0xFFFFFE00  }
0x3bd: {  	_ =	swait.ge [sflag:s24], $0x200  }
0x3be: {  	[sflag:s24] =	ssyncset.done $0x0  }
0x3bf: {  	[sflag:s24] =	ssyncadd.s32 $0xFFFFFE00  }
0x3c0: {  	_ =	swait.ge [sflag:s24], $0x200  }
0x3c1: {  	[sflag:s24] =	ssyncset.done $0x0  }
0x3c2: {  	[sflag:s24] =	ssyncadd.s32 $0xFFFFFE00  }
0x3c3: {  	_ =	swait.ge [sflag:s24], $0x200  }
0x3c4: {  	[sflag:s24] =	ssyncset.done $0x0  }
0x3c5: {  	s13 =	simm.s32 $0x16800;
	s11 =	sld [smem:$0x7FC];
	[sflag:s24] =	ssyncadd.s32 $0xFFFFFE00  }
0x3c6: {  	[tilespmem:s13], [sflag:$0x2] =	stream.indirect.gather [hbm4b:s1+s25], $0x1, s5, s25, $0xb8;
	[tilespmem:$0x19200] =	vst v63  }
0x3c7: {  	s12 =	sld [smem:$0x7FD]  }
0x3c8: {  	[tilespmem:s6], [sflag:$0x1] =	stream.strided.gather [hbm4b:s11+s22], $0x200, s23, s22, $0x38;
	[tilespmem:$0x19200] =	vst v63  }
0x3c9: {  	s13 =	simm.s32 $0xB600  }
0x3ca: {  	[tilespmem:s13], [sflag:$0x1] =	stream.strided.gather [hbm4b:s12+s22], $0x200, s23, s22, $0x38;
	[tilespmem:$0x19200] =	vst v63  }
0x3cb: {  	s12 =	simm.s32 $0xB800  }
0x3cc: {  	[tilespmem:s12], [sflag:$0x1] =	stream.strided.gather [hbm4b:s14+s22], $0x200, s23, s22, $0x38;
	[tilespmem:$0x19200] =	vst v63  }
0x3cd: {  	s13 =	simm.s32 $0xBA00  }
0x3ce: {  	[tilespmem:s13], [sflag:$0x1] =	stream.strided.gather [hbm4b:s15+s22], $0x200, s23, s22, $0x38;
	[tilespmem:$0x19200] =	vst v63  }
0x3cf: {  	s11 =	simm.s32 $0xBC00  }
0x3d0: {  	[tilespmem:s11], [sflag:$0x1] =	stream.strided.gather [hbm4b:s16+s22], $0x200, s23, s22, $0x38;
	[tilespmem:$0x19200] =	vst v63  }
0x3d1: {  	s12 =	simm.s32 $0xBE00  }
0x3d2: {  	[tilespmem:s12], [sflag:$0x1] =	stream.strided.gather [hbm4b:s17+s22], $0x200, s23, s22, $0x38;
	[tilespmem:$0x19200] =	vst v63  }
0x3d3: {  	s13 =	simm.s32 $0xC000  }
0x3d4: {  	[tilespmem:s13], [sflag:$0x1] =	stream.strided.gather [hbm4b:s18+s22], $0x200, s23, s22, $0x38;
	[tilespmem:$0x19200] =	vst v63  }
0x3d5: {  	s11 =	simm.s32 $0xC200  }
0x3d6: {  	[tilespmem:s11], [sflag:$0x1] =	stream.strided.gather [hbm4b:s19+s22], $0x200, s23, s22, $0x38;
	[tilespmem:$0x19200] =	vst v63  }
0x3d7: {  	s12 =	simm.s32 $0xC400  }
0x3d8: {  	[tilespmem:s12], [sflag:$0x1] =	stream.strided.gather [hbm4b:s20+s22], $0x200, s23, s22, $0x38;
	[tilespmem:$0x19200] =	vst v63  }
0x3d9: {  	s13 =	simm.s32 $0xC600  }
0x3da: {  	[tilespmem:s13], [sflag:$0x1] =	stream.strided.gather [hbm4b:s21+s22], $0x200, s23, s22, $0x38;
	[tilespmem:$0x19200] =	vst v63  }
0x3db: {  	_ =	swait.ge [sflag:s30], $0x1400  }
0x3dc: {  	s11 =	simm.s32 $0x0;
	[sflag:s30] =	ssyncset.done $0x0  }
0x3dd: {  	s10 =	sand.u32 $0x1F0, s11;
	[sflag:s30] =	ssyncadd.s32 $0xFFFFEC00  }
0x3de: {  	s12 =	simm.s32 $0x12C00;
	v0 =	vld [tilespmem:s10+$0x12E00]  }
0x3df: {  	v1 =	vld [tilespmem:s12+$0x0];
	_ =	sdelay $0x1  }
0x3e0: {  	v2 =	vld [tilespmem:s10+$0x13000];
	_ =	sdelay $0x1  }
0x3e1: {  	v3 =	vld [tilespmem:s10+$0x13200]  }
0x3e2: {  	v0 =	vadd.f32 v0, v1  }
0x3e3: {  	v1 =	vld [tilespmem:s10+$0x13400]  }
0x3e4: {  	v0 =	vadd.f32 v2, v0  }
0x3e5: {  	v2 =	vld [tilespmem:s10+$0x13600]  }
0x3e6: {  	v0 =	vadd.f32 v3, v0  }
0x3e7: {  	v3 =	vld [tilespmem:s10+$0x13800]  }
0x3e8: {  	v0 =	vadd.f32 v1, v0  }
0x3e9: {  	v1 =	vld [tilespmem:s10+$0x13A00]  }
0x3ea: {  	v0 =	vadd.f32 v2, v0  }
0x3eb: {  	v2 =	vld [tilespmem:s10+$0x13C00]  }
0x3ec: {  	v0 =	vadd.f32 v3, v0  }
0x3ed: {  	v3 =	vld [tilespmem:s10+$0x13E00]  }
0x3ee: {  	s10 =	simm.s32 $0x19000;
	v0 =	vadd.f32 v1, v0  }
0x3ef: {  	v1 =	vld [tilespmem:s10+$0x0]  }
0x3f0: {  	v0 =	vadd.f32 v2, v0;
	_ =	sdelay $0x1  }
0x3f1: {  	v0 =	vadd.f32 v3, v0;
	_ =	sdelay $0x1  }
0x3f2: {  	v0 =	vadd.f32 v0, v1  }
0x3f3: {  	s13 =	simm.s32 $0x10  }
0x3f4: {  	s11 =	sand.u32 $0x1F0, s13;
	[tilespmem:s10+$0x0] =	vst v0  }
0x3f5: {  	s13 =	simm.s32 $0x20;
	s12 =	simm.s32 $0x12C10;
	v0 =	vld [tilespmem:s11+$0x12E00]  }
.LBB2_12:
0x3f6: {  	p0 =	sne.s32 s13, $0x1F0;
	v1 =	vld [tilespmem:s12+$0x0];
	_ =	sdelay $0x1  }
0x3f7: {  	v2 =	vld [tilespmem:s11+$0x13000];
	_ =	sdelay $0x1  }
0x3f8: {  	v3 =	vld [tilespmem:s11+$0x13200]  }
0x3f9: {  	v0 =	vadd.f32 v0, v1  }
0x3fa: {  	v1 =	vld [tilespmem:s11+$0x13400]  }
0x3fb: {  	v0 =	vadd.f32 v2, v0  }
0x3fc: {  	v2 =	vld [tilespmem:s11+$0x13600]  }
0x3fd: {  	v0 =	vadd.f32 v3, v0  }
0x3fe: {  	v3 =	vld [tilespmem:s11+$0x13800]  }
0x3ff: {  	v0 =	vadd.f32 v1, v0  }
0x400: {  	v1 =	vld [tilespmem:s11+$0x13A00]  }
0x401: {  	v0 =	vadd.f32 v2, v0  }
0x402: {  	v2 =	vld [tilespmem:s11+$0x13C00]  }
0x403: {  	v0 =	vadd.f32 v3, v0  }
0x404: {  	v3 =	vld [tilespmem:s11+$0x13E00]  }
0x405: {  	s10 =	sadd.s32 $0x10, s10;
	v0 =	vadd.f32 v1, v0  }
0x406: {  	v1 =	vld [tilespmem:s10+$0x0]  }
0x407: {  	v0 =	vadd.f32 v2, v0;
	_ =	sdelay $0x1  }
0x408: {  	v0 =	vadd.f32 v3, v0  }
.Ltmp5:
0x409: {  	(pc) =	sbr.rel @p0 .LBB2_12-.Ltmp5, $3  }
0x40a: {  	v0 =	vadd.f32 v0, v1;
	_ =	sdelay $0x1  }
0x40b: {  	s11 =	sand.u32 $0x1F0, s13;
	[tilespmem:s10+$0x0] =	vst v0  }
0x40c: {  	s12 =	sadd.s32 $0x10, s12;
	s13 =	sadd.s32 $0x10, s13;
	v0 =	vld [tilespmem:s11+$0x12E00]  }
0x40d: {  	v1 =	vld [tilespmem:s12+$0x0];
	_ =	sdelay $0x1  }
0x40e: {  	v2 =	vld [tilespmem:s11+$0x13000];
	_ =	sdelay $0x1  }
0x40f: {  	v3 =	vld [tilespmem:s11+$0x13200]  }
0x410: {  	v0 =	vadd.f32 v0, v1  }
0x411: {  	v1 =	vld [tilespmem:s11+$0x13400]  }
0x412: {  	v0 =	vadd.f32 v2, v0  }
0x413: {  	v2 =	vld [tilespmem:s11+$0x13600]  }
0x414: {  	v0 =	vadd.f32 v3, v0  }
0x415: {  	v3 =	vld [tilespmem:s11+$0x13800]  }
0x416: {  	v0 =	vadd.f32 v1, v0  }
0x417: {  	v1 =	vld [tilespmem:s11+$0x13A00]  }
0x418: {  	v0 =	vadd.f32 v2, v0  }
0x419: {  	v2 =	vld [tilespmem:s11+$0x13C00]  }
0x41a: {  	v0 =	vadd.f32 v3, v0  }
0x41b: {  	v3 =	vld [tilespmem:s11+$0x13E00]  }
0x41c: {  	s10 =	sadd.s32 $0x10, s10;
	v0 =	vadd.f32 v1, v0  }
0x41d: {  	v1 =	vld [tilespmem:s10+$0x0]  }
0x41e: {  	v0 =	vadd.f32 v2, v0;
	_ =	sdelay $0x1  }
0x41f: {  	v0 =	vadd.f32 v3, v0;
	_ =	sdelay $0x1  }
0x420: {  	v0 =	vadd.f32 v0, v1;
	_ =	sdelay $0x1  }
0x421: {  	[tilespmem:s10+$0x0] =	vst v0  }
0x422: {  	_ =	swait.ge [sflag:s24], $0x200  }
0x423: {  	[sflag:s24] =	ssyncset.done $0x0  }
0x424: {  	[sflag:s24] =	ssyncadd.s32 $0xFFFFFE00  }
0x425: {  	_ =	swait.ge [sflag:s24], $0x200  }
0x426: {  	[sflag:s24] =	ssyncset.done $0x0  }
0x427: {  	[sflag:s24] =	ssyncadd.s32 $0xFFFFFE00  }
0x428: {  	_ =	swait.ge [sflag:s24], $0x200  }
0x429: {  	[sflag:s24] =	ssyncset.done $0x0  }
0x42a: {  	[sflag:s24] =	ssyncadd.s32 $0xFFFFFE00  }
0x42b: {  	_ =	swait.ge [sflag:s24], $0x200  }
0x42c: {  	[sflag:s24] =	ssyncset.done $0x0  }
0x42d: {  	[sflag:s24] =	ssyncadd.s32 $0xFFFFFE00  }
0x42e: {  	_ =	swait.ge [sflag:s24], $0x200  }
0x42f: {  	[sflag:s24] =	ssyncset.done $0x0  }
0x430: {  	[sflag:s24] =	ssyncadd.s32 $0xFFFFFE00  }
0x431: {  	_ =	swait.ge [sflag:s24], $0x200  }
0x432: {  	[sflag:s24] =	ssyncset.done $0x0  }
0x433: {  	[sflag:s24] =	ssyncadd.s32 $0xFFFFFE00  }
0x434: {  	_ =	swait.ge [sflag:s24], $0x200  }
0x435: {  	[sflag:s24] =	ssyncset.done $0x0  }
0x436: {  	[sflag:s24] =	ssyncadd.s32 $0xFFFFFE00  }
0x437: {  	_ =	swait.ge [sflag:s24], $0x200  }
0x438: {  	[sflag:s24] =	ssyncset.done $0x0  }
0x439: {  	[sflag:s24] =	ssyncadd.s32 $0xFFFFFE00  }
0x43a: {  	_ =	swait.ge [sflag:s24], $0x200  }
0x43b: {  	[sflag:s24] =	ssyncset.done $0x0  }
0x43c: {  	[sflag:s24] =	ssyncadd.s32 $0xFFFFFE00  }
0x43d: {  	_ =	swait.ge [sflag:s24], $0x200  }
0x43e: {  	[sflag:s24] =	ssyncset.done $0x0  }
0x43f: {  	s13 =	simm.s32 $0x17C00;
	[sflag:s24] =	ssyncadd.s32 $0xFFFFFE00  }
0x440: {  	[tilespmem:s13], [sflag:$0x2] =	stream.indirect.gather [hbm4b:s1+s25], $0x1, s6, s25, $0xb8;
	[tilespmem:$0x19200] =	vst v63  }
0x441: {  	_ =	swait.ge [sflag:s30], $0x1400  }
0x442: {  	s11 =	simm.s32 $0x0;
	[sflag:s30] =	ssyncset.done $0x0  }
0x443: {  	s10 =	sand.u32 $0x1F0, s11;
	[sflag:s30] =	ssyncadd.s32 $0xFFFFEC00  }
0x444: {  	s12 =	simm.s32 $0x14000;
	v0 =	vld [tilespmem:s10+$0x14200]  }
0x445: {  	v1 =	vld [tilespmem:s12+$0x0];
	_ =	sdelay $0x1  }
0x446: {  	v2 =	vld [tilespmem:s10+$0x14400];
	_ =	sdelay $0x1  }
0x447: {  	v3 =	vld [tilespmem:s10+$0x14600]  }
0x448: {  	v0 =	vadd.f32 v0, v1  }
0x449: {  	v1 =	vld [tilespmem:s10+$0x14800]  }
0x44a: {  	v0 =	vadd.f32 v2, v0  }
0x44b: {  	v2 =	vld [tilespmem:s10+$0x14A00]  }
0x44c: {  	v0 =	vadd.f32 v3, v0  }
0x44d: {  	v3 =	vld [tilespmem:s10+$0x14C00]  }
0x44e: {  	v0 =	vadd.f32 v1, v0  }
0x44f: {  	v1 =	vld [tilespmem:s10+$0x14E00]  }
0x450: {  	v0 =	vadd.f32 v2, v0  }
0x451: {  	v2 =	vld [tilespmem:s10+$0x15000]  }
0x452: {  	v0 =	vadd.f32 v3, v0  }
0x453: {  	v3 =	vld [tilespmem:s10+$0x15200]  }
0x454: {  	s10 =	simm.s32 $0x19000;
	v0 =	vadd.f32 v1, v0  }
0x455: {  	v1 =	vld [tilespmem:s10+$0x0]  }
0x456: {  	v0 =	vadd.f32 v2, v0;
	_ =	sdelay $0x1  }
0x457: {  	v0 =	vadd.f32 v3, v0;
	_ =	sdelay $0x1  }
0x458: {  	v0 =	vadd.f32 v0, v1  }
0x459: {  	s13 =	simm.s32 $0x10  }
0x45a: {  	s11 =	sand.u32 $0x1F0, s13;
	[tilespmem:s10+$0x0] =	vst v0  }
0x45b: {  	s13 =	simm.s32 $0x20;
	s12 =	simm.s32 $0x14010;
	v0 =	vld [tilespmem:s11+$0x14200]  }
.LBB2_14:
0x45c: {  	p0 =	sne.s32 s13, $0x1F0;
	v1 =	vld [tilespmem:s12+$0x0];
	_ =	sdelay $0x1  }
0x45d: {  	v2 =	vld [tilespmem:s11+$0x14400];
	_ =	sdelay $0x1  }
0x45e: {  	v3 =	vld [tilespmem:s11+$0x14600]  }
0x45f: {  	v0 =	vadd.f32 v0, v1  }
0x460: {  	v1 =	vld [tilespmem:s11+$0x14800]  }
0x461: {  	v0 =	vadd.f32 v2, v0  }
0x462: {  	v2 =	vld [tilespmem:s11+$0x14A00]  }
0x463: {  	v0 =	vadd.f32 v3, v0  }
0x464: {  	v3 =	vld [tilespmem:s11+$0x14C00]  }
0x465: {  	v0 =	vadd.f32 v1, v0  }
0x466: {  	v1 =	vld [tilespmem:s11+$0x14E00]  }
0x467: {  	v0 =	vadd.f32 v2, v0  }
0x468: {  	v2 =	vld [tilespmem:s11+$0x15000]  }
0x469: {  	v0 =	vadd.f32 v3, v0  }
0x46a: {  	v3 =	vld [tilespmem:s11+$0x15200]  }
0x46b: {  	s10 =	sadd.s32 $0x10, s10;
	v0 =	vadd.f32 v1, v0  }
0x46c: {  	v1 =	vld [tilespmem:s10+$0x0]  }
0x46d: {  	v0 =	vadd.f32 v2, v0;
	_ =	sdelay $0x1  }
0x46e: {  	v0 =	vadd.f32 v3, v0  }
.Ltmp6:
0x46f: {  	(pc) =	sbr.rel @p0 .LBB2_14-.Ltmp6, $3  }
0x470: {  	v0 =	vadd.f32 v0, v1;
	_ =	sdelay $0x1  }
0x471: {  	s11 =	sand.u32 $0x1F0, s13;
	[tilespmem:s10+$0x0] =	vst v0  }
0x472: {  	s12 =	sadd.s32 $0x10, s12;
	s13 =	sadd.s32 $0x10, s13;
	v0 =	vld [tilespmem:s11+$0x14200]  }
0x473: {  	v1 =	vld [tilespmem:s12+$0x0];
	_ =	sdelay $0x1  }
0x474: {  	v2 =	vld [tilespmem:s11+$0x14400];
	_ =	sdelay $0x1  }
0x475: {  	v3 =	vld [tilespmem:s11+$0x14600]  }
0x476: {  	v0 =	vadd.f32 v0, v1  }
0x477: {  	v1 =	vld [tilespmem:s11+$0x14800]  }
0x478: {  	v0 =	vadd.f32 v2, v0  }
0x479: {  	v2 =	vld [tilespmem:s11+$0x14A00]  }
0x47a: {  	v0 =	vadd.f32 v3, v0  }
0x47b: {  	v3 =	vld [tilespmem:s11+$0x14C00]  }
0x47c: {  	v0 =	vadd.f32 v1, v0  }
0x47d: {  	v1 =	vld [tilespmem:s11+$0x14E00]  }
0x47e: {  	v0 =	vadd.f32 v2, v0  }
0x47f: {  	v2 =	vld [tilespmem:s11+$0x15000]  }
0x480: {  	v0 =	vadd.f32 v3, v0  }
0x481: {  	v3 =	vld [tilespmem:s11+$0x15200]  }
0x482: {  	s10 =	sadd.s32 $0x10, s10;
	v0 =	vadd.f32 v1, v0  }
0x483: {  	v1 =	vld [tilespmem:s10+$0x0]  }
0x484: {  	v0 =	vadd.f32 v2, v0;
	_ =	sdelay $0x1  }
0x485: {  	v0 =	vadd.f32 v3, v0;
	_ =	sdelay $0x1  }
0x486: {  	v0 =	vadd.f32 v0, v1;
	_ =	sdelay $0x1  }
0x487: {  	[tilespmem:s10+$0x0] =	vst v0  }
0x488: {  	_ =	swait.ge [sflag:s30], $0x1400  }
0x489: {  	s11 =	simm.s32 $0x0;
	[sflag:s30] =	ssyncset.done $0x0  }
0x48a: {  	s10 =	sand.u32 $0x1F0, s11;
	[sflag:s30] =	ssyncadd.s32 $0xFFFFEC00  }
0x48b: {  	s12 =	simm.s32 $0x15400;
	v0 =	vld [tilespmem:s10+$0x15600]  }
0x48c: {  	v1 =	vld [tilespmem:s12+$0x0];
	_ =	sdelay $0x1  }
0x48d: {  	v2 =	vld [tilespmem:s10+$0x15800];
	_ =	sdelay $0x1  }
0x48e: {  	v3 =	vld [tilespmem:s10+$0x15A00]  }
0x48f: {  	v0 =	vadd.f32 v0, v1  }
0x490: {  	v1 =	vld [tilespmem:s10+$0x15C00]  }
0x491: {  	v0 =	vadd.f32 v2, v0  }
0x492: {  	v2 =	vld [tilespmem:s10+$0x15E00]  }
0x493: {  	v0 =	vadd.f32 v3, v0  }
0x494: {  	v3 =	vld [tilespmem:s10+$0x16000]  }
0x495: {  	v0 =	vadd.f32 v1, v0  }
0x496: {  	v1 =	vld [tilespmem:s10+$0x16200]  }
0x497: {  	v0 =	vadd.f32 v2, v0  }
0x498: {  	v2 =	vld [tilespmem:s10+$0x16400]  }
0x499: {  	v0 =	vadd.f32 v3, v0  }
0x49a: {  	v3 =	vld [tilespmem:s10+$0x16600]  }
0x49b: {  	s10 =	simm.s32 $0x19000;
	v0 =	vadd.f32 v1, v0  }
0x49c: {  	v1 =	vld [tilespmem:s10+$0x0]  }
0x49d: {  	v0 =	vadd.f32 v2, v0;
	_ =	sdelay $0x1  }
0x49e: {  	v0 =	vadd.f32 v3, v0;
	_ =	sdelay $0x1  }
0x49f: {  	v0 =	vadd.f32 v0, v1  }
0x4a0: {  	s13 =	simm.s32 $0x10  }
0x4a1: {  	s11 =	sand.u32 $0x1F0, s13;
	[tilespmem:s10+$0x0] =	vst v0  }
0x4a2: {  	s13 =	simm.s32 $0x20;
	s12 =	simm.s32 $0x15410;
	v0 =	vld [tilespmem:s11+$0x15600]  }
.LBB2_16:
0x4a3: {  	p0 =	sne.s32 s13, $0x1F0;
	v1 =	vld [tilespmem:s12+$0x0];
	_ =	sdelay $0x1  }
0x4a4: {  	v2 =	vld [tilespmem:s11+$0x15800];
	_ =	sdelay $0x1  }
0x4a5: {  	v3 =	vld [tilespmem:s11+$0x15A00]  }
0x4a6: {  	v0 =	vadd.f32 v0, v1  }
0x4a7: {  	v1 =	vld [tilespmem:s11+$0x15C00]  }
0x4a8: {  	v0 =	vadd.f32 v2, v0  }
0x4a9: {  	v2 =	vld [tilespmem:s11+$0x15E00]  }
0x4aa: {  	v0 =	vadd.f32 v3, v0  }
0x4ab: {  	v3 =	vld [tilespmem:s11+$0x16000]  }
0x4ac: {  	v0 =	vadd.f32 v1, v0  }
0x4ad: {  	v1 =	vld [tilespmem:s11+$0x16200]  }
0x4ae: {  	v0 =	vadd.f32 v2, v0  }
0x4af: {  	v2 =	vld [tilespmem:s11+$0x16400]  }
0x4b0: {  	v0 =	vadd.f32 v3, v0  }
0x4b1: {  	v3 =	vld [tilespmem:s11+$0x16600]  }
0x4b2: {  	s10 =	sadd.s32 $0x10, s10;
	v0 =	vadd.f32 v1, v0  }
0x4b3: {  	v1 =	vld [tilespmem:s10+$0x0]  }
0x4b4: {  	v0 =	vadd.f32 v2, v0;
	_ =	sdelay $0x1  }
0x4b5: {  	v0 =	vadd.f32 v3, v0  }
.Ltmp7:
0x4b6: {  	(pc) =	sbr.rel @p0 .LBB2_16-.Ltmp7, $3  }
0x4b7: {  	v0 =	vadd.f32 v0, v1;
	_ =	sdelay $0x1  }
0x4b8: {  	s11 =	sand.u32 $0x1F0, s13;
	[tilespmem:s10+$0x0] =	vst v0  }
0x4b9: {  	s12 =	sadd.s32 $0x10, s12;
	s13 =	sadd.s32 $0x10, s13;
	v0 =	vld [tilespmem:s11+$0x15600]  }
0x4ba: {  	v1 =	vld [tilespmem:s12+$0x0];
	_ =	sdelay $0x1  }
0x4bb: {  	v2 =	vld [tilespmem:s11+$0x15800];
	_ =	sdelay $0x1  }
0x4bc: {  	v3 =	vld [tilespmem:s11+$0x15A00]  }
0x4bd: {  	v0 =	vadd.f32 v0, v1  }
0x4be: {  	v1 =	vld [tilespmem:s11+$0x15C00]  }
0x4bf: {  	v0 =	vadd.f32 v2, v0  }
0x4c0: {  	v2 =	vld [tilespmem:s11+$0x15E00]  }
0x4c1: {  	v0 =	vadd.f32 v3, v0  }
0x4c2: {  	v3 =	vld [tilespmem:s11+$0x16000]  }
0x4c3: {  	v0 =	vadd.f32 v1, v0  }
0x4c4: {  	v1 =	vld [tilespmem:s11+$0x16200]  }
0x4c5: {  	v0 =	vadd.f32 v2, v0  }
0x4c6: {  	v2 =	vld [tilespmem:s11+$0x16400]  }
0x4c7: {  	v0 =	vadd.f32 v3, v0  }
0x4c8: {  	v3 =	vld [tilespmem:s11+$0x16600]  }
0x4c9: {  	s10 =	sadd.s32 $0x10, s10;
	v0 =	vadd.f32 v1, v0  }
0x4ca: {  	v1 =	vld [tilespmem:s10+$0x0]  }
0x4cb: {  	v0 =	vadd.f32 v2, v0;
	_ =	sdelay $0x1  }
0x4cc: {  	v0 =	vadd.f32 v3, v0;
	_ =	sdelay $0x1  }
0x4cd: {  	v0 =	vadd.f32 v0, v1;
	_ =	sdelay $0x1  }
0x4ce: {  	[tilespmem:s10+$0x0] =	vst v0  }
0x4cf: {  	_ =	swait.ge [sflag:s30], $0x1400  }
0x4d0: {  	s11 =	simm.s32 $0x0;
	[sflag:s30] =	ssyncset.done $0x0  }
0x4d1: {  	s10 =	sand.u32 $0x1F0, s11;
	[sflag:s30] =	ssyncadd.s32 $0xFFFFEC00  }
0x4d2: {  	s12 =	simm.s32 $0x16800;
	v0 =	vld [tilespmem:s10+$0x16A00]  }
0x4d3: {  	v1 =	vld [tilespmem:s12+$0x0];
	_ =	sdelay $0x1  }
0x4d4: {  	v2 =	vld [tilespmem:s10+$0x16C00];
	_ =	sdelay $0x1  }
0x4d5: {  	v3 =	vld [tilespmem:s10+$0x16E00]  }
0x4d6: {  	v0 =	vadd.f32 v0, v1  }
0x4d7: {  	v1 =	vld [tilespmem:s10+$0x17000]  }
0x4d8: {  	v0 =	vadd.f32 v2, v0  }
0x4d9: {  	v2 =	vld [tilespmem:s10+$0x17200]  }
0x4da: {  	v0 =	vadd.f32 v3, v0  }
0x4db: {  	v3 =	vld [tilespmem:s10+$0x17400]  }
0x4dc: {  	v0 =	vadd.f32 v1, v0  }
0x4dd: {  	v1 =	vld [tilespmem:s10+$0x17600]  }
0x4de: {  	v0 =	vadd.f32 v2, v0  }
0x4df: {  	v2 =	vld [tilespmem:s10+$0x17800]  }
0x4e0: {  	v0 =	vadd.f32 v3, v0  }
0x4e1: {  	v3 =	vld [tilespmem:s10+$0x17A00]  }
0x4e2: {  	s10 =	simm.s32 $0x19000;
	v0 =	vadd.f32 v1, v0  }
0x4e3: {  	v1 =	vld [tilespmem:s10+$0x0]  }
0x4e4: {  	v0 =	vadd.f32 v2, v0;
	_ =	sdelay $0x1  }
0x4e5: {  	v0 =	vadd.f32 v3, v0;
	_ =	sdelay $0x1  }
0x4e6: {  	v0 =	vadd.f32 v0, v1  }
0x4e7: {  	s13 =	simm.s32 $0x10  }
0x4e8: {  	s11 =	sand.u32 $0x1F0, s13;
	[tilespmem:s10+$0x0] =	vst v0  }
0x4e9: {  	s13 =	simm.s32 $0x20;
	s12 =	simm.s32 $0x16810;
	v0 =	vld [tilespmem:s11+$0x16A00]  }
.LBB2_18:
0x4ea: {  	p0 =	sne.s32 s13, $0x1F0;
	v1 =	vld [tilespmem:s12+$0x0];
	_ =	sdelay $0x1  }
0x4eb: {  	v2 =	vld [tilespmem:s11+$0x16C00];
	_ =	sdelay $0x1  }
0x4ec: {  	v3 =	vld [tilespmem:s11+$0x16E00]  }
0x4ed: {  	v0 =	vadd.f32 v0, v1  }
0x4ee: {  	v1 =	vld [tilespmem:s11+$0x17000]  }
0x4ef: {  	v0 =	vadd.f32 v2, v0  }
0x4f0: {  	v2 =	vld [tilespmem:s11+$0x17200]  }
0x4f1: {  	v0 =	vadd.f32 v3, v0  }
0x4f2: {  	v3 =	vld [tilespmem:s11+$0x17400]  }
0x4f3: {  	v0 =	vadd.f32 v1, v0  }
0x4f4: {  	v1 =	vld [tilespmem:s11+$0x17600]  }
0x4f5: {  	v0 =	vadd.f32 v2, v0  }
0x4f6: {  	v2 =	vld [tilespmem:s11+$0x17800]  }
0x4f7: {  	v0 =	vadd.f32 v3, v0  }
0x4f8: {  	v3 =	vld [tilespmem:s11+$0x17A00]  }
0x4f9: {  	s10 =	sadd.s32 $0x10, s10;
	v0 =	vadd.f32 v1, v0  }
0x4fa: {  	v1 =	vld [tilespmem:s10+$0x0]  }
0x4fb: {  	v0 =	vadd.f32 v2, v0;
	_ =	sdelay $0x1  }
0x4fc: {  	v0 =	vadd.f32 v3, v0  }
.Ltmp8:
0x4fd: {  	(pc) =	sbr.rel @p0 .LBB2_18-.Ltmp8, $3  }
0x4fe: {  	v0 =	vadd.f32 v0, v1;
	_ =	sdelay $0x1  }
0x4ff: {  	s11 =	sand.u32 $0x1F0, s13;
	[tilespmem:s10+$0x0] =	vst v0  }
0x500: {  	s12 =	sadd.s32 $0x10, s12;
	s13 =	sadd.s32 $0x10, s13;
	v0 =	vld [tilespmem:s11+$0x16A00]  }
0x501: {  	v1 =	vld [tilespmem:s12+$0x0];
	_ =	sdelay $0x1  }
0x502: {  	v2 =	vld [tilespmem:s11+$0x16C00];
	_ =	sdelay $0x1  }
0x503: {  	v3 =	vld [tilespmem:s11+$0x16E00]  }
0x504: {  	v0 =	vadd.f32 v0, v1  }
0x505: {  	v1 =	vld [tilespmem:s11+$0x17000]  }
0x506: {  	v0 =	vadd.f32 v2, v0  }
0x507: {  	v2 =	vld [tilespmem:s11+$0x17200]  }
0x508: {  	v0 =	vadd.f32 v3, v0  }
0x509: {  	v3 =	vld [tilespmem:s11+$0x17400]  }
0x50a: {  	v0 =	vadd.f32 v1, v0  }
0x50b: {  	v1 =	vld [tilespmem:s11+$0x17600]  }
0x50c: {  	v0 =	vadd.f32 v2, v0  }
0x50d: {  	v2 =	vld [tilespmem:s11+$0x17800]  }
0x50e: {  	v0 =	vadd.f32 v3, v0  }
0x50f: {  	v3 =	vld [tilespmem:s11+$0x17A00]  }
0x510: {  	s10 =	sadd.s32 $0x10, s10;
	v0 =	vadd.f32 v1, v0  }
0x511: {  	v1 =	vld [tilespmem:s10+$0x0]  }
0x512: {  	v0 =	vadd.f32 v2, v0;
	_ =	sdelay $0x1  }
0x513: {  	v0 =	vadd.f32 v3, v0;
	_ =	sdelay $0x1  }
0x514: {  	v0 =	vadd.f32 v0, v1;
	_ =	sdelay $0x1  }
0x515: {  	[tilespmem:s10+$0x0] =	vst v0  }
0x516: {  	_ =	swait.ge [sflag:s30], $0x1400  }
0x517: {  	s11 =	simm.s32 $0x0;
	[sflag:s30] =	ssyncset.done $0x0  }
0x518: {  	s10 =	sand.u32 $0x1F0, s11;
	[sflag:s30] =	ssyncadd.s32 $0xFFFFEC00  }
0x519: {  	s12 =	simm.s32 $0x17C00;
	v0 =	vld [tilespmem:s10+$0x17E00]  }
0x51a: {  	v1 =	vld [tilespmem:s12+$0x0];
	_ =	sdelay $0x1  }
0x51b: {  	v2 =	vld [tilespmem:s10+$0x18000];
	_ =	sdelay $0x1  }
0x51c: {  	v3 =	vld [tilespmem:s10+$0x18200]  }
0x51d: {  	v0 =	vadd.f32 v0, v1  }
0x51e: {  	v1 =	vld [tilespmem:s10+$0x18400]  }
0x51f: {  	v0 =	vadd.f32 v2, v0  }
0x520: {  	v2 =	vld [tilespmem:s10+$0x18600]  }
0x521: {  	v0 =	vadd.f32 v3, v0  }
0x522: {  	v3 =	vld [tilespmem:s10+$0x18800]  }
0x523: {  	v0 =	vadd.f32 v1, v0  }
0x524: {  	v1 =	vld [tilespmem:s10+$0x18A00]  }
0x525: {  	v0 =	vadd.f32 v2, v0  }
0x526: {  	v2 =	vld [tilespmem:s10+$0x18C00]  }
0x527: {  	v0 =	vadd.f32 v3, v0  }
0x528: {  	v3 =	vld [tilespmem:s10+$0x18E00]  }
0x529: {  	s10 =	simm.s32 $0x19000;
	v0 =	vadd.f32 v1, v0  }
0x52a: {  	v1 =	vld [tilespmem:s10+$0x0]  }
0x52b: {  	v0 =	vadd.f32 v2, v0;
	_ =	sdelay $0x1  }
0x52c: {  	v0 =	vadd.f32 v3, v0;
	_ =	sdelay $0x1  }
0x52d: {  	v0 =	vadd.f32 v0, v1;
	_ =	sdelay $0x1  }
0x52e: {  	v0 =	vsub.f32 $0.0e+00, v0;
	_ =	sdelay $0x1  }
0x52f: {  	v0 =	vmul.f32 $1.442695020e+00, v0;
	_ =	sdelay $0x1  }
0x530: {  	(erf) = vpow2.f32 v0;
	_ =	sdelay $0x8  }
0x531: {  	v0 =	vpop (erf)  }
0x532: {  	v0 =	vadd.f32 $1.000000000e+00, v0;
	_ =	sdelay $0x1  }
0x533: {  	(erf) = vrcp.f32 v0;
	_ =	sdelay $0x8  }
0x534: {  	s13 =	simm.s32 $0x10;
	v0 =	vpop (erf)  }
0x535: {  	s13 =	sand.u32 $0x1F0, s13;
	[tilespmem:s10+$0x0] =	vst v0  }
0x536: {  	s11 =	simm.s32 $0x17C10;
	s12 =	simm.s32 $0x20;
	v0 =	vld [tilespmem:s13+$0x17E00]  }
.LBB2_20:
0x537: {  	p0 =	sne.s32 s12, $0x1F0;
	v1 =	vld [tilespmem:s11+$0x0];
	_ =	sdelay $0x1  }
0x538: {  	v2 =	vld [tilespmem:s13+$0x18000];
	_ =	sdelay $0x1  }
0x539: {  	v3 =	vld [tilespmem:s13+$0x18200]  }
0x53a: {  	v0 =	vadd.f32 v0, v1  }
0x53b: {  	v1 =	vld [tilespmem:s13+$0x18400]  }
0x53c: {  	v0 =	vadd.f32 v2, v0  }
0x53d: {  	v2 =	vld [tilespmem:s13+$0x18600]  }
0x53e: {  	v0 =	vadd.f32 v3, v0  }
0x53f: {  	v3 =	vld [tilespmem:s13+$0x18800]  }
0x540: {  	v0 =	vadd.f32 v1, v0  }
0x541: {  	v1 =	vld [tilespmem:s13+$0x18A00]  }
0x542: {  	v0 =	vadd.f32 v2, v0  }
0x543: {  	v2 =	vld [tilespmem:s13+$0x18C00]  }
0x544: {  	v0 =	vadd.f32 v3, v0  }
0x545: {  	v3 =	vld [tilespmem:s13+$0x18E00]  }
0x546: {  	s10 =	sadd.s32 $0x10, s10;
	v0 =	vadd.f32 v1, v0  }
0x547: {  	v1 =	vld [tilespmem:s10+$0x0]  }
0x548: {  	v0 =	vadd.f32 v2, v0;
	_ =	sdelay $0x1  }
0x549: {  	v0 =	vadd.f32 v3, v0;
	_ =	sdelay $0x1  }
0x54a: {  	v0 =	vadd.f32 v0, v1;
	_ =	sdelay $0x1  }
0x54b: {  	v0 =	vsub.f32 $0.0e+00, v0;
	_ =	sdelay $0x1  }
0x54c: {  	v0 =	vmul.f32 $1.442695020e+00, v0;
	_ =	sdelay $0x1  }
0x54d: {  	(erf) = vpow2.f32 v0;
	_ =	sdelay $0x8  }
0x54e: {  	v0 =	vpop (erf)  }
0x54f: {  	v0 =	vadd.f32 $1.000000000e+00, v0;
	_ =	sdelay $0x1  }
0x550: {  	(erf) = vrcp.f32 v0;
	_ =	sdelay $0x6  }
.Ltmp9:
0x551: {  	(pc) =	sbr.rel @p0 .LBB2_20-.Ltmp9, $4  }
0x552: {  	_ = 	snop  }
0x553: {  	v0 =	vpop (erf)  }
0x554: {  	s13 =	sand.u32 $0x1F0, s12;
	[tilespmem:s10+$0x0] =	vst v0  }
0x555: {  	s11 =	sadd.s32 $0x10, s11;
	s12 =	sadd.s32 $0x10, s12;
	v0 =	vld [tilespmem:s13+$0x17E00]  }
0x556: {  	v1 =	vld [tilespmem:s11+$0x0];
	_ =	sdelay $0x1  }
0x557: {  	v2 =	vld [tilespmem:s13+$0x18000];
	_ =	sdelay $0x1  }
0x558: {  	v3 =	vld [tilespmem:s13+$0x18200]  }
0x559: {  	v0 =	vadd.f32 v0, v1  }
0x55a: {  	v57 =	vld [tilespmem:s13+$0x18400]  }
0x55b: {  	v0 =	vadd.f32 v2, v0  }
0x55c: {  	v58 =	vld [tilespmem:s13+$0x18600]  }
0x55d: {  	v0 =	vadd.f32 v3, v0  }
0x55e: {  	v59 =	vld [tilespmem:s13+$0x18800]  }
0x55f: {  	v0 =	vadd.f32 v57, v0  }
0x560: {  	v60 =	vld [tilespmem:s13+$0x18A00]  }
0x561: {  	v0 =	vadd.f32 v58, v0  }
0x562: {  	v61 =	vld [tilespmem:s13+$0x18C00]  }
0x563: {  	v0 =	vadd.f32 v59, v0  }
0x564: {  	v62 =	vld [tilespmem:s13+$0x18E00]  }
0x565: {  	s10 =	sadd.s32 $0x10, s10;
	v0 =	vadd.f32 v60, v0  }
0x566: {  	v63 =	vld [tilespmem:s10+$0x0]  }
0x567: {  	v0 =	vadd.f32 v61, v0;
	_ =	sdelay $0x1  }
0x568: {  	v0 =	vadd.f32 v62, v0;
	_ =	sdelay $0x1  }
0x569: {  	v0 =	vadd.f32 v0, v63;
	_ =	sdelay $0x1  }
0x56a: {  	v0 =	vsub.f32 $0.0e+00, v0;
	_ =	sdelay $0x1  }
0x56b: {  	v0 =	vmul.f32 $1.442695020e+00, v0;
	_ =	sdelay $0x1  }
0x56c: {  	(erf) = vpow2.f32 v0;
	_ =	sdelay $0x8  }
0x56d: {  	v0 =	vpop (erf)  }
0x56e: {  	v0 =	vadd.f32 $1.000000000e+00, v0;
	_ =	sdelay $0x1  }
0x56f: {  	(erf) = vrcp.f32 v0;
	_ =	sdelay $0x8  }
0x570: {  	v0 =	vpop (erf)  }
0x571: {  	s12 =	rddreg [dreg:$0x6];
	[tilespmem:s10+$0x0] =	vst v0  }
0x572: {  	[hbm4b:s12+s3] =	stream.linear.scatter [tilespmem:s7], [sflag:$0x3], $0x200, $0x38;
	[tilespmem:$0x19200] =	vst v63  }
0x573: {  	_ =	swait.ge [sflag:s8], $0x200  }
0x574: {  	s9 =	sadd.s32 $0x1, s9;
	s13 =	rddreg [dreg:$0x7]  }
0x575: {  	p0 =	sne.s32 s9, s13  }
.Ltmp10:
0x576: {  	_ = 	snop;
	(pc) =	sbr.rel @p0 .LBB2_1-.Ltmp10, $3  }
0x577: {  	_ =	sdelay $0x1  }
0x578: {  	[sflag:s8] =	ssyncset.done $0x0  }
0x579: {  	[sflag:s8] =	ssyncadd.s32 $0xFFFFFE00  }
0x57a: {  	_ =	sfence.sel $0x180000  }
0x57b: {  	[bflag:$0x0] =	sbarrier.arrive $0xFFFF  }
0x57c: {  	_ =	strace $0x90000047  }
0x57d: {  	s0 =	stileid.u32;
	[bflag:$0x2] =	sbarrier.arrive $0xFFFF  }
0x57e: {  	p0 =	sne.s32 s0, $0x0;
	s0 =	rddreg [dreg:$0x3]  }
0x57f: {  	s0 =	sadd.s32 @!p0 $0x100000, s0  }
0x580: {  	[sflag:s0] =	ssyncadd.tile.s32 @!p0 $0x1;
	_ =	shalt  }
.Lfunc_end2:
_tile_overlayer_lowered:
.L_overlay_start_2:
0x581: {  	(tag) =	ssettag $0x2  }
0x582: {  	s0 =	rddreg [dreg:$0x0];
	s2 =	stileid.u32  }
0x583: {  	s1 =	rddreg [dreg:$0x1];
	p0 =	sne.s32 s2, $0x0  }
0x584: {  	s3 =	rddreg [dreg:$0x2];
	[bflag:$0x3] =	sbarrier.arrive $0xFFFF;
	s2 =	simm.s32 @!p0 $0x1C03  }
0x585: {  	[timem:s3], [sflag:s2] =	dma.local @!p0 [hbm:s0], s1  }
0x586: {  	s0 =	simm.s32 @!p0 $0x3  }
0x587: {  	_ =	swait.ge @!p0 [sflag:s0], s1  }
0x588: {  	s1 =	ssub.s32 @!p0 $0x0, s1;
	[sflag:s0] =	ssyncset.done @!p0 $0x0  }
0x589: {  	[sflag:s0] =	ssyncadd.s32 @!p0 s1  }
0x58a: {  	[bflag:$0x3] =	sbarrier.arrive $0xFFFF  }
0x58b: {  	_ =	shalt  }

</sc_bundles>
